<compile_context>
chip_gen: v7x
topology: tpu7x:2x2x1
jax: 0.10.2.dev20260603
libtpu: 0.0.44.dev20260713+nightly
codegen_flags: <defaults>
</compile_context>

<pallas_src>
import functools

import jax
import jax.numpy as jnp
from jax import lax
from jax.experimental import pallas as pl
from jax.experimental.pallas import tpu as pltpu
from jax.experimental.pallas import tpu_sc as plsc

_RADIUS2 = 1.0
_K = 32
_N_REF = 30000
_N_QUERY = 30000
_NW = 32
_CHUNK = 944
_N_PAD = _NW * _CHUNK
_NCELL = 4000
_NCELL_PAD = 4016
_SORT_PAD = _N_PAD + 128
_GROUPS = _CHUNK // 16

_INF = float("inf")


def _mesh():
  return plsc.VectorSubcoreMesh(
      core_axis_name="c", subcore_axis_name="s", num_cores=2, num_subcores=16)


def _wid():
  return lax.axis_index("s") * 2 + lax.axis_index("c")


def _cell_of(rb, rx, ry, rz, valid):
  bi = rb.astype(jnp.int32)
  fx = jnp.clip(rx.astype(jnp.int32), 0, 9)
  fy = jnp.clip(ry.astype(jnp.int32), 0, 9)
  fz = jnp.clip(rz.astype(jnp.int32), 0, 9)
  cell = ((bi * 10 + fx) * 10 + fy) * 10 + fz
  return jnp.where(valid, cell, _NCELL)


def _hist_body(ref_hbm, cells_hbm, hist_hbm, refs_v, hist_v, cells_v):
  wid = _wid()
  base = wid * _CHUNK
  pltpu.sync_copy(ref_hbm.at[pl.ds(base * 4, _CHUNK * 4)],
                  refs_v.at[pl.ds(0, _CHUNK * 4)])
  lanes = lax.iota(jnp.int32, 16)
  zeros = jnp.zeros((16,), jnp.int32)
  ones = jnp.ones((16,), jnp.int32)

  def zero_hist(g, _):
    hist_v[pl.ds(g * 16, 16)] = zeros
    return 0
  lax.fori_loop(0, _NCELL_PAD // 16, zero_hist, 0)

  def per_group(g, _):
    flat = (g * 16 + lanes) * 4
    rb = plsc.load_gather(refs_v, [flat])
    rx = plsc.load_gather(refs_v, [flat + 1])
    ry = plsc.load_gather(refs_v, [flat + 2])
    rz = plsc.load_gather(refs_v, [flat + 3])
    valid = (base + g * 16 + lanes) < _N_REF
    cell = _cell_of(rb, rx, ry, rz, valid)
    cells_v[pl.ds(g * 16, 16)] = cell
    return 0
  lax.fori_loop(0, _GROUPS, per_group, 0)

  def per_elem(i, _):
    c = cells_v[pl.ds(i, 16)][0]
    v = hist_v[pl.ds(c, 16)]
    hist_v[pl.ds(c, 16)] = v + jnp.where(lanes == 0, 1, 0)
    return 0
  lax.fori_loop(0, _CHUNK, per_elem, 0)

  pltpu.sync_copy(cells_v.at[pl.ds(0, _CHUNK)], cells_hbm.at[pl.ds(base, _CHUNK)])
  pltpu.sync_copy(hist_v.at[pl.ds(0, _NCELL_PAD)],
                  hist_hbm.at[pl.ds(wid * _NCELL_PAD, _NCELL_PAD)])


def _scatter_body(ref_hbm, cells_hbm, hist_hbm,
                  sx_hbm, sy_hbm, sz_hbm, si_hbm, start_hbm,
                  refs_v, cells_v, tmp_v, pfx_v, tot_v, start_v,
                  stgx_v, stgy_v, stgz_v, stgi_v, dest_v, dest2_v, sem):
  wid = _wid()
  base = wid * _CHUNK
  pltpu.sync_copy(ref_hbm.at[pl.ds(base * 4, _CHUNK * 4)],
                  refs_v.at[pl.ds(0, _CHUNK * 4)])
  pltpu.sync_copy(cells_hbm.at[pl.ds(base, _CHUNK)],
                  cells_v.at[pl.ds(0, _CHUNK)])
  lanes = lax.iota(jnp.int32, 16)
  zeros = jnp.zeros((16,), jnp.int32)
  ngrp = _NCELL_PAD // 16

  def zero2(g, _):
    pfx_v[pl.ds(g * 16, 16)] = zeros
    tot_v[pl.ds(g * 16, 16)] = zeros
    return 0
  lax.fori_loop(0, ngrp, zero2, 0)

  def per_worker(t, _):
    pltpu.sync_copy(hist_hbm.at[pl.ds(t * _NCELL_PAD, _NCELL_PAD)], tmp_v)

    def acc(g, _):
      h = tmp_v[pl.ds(g * 16, 16)]
      tot_v[pl.ds(g * 16, 16)] = tot_v[pl.ds(g * 16, 16)] + h

      @pl.when(t < wid)
      def _():
        pfx_v[pl.ds(g * 16, 16)] = pfx_v[pl.ds(g * 16, 16)] + h
      return 0
    lax.fori_loop(0, ngrp, acc, 0)
    return 0
  lax.fori_loop(0, _NW, per_worker, 0)

  def scan(g, carry):
    v = tot_v[pl.ds(g * 16, 16)]
    s = plsc.cumsum(v)
    excl = s - v + carry
    start_v[pl.ds(g * 16, 16)] = excl
    pfx_v[pl.ds(g * 16, 16)] = pfx_v[pl.ds(g * 16, 16)] + excl
    return carry + s[15]
  lax.fori_loop(0, ngrp, scan, jnp.int32(0))

  @pl.when(wid == 0)
  def _():
    pltpu.sync_copy(start_v.at[pl.ds(0, _NCELL_PAD)],
                    start_hbm.at[pl.ds(0, _NCELL_PAD)])

  def dflt(g, _):
    dest_v[pl.ds(g * 16, 16)] = _N_PAD + ((g * 16 + lanes) % 128)
    return 0
  lax.fori_loop(0, 1024 // 16, dflt, 0)

  def per_elem(i, _):
    c = cells_v[pl.ds(i, 16)][0]
    v = pfx_v[pl.ds(c, 16)]
    d = v[0]
    pfx_v[pl.ds(c, 16)] = v + jnp.where(lanes == 0, 1, 0)
    dv = dest_v[pl.ds(i, 16)]
    dest_v[pl.ds(i, 16)] = jnp.where(lanes == 0, d, dv)
    return 0
  lax.fori_loop(0, _CHUNK, per_elem, 0)

  def stage(g, _):
    flat = (g * 16 + lanes) * 4
    rows = g * 16 + lanes
    sl = pl.ds(g * 16, 16)
    rb = plsc.load_gather(refs_v, [flat])
    stgx_v[sl] = plsc.load_gather(refs_v, [flat + 1])
    stgy_v[sl] = plsc.load_gather(refs_v, [flat + 2])
    stgz_v[sl] = plsc.load_gather(refs_v, [flat + 3])
    stgi_v[sl] = (base + rows) | (rb.astype(jnp.int32) << 20)
    return 0
  lax.fori_loop(0, _GROUPS, stage, 0)

  def repack(k, _):
    j = k // 8
    g = k % 8
    dest2_v[j, pl.ds(g * 16, 16)] = dest_v[pl.ds(j * 128 + g * 16, 16)]
    return 0
  lax.fori_loop(0, 64, repack, 0)

  for j in range(8):
    sl = pl.ds(j * 128, 128)
    idx = dest2_v.at[j]
    pltpu.async_copy(stgx_v.at[sl], sx_hbm.at[idx], sem).wait()
    pltpu.async_copy(stgy_v.at[sl], sy_hbm.at[idx], sem).wait()
    pltpu.async_copy(stgz_v.at[sl], sz_hbm.at[idx], sem).wait()
    pltpu.async_copy(stgi_v.at[sl], si_hbm.at[idx], sem).wait()


def _merge_top32(a0d, a0i, a1d, a1i, pd, pi):
  rpd = lax.rev(pd, (0,))
  rpi = lax.rev(pi, (0,))
  m = a1d <= rpd
  ld = jnp.where(m, a1d, rpd)
  li = jnp.where(m, a1i, rpi)
  ld, li = plsc.sort_key_val(ld, li)
  rld = lax.rev(ld, (0,))
  rli = lax.rev(li, (0,))
  m2 = a0d <= rld
  b0d = jnp.where(m2, a0d, rld)
  b0i = jnp.where(m2, a0i, rli)
  b1d = jnp.where(m2, rld, a0d)
  b1i = jnp.where(m2, rli, a0i)
  b0d, b0i = plsc.sort_key_val(b0d, b0i)
  b1d, b1i = plsc.sort_key_val(b1d, b1i)
  return b0d, b0i, b1d, b1i


_CAP = 416
_NSG = _SORT_PAD // 16


def _query_body(sx_hbm, sy_hbm, sz_hbm, si_hbm, start_hbm, q_hbm, out_hbm,
                sx_v, sy_v, sz_v, si_v, start_v, q_v, row_v, pend_d, pend_i):
  wid = _wid()
  qbase = wid * _CHUNK
  pltpu.sync_copy(sx_hbm, sx_v.at[pl.ds(0, _SORT_PAD)])
  pltpu.sync_copy(sy_hbm, sy_v.at[pl.ds(0, _SORT_PAD)])
  pltpu.sync_copy(sz_hbm, sz_v.at[pl.ds(0, _SORT_PAD)])
  pltpu.sync_copy(si_hbm, si_v.at[pl.ds(0, _SORT_PAD)])
  pltpu.sync_copy(start_hbm.at[pl.ds(0, _NCELL_PAD)],
                  start_v.at[pl.ds(0, _NCELL_PAD)])
  pltpu.sync_copy(q_hbm.at[pl.ds(qbase * 4, _CHUNK * 4)],
                  q_v.at[pl.ds(0, _CHUNK * 4)])
  lanes = lax.iota(jnp.int32, 16)
  inf16 = jnp.full((16,), _INF, jnp.float32)
  neg16 = jnp.full((16,), -1, jnp.int32)

  def per_query(j, _):
    qvec = q_v[pl.ds(j * 4, 16)]
    qivec = jnp.clip(qvec.astype(jnp.int32), 0, 9)
    qb = qivec[0]
    qx = qvec[1]
    qy = qvec[2]
    qz = qvec[3]
    fx = qivec[1]
    fy = qivec[2]
    fz = qivec[3]
    z0 = jnp.maximum(fz - 1, 0)
    z1 = jnp.minimum(fz + 1, 9)

    def per_seg(t, cnt):
      dx = t // 3 - 1
      dy = t % 3 - 1
      cx = fx + dx
      cy = fy + dy
      ok = (cx >= 0) & (cx <= 9) & (cy >= 0) & (cy <= 9)
      cbase = ((qb * 10 + cx) * 10 + cy) * 10
      cb = jnp.clip(cbase, 0, _NCELL - 10)
      zl = lanes * 0
      s = plsc.load_gather(start_v, [zl + (cb + z0)])[0]
      e = plsc.load_gather(start_v, [zl + (cb + z1 + 1)])[0]
      e = jnp.where(ok, e, s)
      ng = (e - s + 15) // 16

      def per_group(g, cnt):
        p = s + g * 16
        rows = p + lanes
        rx = plsc.load_gather(sx_v, [rows])
        ry = plsc.load_gather(sy_v, [rows])
        rz = plsc.load_gather(sz_v, [rows])
        ridx = plsc.load_gather(si_v, [rows])
        ddx = rx - qx
        ddy = ry - qy
        ddz = rz - qz
        d2 = ddx * ddx + ddy * ddy + ddz * ddz
        m = ((p + lanes) < e) & (d2 <= _RADIUS2)
        cw = jnp.minimum(cnt, _CAP - 16)
        plsc.store_compressed(pend_d.at[pl.ds(cw, 16)], d2, mask=m)
        plsc.store_compressed(pend_i.at[pl.ds(cw, 16)], ridx, mask=m)
        return cnt + plsc.all_reduce_population_count(m)[0]

      return lax.fori_loop(0, ng, per_group, cnt)

    cnt = lax.fori_loop(0, 9, per_seg, jnp.int32(0))
    a_init = (inf16, neg16, inf16, neg16)

    def fast_path(args):
      def mg(gg, A):
        a0d, a0i, a1d, a1i = A
        base = gg * 16

        def do(A):
          a0d, a0i, a1d, a1i = A
          pd = pend_d[pl.ds(base, 16)]
          pi = pend_i[pl.ds(base, 16)]
          pd = jnp.where((base + lanes) < cnt, pd, _INF)
          pd, pi = plsc.sort_key_val(pd, pi)
          return _merge_top32(a0d, a0i, a1d, a1i, pd, pi)

        return lax.cond(base < cnt, do, lambda A: A, A)

      return lax.fori_loop(0, _CAP // 16, mg, args)

    def slow_path(args):
      def sg(gg, A):
        a0d, a0i, a1d, a1i = A
        p = gg * 16
        sl = pl.ds(p, 16)
        rx = sx_v[sl]
        ry = sy_v[sl]
        rz = sz_v[sl]
        ridx = si_v[sl]
        ddx = rx - qx
        ddy = ry - qy
        ddz = rz - qz
        d2 = ddx * ddx + ddy * ddy + ddz * ddz
        idx = ridx & 0xFFFFF
        bt = ridx >> 20
        m = ((d2 <= _RADIUS2) & (bt == qb) & (idx < _N_REF)
             & ((p + lanes) < _N_PAD))

        def do(A):
          a0d, a0i, a1d, a1i = A
          pd = jnp.where(m, d2, _INF)
          pd, pi = plsc.sort_key_val(pd, ridx)
          return _merge_top32(a0d, a0i, a1d, a1i, pd, pi)

        return lax.cond(jnp.any(m), do, lambda A: A, A)

      return lax.fori_loop(0, _NSG, sg, (inf16, neg16, inf16, neg16))

    a0d, a0i, a1d, a1i = lax.cond(cnt <= _CAP - 16, fast_path, slow_path,
                                  a_init)

    o0 = jnp.where(a0d <= _RADIUS2, a0i & 0xFFFFF, -1)
    o1 = jnp.where(a1d <= _RADIUS2, a1i & 0xFFFFF, -1)
    row_v[0:16] = o0
    row_v[16:32] = o1
    pltpu.sync_copy(row_v, out_hbm.at[pl.ds((qbase + j) * _K, _K)])
    return 0

  lax.fori_loop(0, _CHUNK, per_query, 0)


def kernel(ref_bxyz, query_bxyz):
  ref_pad = jnp.pad(ref_bxyz, ((0, _N_PAD - _N_REF), (0, 0)))
  q_pad = jnp.pad(query_bxyz, ((0, _N_PAD - _N_QUERY), (0, 0)))
  mesh = _mesh()
  cp = pltpu.CompilerParams(needs_layout_passes=False)

  cells, hist = pl.kernel(
      _hist_body,
      out_type=(jax.ShapeDtypeStruct((_N_PAD,), jnp.int32),
                jax.ShapeDtypeStruct((_NW * _NCELL_PAD,), jnp.int32)),
      mesh=mesh,
      compiler_params=cp,
      scratch_types=[
          pltpu.VMEM((_CHUNK * 4 + 16,), jnp.float32),
          pltpu.VMEM((_NCELL_PAD + 16,), jnp.int32),
          pltpu.VMEM((_CHUNK + 16,), jnp.int32),
      ],
  )(ref_pad.reshape(-1))

  sx, sy, sz, si, start = pl.kernel(
      _scatter_body,
      out_type=(jax.ShapeDtypeStruct((_SORT_PAD,), jnp.float32),
                jax.ShapeDtypeStruct((_SORT_PAD,), jnp.float32),
                jax.ShapeDtypeStruct((_SORT_PAD,), jnp.float32),
                jax.ShapeDtypeStruct((_SORT_PAD,), jnp.int32),
                jax.ShapeDtypeStruct((_NCELL_PAD * 8,), jnp.int32)),
      mesh=mesh,
      compiler_params=cp,
      scratch_types=[
          pltpu.VMEM((_CHUNK * 4 + 16,), jnp.float32),
          pltpu.VMEM((_CHUNK + 16,), jnp.int32),
          pltpu.VMEM((_NCELL_PAD,), jnp.int32),
          pltpu.VMEM((_NCELL_PAD + 16,), jnp.int32),
          pltpu.VMEM((_NCELL_PAD + 16,), jnp.int32),
          pltpu.VMEM((_NCELL_PAD + 16,), jnp.int32),
          pltpu.VMEM((1024,), jnp.float32),
          pltpu.VMEM((1024,), jnp.float32),
          pltpu.VMEM((1024,), jnp.float32),
          pltpu.VMEM((1024,), jnp.int32),
          pltpu.VMEM((1024 + 16,), jnp.int32),
          pltpu.VMEM((8, 128), jnp.int32),
          pltpu.SemaphoreType.DMA,
      ],
  )(ref_pad.reshape(-1), cells, hist)

  nbr = pl.kernel(
      _query_body,
      out_type=jax.ShapeDtypeStruct((_N_PAD * _K,), jnp.int32),
      mesh=mesh,
      compiler_params=cp,
      scratch_types=[
          pltpu.VMEM((_SORT_PAD + 16,), jnp.float32),
          pltpu.VMEM((_SORT_PAD + 16,), jnp.float32),
          pltpu.VMEM((_SORT_PAD + 16,), jnp.float32),
          pltpu.VMEM((_SORT_PAD + 16,), jnp.int32),
          pltpu.VMEM((_NCELL_PAD + 16,), jnp.int32),
          pltpu.VMEM((_CHUNK * 4 + 16,), jnp.float32),
          pltpu.VMEM((_K,), jnp.int32),
          pltpu.VMEM((_CAP + 16,), jnp.float32),
          pltpu.VMEM((_CAP + 16,), jnp.int32),
      ],
  )(sx, sy, sz, si, start, q_pad.reshape(-1))

  ref_idx = nbr[: _N_QUERY * _K]
  q_idx = jnp.repeat(jnp.arange(_N_QUERY, dtype=jnp.int32), _K)
  return jnp.stack([ref_idx, q_idx])

# --- scband reference (transcript-rebuilt; emitter-appended) ---
"""Pipeline reference for scband-radius-graph-128849019529 (READ-ONLY COPY).

The authoritative reference and input builder live on the scoring server;
editing this copy changes nothing except your own understanding.
"""

import jax, jax.numpy as jnp
import numpy as np

RADIUS = 1.0
MAX_NUM_NEIGHBORS = 32
NUM_BATCH = 4
BOX = 10.0
N_REF = 30000
N_QUERY = 30000


def setup_inputs(seed: int = 0) -> dict:
    key = jax.random.key(seed)
    k1, k2, k3, k4 = jax.random.split(key, 4)
    b_ref = jnp.sort(jax.random.randint(k1, (N_REF,), 0, NUM_BATCH)).astype(jnp.float32)
    xyz_ref = jax.random.uniform(k2, (N_REF, 3), dtype=jnp.float32) * BOX
    ref_bxyz = jnp.concatenate([b_ref[:, None], xyz_ref], axis=1)
    b_q = jnp.sort(jax.random.randint(k3, (N_QUERY,), 0, NUM_BATCH)).astype(jnp.float32)
    xyz_q = jax.random.uniform(k4, (N_QUERY, 3), dtype=jnp.float32) * BOX
    query_bxyz = jnp.concatenate([b_q[:, None], xyz_q], axis=1)
    return {"ref_bxyz": ref_bxyz, "query_bxyz": query_bxyz}


def reference(ref_bxyz, query_bxyz):
    """Radius-graph: for each query point, up to K ref points within RADIUS
    in the same batch (column 0 is the batch index). Returns edges [2, M*K]
    as (ref_idx, query_idx); slots with no neighbor are marked ref_idx = -1.
    The CUDA kernel uses a voxel hash to prune candidates; the selected set
    here is the K nearest within the radius (equivalent semantics).
    """
    K = MAX_NUM_NEIGHBORS
    r2 = RADIUS * RADIUS
    b_ref = ref_bxyz[:, 0]
    p_ref = ref_bxyz[:, 1:4]
    M = query_bxyz.shape[0]
    chunk = 1000
    ref_idx_chunks = []
    for s in range(0, M, chunk):
        q = query_bxyz[s:s + chunk]
        d2 = jnp.sum((q[:, None, 1:4] - p_ref[None, :, :]) ** 2, axis=-1)
        mask = (q[:, 0:1] == b_ref[None, :]) & (d2 <= r2)
        d2m = jnp.where(mask, d2, jnp.inf)
        negv, idx = jax.lax.top_k(-d2m, K)
        valid = jnp.isfinite(negv)
        ref_idx_chunks.append(jnp.where(valid, idx, -1))
    ref_idx = jnp.concatenate(ref_idx_chunks, axis=0).reshape(-1)
    q_idx = jnp.repeat(jnp.arange(M, dtype=jnp.int32), K)
    edges = jnp.stack([ref_idx.astype(jnp.int32), q_idx])
    return edges

if __name__ == "__main__":
    import jax
    _d = setup_inputs()
    print(jax.jit(kernel)(*tuple(_d.values())))

</pallas_src>

<mosaic_0001>
#map = affine_map<(d0, d1) -> (0)>
module attributes {stable_mosaic.version = 14 : i64} {
  func.func @_scatter_body(%arg0: i32, %arg1: i32, %arg2: memref<120832xf32, #tpu.memory_space<hbm>>, %arg3: memref<30208xi32, #tpu.memory_space<hbm>>, %arg4: memref<128512xi32, #tpu.memory_space<hbm>>, %arg5: memref<30336xf32, #tpu.memory_space<hbm>>, %arg6: memref<30336xf32, #tpu.memory_space<hbm>>, %arg7: memref<30336xf32, #tpu.memory_space<hbm>>, %arg8: memref<30336xi32, #tpu.memory_space<hbm>>, %arg9: memref<32128xi32, #tpu.memory_space<hbm>>, %arg10: memref<3792xf32, #tpu.memory_space<vmem>>, %arg11: memref<960xi32, #tpu.memory_space<vmem>>, %arg12: memref<4016xi32, #tpu.memory_space<vmem>>, %arg13: memref<4032xi32, #tpu.memory_space<vmem>>, %arg14: memref<4032xi32, #tpu.memory_space<vmem>>, %arg15: memref<4032xi32, #tpu.memory_space<vmem>>, %arg16: memref<1024xf32, #tpu.memory_space<vmem>>, %arg17: memref<1024xf32, #tpu.memory_space<vmem>>, %arg18: memref<1024xf32, #tpu.memory_space<vmem>>, %arg19: memref<1024xi32, #tpu.memory_space<vmem>>, %arg20: memref<1040xi32, #tpu.memory_space<vmem>>, %arg21: memref<8x128xi32, #tpu.memory_space<vmem>>, %arg22: memref<!tpu.dma_semaphore, #tpu.memory_space<semaphore_mem>>) attributes {dimension_semantics = [#tpu.dimension_semantics<core_parallel>, #tpu.dimension_semantics<subcore_parallel>], iteration_bounds = array<i64: 2, 16>, scalar_prefetch = 0 : i64, scratch_operands = 13 : i64, tpu.core_type = #tpu.core_type<sc_vector_subcore>, window_params = [{transform_indices = #map}, {transform_indices = #map}, {transform_indices = #map}, {transform_indices = #map}, {transform_indices = #map}, {transform_indices = #map}, {transform_indices = #map}, {transform_indices = #map}]} {
    %mul3A = arith.constant 2 : i32
    %mul3A_0 = arith.muli %arg1, %mul3A : i32
    %add3A = arith.addi %mul3A_0, %arg0 : i32
    %mul3A_1 = arith.constant 944 : i32
    %mul3A_2 = arith.muli %add3A, %mul3A_1 : i32
    %mul3A_3 = arith.constant 4 : i32
    %mul3A_4 = arith.muli %mul3A_2, %mul3A_3 : i32
    "tpu.region"() ({
      %run_scoped3A = tpu.sem_alloc : memref<!tpu.dma_semaphore, #tpu.memory_space<semaphore_mem>>
      %dma_start3A_566 = arith.constant 0 : i32
      %dma_start3A_567 = tpu.memref_slice %arg10[%dma_start3A_566] : memref<3792xf32, #tpu.memory_space<vmem>> -> memref<3776xf32, #tpu.memory_space<vmem>>
      %dma_start3A_568 = tpu.memref_slice %arg2[%mul3A_4] : memref<120832xf32, #tpu.memory_space<hbm>> -> memref<3776xf32, #tpu.memory_space<hbm>>
      %dma_start3A_569 = arith.constant 0 : i32
      %dma_start3A_570 = tpu.memref_slice %arg10[%dma_start3A_569] : memref<3792xf32, #tpu.memory_space<vmem>> -> memref<3776xf32, #tpu.memory_space<vmem>>
      %dma_start3A_571 = tpu.memref_slice %arg2[%mul3A_4] : memref<120832xf32, #tpu.memory_space<hbm>> -> memref<3776xf32, #tpu.memory_space<hbm>>
      tpu.enqueue_dma source(%dma_start3A_571 : memref<3776xf32, #tpu.memory_space<hbm>>) target(%dma_start3A_570 : memref<3776xf32, #tpu.memory_space<vmem>>) target_semaphore(%run_scoped3A : memref<!tpu.dma_semaphore, #tpu.memory_space<semaphore_mem>>)
      %dma_wait3A_572 = arith.constant 0 : i32
      %dma_wait3A_573 = tpu.memref_slice %arg10[%dma_wait3A_572] : memref<3792xf32, #tpu.memory_space<vmem>> -> memref<3776xf32, #tpu.memory_space<vmem>>
      %dma_wait3A_574 = tpu.memref_slice %arg2[%mul3A_4] : memref<120832xf32, #tpu.memory_space<hbm>> -> memref<3776xf32, #tpu.memory_space<hbm>>
      %dma_wait3A_575 = arith.constant 0 : i32
      %dma_wait3A_576 = tpu.memref_slice %arg10[%dma_wait3A_575] : memref<3792xf32, #tpu.memory_space<vmem>> -> memref<3776xf32, #tpu.memory_space<vmem>>
      %dma_wait3A_577 = tpu.memref_slice %arg2[%mul3A_4] : memref<120832xf32, #tpu.memory_space<hbm>> -> memref<3776xf32, #tpu.memory_space<hbm>>
      tpu.wait_dma2 semaphore(%run_scoped3A : memref<!tpu.dma_semaphore, #tpu.memory_space<semaphore_mem>>) src(%dma_wait3A_577 : memref<3776xf32, #tpu.memory_space<hbm>>) dst(%dma_wait3A_576 : memref<3776xf32, #tpu.memory_space<vmem>>)
      tpu.yield
    }) : () -> ()
    "tpu.region"() ({
      %run_scoped3A = tpu.sem_alloc : memref<!tpu.dma_semaphore, #tpu.memory_space<semaphore_mem>>
      %dma_start3A_566 = arith.constant 0 : i32
      %dma_start3A_567 = tpu.memref_slice %arg11[%dma_start3A_566] : memref<960xi32, #tpu.memory_space<vmem>> -> memref<944xi32, #tpu.memory_space<vmem>>
      %dma_start3A_568 = tpu.memref_slice %arg3[%mul3A_2] : memref<30208xi32, #tpu.memory_space<hbm>> -> memref<944xi32, #tpu.memory_space<hbm>>
      %dma_start3A_569 = arith.constant 0 : i32
      %dma_start3A_570 = tpu.memref_slice %arg11[%dma_start3A_569] : memref<960xi32, #tpu.memory_space<vmem>> -> memref<944xi32, #tpu.memory_space<vmem>>
      %dma_start3A_571 = tpu.memref_slice %arg3[%mul3A_2] : memref<30208xi32, #tpu.memory_space<hbm>> -> memref<944xi32, #tpu.memory_space<hbm>>
      tpu.enqueue_dma source(%dma_start3A_571 : memref<944xi32, #tpu.memory_space<hbm>>) target(%dma_start3A_570 : memref<944xi32, #tpu.memory_space<vmem>>) target_semaphore(%run_scoped3A : memref<!tpu.dma_semaphore, #tpu.memory_space<semaphore_mem>>)
      %dma_wait3A_572 = arith.constant 0 : i32
      %dma_wait3A_573 = tpu.memref_slice %arg11[%dma_wait3A_572] : memref<960xi32, #tpu.memory_space<vmem>> -> memref<944xi32, #tpu.memory_space<vmem>>
      %dma_wait3A_574 = tpu.memref_slice %arg3[%mul3A_2] : memref<30208xi32, #tpu.memory_space<hbm>> -> memref<944xi32, #tpu.memory_space<hbm>>
      %dma_wait3A_575 = arith.constant 0 : i32
      %dma_wait3A_576 = tpu.memref_slice %arg11[%dma_wait3A_575] : memref<960xi32, #tpu.memory_space<vmem>> -> memref<944xi32, #tpu.memory_space<vmem>>
      %dma_wait3A_577 = tpu.memref_slice %arg3[%mul3A_2] : memref<30208xi32, #tpu.memory_space<hbm>> -> memref<944xi32, #tpu.memory_space<hbm>>
      tpu.wait_dma2 semaphore(%run_scoped3A : memref<!tpu.dma_semaphore, #tpu.memory_space<semaphore_mem>>) src(%dma_wait3A_577 : memref<944xi32, #tpu.memory_space<hbm>>) dst(%dma_wait3A_576 : memref<944xi32, #tpu.memory_space<vmem>>)
      tpu.yield
    }) : () -> ()
    %iota3A = tpu.iota {dimensions = array<i32: 0>} : vector<16xi32>
    %broadcast_in_dim3A = arith.constant 0 : i32
    %broadcast_in_dim3A_5 = vector.broadcast %broadcast_in_dim3A : i32 to vector<16xi32>
    %scan3A = arith.constant 0 : i32
    %scan3A_6 = arith.constant 0 : i32
    %scan3A_7 = arith.constant 251 : i32
    %scan3A_8 = arith.addi %scan3A_6, %scan3A_7 : i32
    %scan3A_9 = arith.constant 1 : i32
    %scan3A_10 = scf.for %scan3A_566 = %scan3A_6 to %scan3A_8 step %scan3A_9 iter_args(%scan3A_567 = %scan3A) -> (i32)  : i32 {
      %mul3A_568 = arith.constant 16 : i32
      %mul3A_569 = arith.muli %scan3A_566, %mul3A_568 : i32
      %swap3A = arith.index_cast %mul3A_569 : i32 to index
      %swap3A_570 = tpu.vector_load %arg13[%swap3A] {strides = array<i32>} : memref<4032xi32, #tpu.memory_space<vmem>>, vector<16xi32>,
      tpu.vector_store %arg13[%swap3A], %broadcast_in_dim3A_5 {strides = array<i32>} : memref<4032xi32, #tpu.memory_space<vmem>>, vector<16xi32>,
      %mul3A_571 = arith.constant 16 : i32
      %mul3A_572 = arith.muli %scan3A_566, %mul3A_571 : i32
      %swap3A_573 = arith.index_cast %mul3A_572 : i32 to index
      %swap3A_574 = tpu.vector_load %arg14[%swap3A_573] {strides = array<i32>} : memref<4032xi32, #tpu.memory_space<vmem>>, vector<16xi32>,
      tpu.vector_store %arg14[%swap3A_573], %broadcast_in_dim3A_5 {strides = array<i32>} : memref<4032xi32, #tpu.memory_space<vmem>>, vector<16xi32>,
      %scan3A_575 = arith.constant 0 : i32
      scf.yield %scan3A_575 : i32
    }
    %scan3A_11 = arith.constant 251 : i32
    %scan3A_12 = arith.constant 0 : i32
    %scan3A_13 = arith.constant 0 : i32
    %scan3A_14 = arith.constant 32 : i32
    %scan3A_15 = arith.addi %scan3A_13, %scan3A_14 : i32
    %scan3A_16 = arith.constant 1 : i32
    %scan3A_17 = scf.for %scan3A_566 = %scan3A_13 to %scan3A_15 step %scan3A_16 iter_args(%scan3A_567 = %scan3A_12) -> (i32)  : i32 {
      %mul3A_568 = arith.constant 4016 : i32
      %mul3A_569 = arith.muli %scan3A_566, %mul3A_568 : i32
      "tpu.region"() ({
        %run_scoped3A = tpu.sem_alloc : memref<!tpu.dma_semaphore, #tpu.memory_space<semaphore_mem>>
        %dma_start3A_578 = tpu.memref_slice %arg4[%mul3A_569] : memref<128512xi32, #tpu.memory_space<hbm>> -> memref<4016xi32, #tpu.memory_space<hbm>>
        %dma_start3A_579 = tpu.memref_slice %arg4[%mul3A_569] : memref<128512xi32, #tpu.memory_space<hbm>> -> memref<4016xi32, #tpu.memory_space<hbm>>
        tpu.enqueue_dma source(%dma_start3A_579 : memref<4016xi32, #tpu.memory_space<hbm>>) target(%arg12 : memref<4016xi32, #tpu.memory_space<vmem>>) target_semaphore(%run_scoped3A : memref<!tpu.dma_semaphore, #tpu.memory_space<semaphore_mem>>)
        %dma_wait3A_580 = tpu.memref_slice %arg4[%mul3A_569] : memref<128512xi32, #tpu.memory_space<hbm>> -> memref<4016xi32, #tpu.memory_space<hbm>>
        %dma_wait3A_581 = tpu.memref_slice %arg4[%mul3A_569] : memref<128512xi32, #tpu.memory_space<hbm>> -> memref<4016xi32, #tpu.memory_space<hbm>>
        tpu.wait_dma2 semaphore(%run_scoped3A : memref<!tpu.dma_semaphore, #tpu.memory_space<semaphore_mem>>) src(%dma_wait3A_581 : memref<4016xi32, #tpu.memory_space<hbm>>) dst(%arg12 : memref<4016xi32, #tpu.memory_space<vmem>>)
        tpu.yield
      }) : () -> ()
      %scan3A_570 = arith.constant 0 : i32
      %scan3A_571 = arith.constant 0 : i32
      %scan3A_572 = arith.constant 251 : i32
      %scan3A_573 = arith.addi %scan3A_571, %scan3A_572 : i32
      %scan3A_574 = arith.constant 1 : i32
      %scan3A_575 = scf.for %scan3A_578 = %scan3A_571 to %scan3A_573 step %scan3A_574 iter_args(%scan3A_579 = %scan3A_570) -> (i32)  : i32 {
        %mul3A_580 = arith.constant 16 : i32
        %mul3A_581 = arith.muli %scan3A_578, %mul3A_580 : i32
        %get3A = arith.index_cast %mul3A_581 : i32 to index
        %get3A_582 = tpu.vector_load %arg12[%get3A] {strides = array<i32>} : memref<4016xi32, #tpu.memory_space<vmem>>, vector<16xi32>,
        %mul3A_583 = arith.constant 16 : i32
        %mul3A_584 = arith.muli %scan3A_578, %mul3A_583 : i32
        %get3A_585 = arith.index_cast %mul3A_584 : i32 to index
        %get3A_586 = tpu.vector_load %arg14[%get3A_585] {strides = array<i32>} : memref<4032xi32, #tpu.memory_space<vmem>>, vector<16xi32>,
        %add3A_587 = arith.addi %get3A_586, %get3A_582 : vector<16xi32>
        %mul3A_588 = arith.constant 16 : i32
        %mul3A_589 = arith.muli %scan3A_578, %mul3A_588 : i32
        %swap3A = arith.index_cast %mul3A_589 : i32 to index
        %swap3A_590 = tpu.vector_load %arg14[%swap3A] {strides = array<i32>} : memref<4032xi32, #tpu.memory_space<vmem>>, vector<16xi32>,
        tpu.vector_store %arg14[%swap3A], %add3A_587 {strides = array<i32>} : memref<4032xi32, #tpu.memory_space<vmem>>, vector<16xi32>,
        %lt3A = arith.cmpi slt, %scan3A_566, %add3A : i32
        %convert_element_type3A_591 = arith.extui %lt3A : i1 to i32
        %cond3A_592 = arith.constant 0 : i32
        %cond3A_593 = arith.cmpi ne, %convert_element_type3A_591, %cond3A_592 : i32
        scf.if %cond3A_593 {
          %mul3A_595 = arith.constant 16 : i32
          %mul3A_596 = arith.muli %scan3A_578, %mul3A_595 : i32
          %get3A_597 = arith.index_cast %mul3A_596 : i32 to index
          %get3A_598 = tpu.vector_load %arg13[%get3A_597] {strides = array<i32>} : memref<4032xi32, #tpu.memory_space<vmem>>, vector<16xi32>,
          %add3A_599 = arith.addi %get3A_598, %get3A_582 : vector<16xi32>
          %mul3A_600 = arith.constant 16 : i32
          %mul3A_601 = arith.muli %scan3A_578, %mul3A_600 : i32
          %swap3A_602 = arith.index_cast %mul3A_601 : i32 to index
          %swap3A_603 = tpu.vector_load %arg13[%swap3A_602] {strides = array<i32>} : memref<4032xi32, #tpu.memory_space<vmem>>, vector<16xi32>,
          tpu.vector_store %arg13[%swap3A_602], %add3A_599 {strides = array<i32>} : memref<4032xi32, #tpu.memory_space<vmem>>, vector<16xi32>,
        } else {
        }
        %scan3A_594 = arith.constant 0 : i32
        scf.yield %scan3A_594 : i32
      }
      %scan3A_576 = arith.constant 251 : i32
      %scan3A_577 = arith.constant 0 : i32
      scf.yield %scan3A_577 : i32
    }
    %scan3A_18 = arith.constant 32 : i32
    %scan3A_19 = arith.constant 0 : i32
    %scan3A_20 = arith.constant 0 : i32
    %scan3A_21 = arith.constant 251 : i32
    %scan3A_22 = arith.addi %scan3A_20, %scan3A_21 : i32
    %scan3A_23 = arith.constant 1 : i32
    %scan3A_24 = scf.for %scan3A_566 = %scan3A_20 to %scan3A_22 step %scan3A_23 iter_args(%scan3A_567 = %scan3A_19) -> (i32)  : i32 {
      %mul3A_568 = arith.constant 16 : i32
      %mul3A_569 = arith.muli %scan3A_566, %mul3A_568 : i32
      %get3A = arith.index_cast %mul3A_569 : i32 to index
      %get3A_570 = tpu.vector_load %arg14[%get3A] {strides = array<i32>} : memref<4032xi32, #tpu.memory_space<vmem>>, vector<16xi32>,
      %broadcast_in_dim3A_571 = arith.constant true
      %broadcast_in_dim3A_572 = vector.broadcast %broadcast_in_dim3A_571 : i1 to vector<16xi1>
      %masked_cumsum3A = tpu.scan <sum>, %get3A_570 masked %broadcast_in_dim3A_572 : vector<16xi32>, vector<16xi1> -> vector<16xi32>
      %sub3A = arith.subi %masked_cumsum3A, %get3A_570 : vector<16xi32>
      %add3A_573 = vector.broadcast %scan3A_567 : i32 to vector<16xi32>
      %add3A_574 = arith.addi %sub3A, %add3A_573 : vector<16xi32>
      %mul3A_575 = arith.constant 16 : i32
      %mul3A_576 = arith.muli %scan3A_566, %mul3A_575 : i32
      %swap3A = arith.index_cast %mul3A_576 : i32 to index
      %swap3A_577 = tpu.vector_load %arg15[%swap3A] {strides = array<i32>} : memref<4032xi32, #tpu.memory_space<vmem>>, vector<16xi32>,
      tpu.vector_store %arg15[%swap3A], %add3A_574 {strides = array<i32>} : memref<4032xi32, #tpu.memory_space<vmem>>, vector<16xi32>,
      %mul3A_578 = arith.constant 16 : i32
      %mul3A_579 = arith.muli %scan3A_566, %mul3A_578 : i32
      %get3A_580 = arith.index_cast %mul3A_579 : i32 to index
      %get3A_581 = tpu.vector_load %arg13[%get3A_580] {strides = array<i32>} : memref<4032xi32, #tpu.memory_space<vmem>>, vector<16xi32>,
      %add3A_582 = arith.addi %get3A_581, %add3A_574 : vector<16xi32>
      %mul3A_583 = arith.constant 16 : i32
      %mul3A_584 = arith.muli %scan3A_566, %mul3A_583 : i32
      %swap3A_585 = arith.index_cast %mul3A_584 : i32 to index
      %swap3A_586 = tpu.vector_load %arg13[%swap3A_585] {strides = array<i32>} : memref<4032xi32, #tpu.memory_space<vmem>>, vector<16xi32>,
      tpu.vector_store %arg13[%swap3A_585], %add3A_582 {strides = array<i32>} : memref<4032xi32, #tpu.memory_space<vmem>>, vector<16xi32>,
      %slice3A = vector.extract_strided_slice %masked_cumsum3A {offsets = [15], sizes = [1], strides = [1]} : vector<16xi32> to vector<1xi32>
      %squeeze3A = vector.extract %slice3A[0] : i32 from vector<1xi32>
      %add3A_587 = arith.addi %scan3A_567, %squeeze3A : i32
      scf.yield %add3A_587 : i32
    }
    %scan3A_25 = arith.constant 251 : i32
    %eq3A = arith.constant 0 : i32
    %eq3A_26 = arith.cmpi eq, %add3A, %eq3A : i32
    %convert_element_type3A = arith.extui %eq3A_26 : i1 to i32
    %cond3A = arith.constant 0 : i32
    %cond3A_27 = arith.cmpi ne, %convert_element_type3A, %cond3A : i32
    scf.if %cond3A_27 {
      "tpu.region"() ({
        %run_scoped3A = tpu.sem_alloc : memref<!tpu.dma_semaphore, #tpu.memory_space<semaphore_mem>>
        %dma_start3A_566 = arith.constant 0 : i32
        %dma_start3A_567 = tpu.memref_slice %arg15[%dma_start3A_566] : memref<4032xi32, #tpu.memory_space<vmem>> -> memref<4016xi32, #tpu.memory_space<vmem>>
        %dma_start3A_568 = arith.constant 0 : i32
        %dma_start3A_569 = tpu.memref_slice %arg9[%dma_start3A_568] : memref<32128xi32, #tpu.memory_space<hbm>> -> memref<4016xi32, #tpu.memory_space<hbm>>
        %dma_start3A_570 = arith.constant 0 : i32
        %dma_start3A_571 = tpu.memref_slice %arg9[%dma_start3A_570] : memref<32128xi32, #tpu.memory_space<hbm>> -> memref<4016xi32, #tpu.memory_space<hbm>>
        %dma_start3A_572 = arith.constant 0 : i32
        %dma_start3A_573 = tpu.memref_slice %arg15[%dma_start3A_572] : memref<4032xi32, #tpu.memory_space<vmem>> -> memref<4016xi32, #tpu.memory_space<vmem>>
        tpu.enqueue_dma source(%dma_start3A_573 : memref<4016xi32, #tpu.memory_space<vmem>>) target(%dma_start3A_571 : memref<4016xi32, #tpu.memory_space<hbm>>) target_semaphore(%run_scoped3A : memref<!tpu.dma_semaphore, #tpu.memory_space<semaphore_mem>>)
        %dma_wait3A_574 = arith.constant 0 : i32
        %dma_wait3A_575 = tpu.memref_slice %arg15[%dma_wait3A_574] : memref<4032xi32, #tpu.memory_space<vmem>> -> memref<4016xi32, #tpu.memory_space<vmem>>
        %dma_wait3A_576 = arith.constant 0 : i32
        %dma_wait3A_577 = tpu.memref_slice %arg9[%dma_wait3A_576] : memref<32128xi32, #tpu.memory_space<hbm>> -> memref<4016xi32, #tpu.memory_space<hbm>>
        %dma_wait3A_578 = arith.constant 0 : i32
        %dma_wait3A_579 = tpu.memref_slice %arg9[%dma_wait3A_578] : memref<32128xi32, #tpu.memory_space<hbm>> -> memref<4016xi32, #tpu.memory_space<hbm>>
        %dma_wait3A_580 = arith.constant 0 : i32
        %dma_wait3A_581 = tpu.memref_slice %arg15[%dma_wait3A_580] : memref<4032xi32, #tpu.memory_space<vmem>> -> memref<4016xi32, #tpu.memory_space<vmem>>
        tpu.wait_dma2 semaphore(%run_scoped3A : memref<!tpu.dma_semaphore, #tpu.memory_space<semaphore_mem>>) src(%dma_wait3A_581 : memref<4016xi32, #tpu.memory_space<vmem>>) dst(%dma_wait3A_579 : memref<4016xi32, #tpu.memory_space<hbm>>)
        tpu.yield
      }) : () -> ()
    } else {
    }
    %scan3A_28 = arith.constant 0 : i32
    %scan3A_29 = arith.constant 0 : i32
    %scan3A_30 = arith.constant 64 : i32
    %scan3A_31 = arith.addi %scan3A_29, %scan3A_30 : i32
    %scan3A_32 = arith.constant 1 : i32
    %scan3A_33 = scf.for %scan3A_566 = %scan3A_29 to %scan3A_31 step %scan3A_32 iter_args(%scan3A_567 = %scan3A_28) -> (i32)  : i32 {
      %mul3A_568 = arith.constant 16 : i32
      %mul3A_569 = arith.muli %scan3A_566, %mul3A_568 : i32
      %add3A_570 = vector.broadcast %mul3A_569 : i32 to vector<16xi32>
      %add3A_571 = arith.addi %add3A_570, %iota3A : vector<16xi32>
      %jit3A = arith.constant 128 : i32
      %eq3A_572 = arith.constant 0 : i32
      %eq3A_573 = arith.cmpi eq, %jit3A, %eq3A_572 : i32
      %jit3A_574 = arith.constant 1 : i32
      %select_n3A = arith.select %eq3A_573, %jit3A_574, %jit3A : i32
      %rem3A = vector.broadcast %select_n3A : i32 to vector<16xi32>
      %rem3A_575 = arith.remsi %add3A_571, %rem3A : vector<16xi32>
      %ne3A = arith.constant 0 : i32
      %ne3A_576 = vector.broadcast %ne3A : i32 to vector<16xi32>
      %ne3A_577 = arith.cmpi ne, %rem3A_575, %ne3A_576 : vector<16xi32>
      %lt3A = arith.constant 0 : i32
      %lt3A_578 = vector.broadcast %lt3A : i32 to vector<16xi32>
      %lt3A_579 = arith.cmpi slt, %rem3A_575, %lt3A_578 : vector<16xi32>
      %lt3A_580 = arith.constant 0 : i32
      %lt3A_581 = arith.cmpi slt, %select_n3A, %lt3A_580 : i32
      %ne3A_582 = vector.broadcast %lt3A_581 : i1 to vector<16xi1>
      %ne3A_583 = vector.broadcast %ne3A_582 : vector<16xi1> to vector<16xi1>
      %ne3A_584 = arith.xori %lt3A_579, %ne3A_583 : vector<16xi1>
      %and3A = arith.andi %ne3A_584, %ne3A_577 : vector<16xi1>
      %add3A_585 = vector.broadcast %select_n3A : i32 to vector<16xi32>
      %add3A_586 = arith.addi %rem3A_575, %add3A_585 : vector<16xi32>
      %select_n3A_587 = arith.select %and3A, %add3A_586, %rem3A_575 : vector<16xi1>, vector<16xi32>
      %add3A_588 = arith.constant 30208 : i32
      %add3A_589 = vector.broadcast %add3A_588 : i32 to vector<16xi32>
      %add3A_590 = arith.addi %add3A_589, %select_n3A_587 : vector<16xi32>
      %mul3A_591 = arith.constant 16 : i32
      %mul3A_592 = arith.muli %scan3A_566, %mul3A_591 : i32
      %swap3A = arith.index_cast %mul3A_592 : i32 to index
      %swap3A_593 = tpu.vector_load %arg20[%swap3A] {strides = array<i32>} : memref<1040xi32, #tpu.memory_space<vmem>>, vector<16xi32>,
      tpu.vector_store %arg20[%swap3A], %add3A_590 {strides = array<i32>} : memref<1040xi32, #tpu.memory_space<vmem>>, vector<16xi32>,
      %scan3A_594 = arith.constant 0 : i32
      scf.yield %scan3A_594 : i32
    }
    %scan3A_34 = arith.constant 64 : i32
    %scan3A_35 = arith.constant 0 : i32
    %scan3A_36 = arith.constant 0 : i32
    %scan3A_37 = arith.constant 944 : i32
    %scan3A_38 = arith.addi %scan3A_36, %scan3A_37 : i32
    %scan3A_39 = arith.constant 1 : i32
    %scan3A_40 = scf.for %scan3A_566 = %scan3A_36 to %scan3A_38 step %scan3A_39 iter_args(%scan3A_567 = %scan3A_35) -> (i32)  : i32 {
      %get3A = arith.index_cast %scan3A_566 : i32 to index
      %get3A_568 = tpu.vector_load %arg11[%get3A] {strides = array<i32>} : memref<960xi32, #tpu.memory_space<vmem>>, vector<16xi32>,
      %slice3A = vector.extract_strided_slice %get3A_568 {offsets = [0], sizes = [1], strides = [1]} : vector<16xi32> to vector<1xi32>
      %squeeze3A = vector.extract %slice3A[0] : i32 from vector<1xi32>
      %get3A_569 = arith.index_cast %squeeze3A : i32 to index
      %get3A_570 = tpu.vector_load %arg13[%get3A_569] {strides = array<i32>} : memref<4032xi32, #tpu.memory_space<vmem>>, vector<16xi32>,
      %slice3A_571 = vector.extract_strided_slice %get3A_570 {offsets = [0], sizes = [1], strides = [1]} : vector<16xi32> to vector<1xi32>
      %squeeze3A_572 = vector.extract %slice3A_571[0] : i32 from vector<1xi32>
      %eq3A_573 = arith.constant 0 : i32
      %eq3A_574 = vector.broadcast %eq3A_573 : i32 to vector<16xi32>
      %eq3A_575 = arith.cmpi eq, %iota3A, %eq3A_574 : vector<16xi32>
      %jit3A = arith.constant 1 : i32
      %jit3A_576 = arith.constant 0 : i32
      %broadcast_in_dim3A_577 = vector.broadcast %jit3A : i32 to vector<16xi32>
      %broadcast_in_dim3A_578 = vector.broadcast %jit3A_576 : i32 to vector<16xi32>
      %select_n3A = arith.select %eq3A_575, %broadcast_in_dim3A_577, %broadcast_in_dim3A_578 : vector<16xi1>, vector<16xi32>
      %add3A_579 = arith.addi %get3A_570, %select_n3A : vector<16xi32>
      %swap3A = arith.index_cast %squeeze3A : i32 to index
      %swap3A_580 = tpu.vector_load %arg13[%swap3A] {strides = array<i32>} : memref<4032xi32, #tpu.memory_space<vmem>>, vector<16xi32>,
      tpu.vector_store %arg13[%swap3A], %add3A_579 {strides = array<i32>} : memref<4032xi32, #tpu.memory_space<vmem>>, vector<16xi32>,
      %get3A_581 = arith.index_cast %scan3A_566 : i32 to index
      %get3A_582 = tpu.vector_load %arg20[%get3A_581] {strides = array<i32>} : memref<1040xi32, #tpu.memory_space<vmem>>, vector<16xi32>,
      %eq3A_583 = arith.constant 0 : i32
      %eq3A_584 = vector.broadcast %eq3A_583 : i32 to vector<16xi32>
      %eq3A_585 = arith.cmpi eq, %iota3A, %eq3A_584 : vector<16xi32>
      %broadcast_in_dim3A_586 = vector.broadcast %squeeze3A_572 : i32 to vector<16xi32>
      %select_n3A_587 = arith.select %eq3A_585, %broadcast_in_dim3A_586, %get3A_582 : vector<16xi1>, vector<16xi32>
      %swap3A_588 = arith.index_cast %scan3A_566 : i32 to index
      %swap3A_589 = tpu.vector_load %arg20[%swap3A_588] {strides = array<i32>} : memref<1040xi32, #tpu.memory_space<vmem>>, vector<16xi32>,
      tpu.vector_store %arg20[%swap3A_588], %select_n3A_587 {strides = array<i32>} : memref<1040xi32, #tpu.memory_space<vmem>>, vector<16xi32>,
      %scan3A_590 = arith.constant 0 : i32
      scf.yield %scan3A_590 : i32
    }
    %scan3A_41 = arith.constant 944 : i32
    %scan3A_42 = arith.constant 0 : i32
    %scan3A_43 = arith.constant 0 : i32
    %scan3A_44 = arith.constant 59 : i32
    %scan3A_45 = arith.addi %scan3A_43, %scan3A_44 : i32
    %scan3A_46 = arith.constant 1 : i32
    %scan3A_47 = scf.for %scan3A_566 = %scan3A_43 to %scan3A_45 step %scan3A_46 iter_args(%scan3A_567 = %scan3A_42) -> (i32)  : i32 {
      %mul3A_568 = arith.constant 16 : i32
      %mul3A_569 = arith.muli %scan3A_566, %mul3A_568 : i32
      %add3A_570 = vector.broadcast %mul3A_569 : i32 to vector<16xi32>
      %add3A_571 = arith.addi %add3A_570, %iota3A : vector<16xi32>
      %mul3A_572 = arith.constant 4 : i32
      %mul3A_573 = vector.broadcast %mul3A_572 : i32 to vector<16xi32>
      %mul3A_574 = arith.muli %add3A_571, %mul3A_573 : vector<16xi32>
      %mul3A_575 = arith.constant 16 : i32
      %mul3A_576 = arith.muli %scan3A_566, %mul3A_575 : i32
      %add3A_577 = vector.broadcast %mul3A_576 : i32 to vector<16xi32>
      %add3A_578 = arith.addi %add3A_577, %iota3A : vector<16xi32>
      %mul3A_579 = arith.constant 16 : i32
      %mul3A_580 = arith.muli %scan3A_566, %mul3A_579 : i32
      %gather3A = tpu.vector_load_idx %arg10[%mul3A_574] : memref<3792xf32, #tpu.memory_space<vmem>>[vector<16xi32>], vector<16xf32>,
      %add3A_581 = arith.constant 1 : i32
      %add3A_582 = vector.broadcast %add3A_581 : i32 to vector<16xi32>
      %add3A_583 = arith.addi %mul3A_574, %add3A_582 : vector<16xi32>
      %gather3A_584 = tpu.vector_load_idx %arg10[%add3A_583] : memref<3792xf32, #tpu.memory_space<vmem>>[vector<16xi32>], vector<16xf32>,
      %swap3A = arith.index_cast %mul3A_580 : i32 to index
      %swap3A_585 = tpu.vector_load %arg16[%swap3A] {strides = array<i32>} : memref<1024xf32, #tpu.memory_space<vmem>>, vector<16xf32>,
      tpu.vector_store %arg16[%swap3A], %gather3A_584 {strides = array<i32>} : memref<1024xf32, #tpu.memory_space<vmem>>, vector<16xf32>,
      %add3A_586 = arith.constant 2 : i32
      %add3A_587 = vector.broadcast %add3A_586 : i32 to vector<16xi32>
      %add3A_588 = arith.addi %mul3A_574, %add3A_587 : vector<16xi32>
      %gather3A_589 = tpu.vector_load_idx %arg10[%add3A_588] : memref<3792xf32, #tpu.memory_space<vmem>>[vector<16xi32>], vector<16xf32>,
      %swap3A_590 = arith.index_cast %mul3A_580 : i32 to index
      %swap3A_591 = tpu.vector_load %arg17[%swap3A_590] {strides = array<i32>} : memref<1024xf32, #tpu.memory_space<vmem>>, vector<16xf32>,
      tpu.vector_store %arg17[%swap3A_590], %gather3A_589 {strides = array<i32>} : memref<1024xf32, #tpu.memory_space<vmem>>, vector<16xf32>,
      %add3A_592 = arith.constant 3 : i32
      %add3A_593 = vector.broadcast %add3A_592 : i32 to vector<16xi32>
      %add3A_594 = arith.addi %mul3A_574, %add3A_593 : vector<16xi32>
      %gather3A_595 = tpu.vector_load_idx %arg10[%add3A_594] : memref<3792xf32, #tpu.memory_space<vmem>>[vector<16xi32>], vector<16xf32>,
      %swap3A_596 = arith.index_cast %mul3A_580 : i32 to index
      %swap3A_597 = tpu.vector_load %arg18[%swap3A_596] {strides = array<i32>} : memref<1024xf32, #tpu.memory_space<vmem>>, vector<16xf32>,
      tpu.vector_store %arg18[%swap3A_596], %gather3A_595 {strides = array<i32>} : memref<1024xf32, #tpu.memory_space<vmem>>, vector<16xf32>,
      %add3A_598 = vector.broadcast %mul3A_2 : i32 to vector<16xi32>
      %add3A_599 = arith.addi %add3A_598, %add3A_578 : vector<16xi32>
      %convert_element_type3A_600 = arith.fptosi %gather3A : vector<16xf32> to vector<16xi32>
      %shift_left3A = arith.constant 20 : i32
      %shift_left3A_601 = vector.broadcast %shift_left3A : i32 to vector<16xi32>
      %shift_left3A_602 = arith.shli %convert_element_type3A_600, %shift_left3A_601 : vector<16xi32>
      %or3A = arith.ori %add3A_599, %shift_left3A_602 : vector<16xi32>
      %swap3A_603 = arith.index_cast %mul3A_580 : i32 to index
      %swap3A_604 = tpu.vector_load %arg19[%swap3A_603] {strides = array<i32>} : memref<1024xi32, #tpu.memory_space<vmem>>, vector<16xi32>,
      tpu.vector_store %arg19[%swap3A_603], %or3A {strides = array<i32>} : memref<1024xi32, #tpu.memory_space<vmem>>, vector<16xi32>,
      %scan3A_605 = arith.constant 0 : i32
      scf.yield %scan3A_605 : i32
    }
    %scan3A_48 = arith.constant 59 : i32
    %scan3A_49 = arith.constant 0 : i32
    %scan3A_50 = arith.constant 0 : i32
    %scan3A_51 = arith.constant 64 : i32
    %scan3A_52 = arith.addi %scan3A_50, %scan3A_51 : i32
    %scan3A_53 = arith.constant 1 : i32
    %scan3A_54 = scf.for %scan3A_566 = %scan3A_50 to %scan3A_52 step %scan3A_53 iter_args(%scan3A_567 = %scan3A_49) -> (i32)  : i32 {
      %jit3A = arith.constant 8 : i32
      %div3A = arith.divsi %scan3A_566, %jit3A : i32
      %sign3A = arith.constant 0 : i32
      %sign3A_568 = arith.cmpi sgt, %scan3A_566, %sign3A : i32
      %sign3A_569 = arith.extui %sign3A_568 : i1 to i32
      %sign3A_570 = arith.constant 0 : i32
      %sign3A_571 = arith.cmpi slt, %scan3A_566, %sign3A_570 : i32
      %sign3A_572 = arith.extui %sign3A_571 : i1 to i32
      %sign3A_573 = arith.subi %sign3A_569, %sign3A_572 : i32
      %sign3A_574 = arith.constant 0 : i32
      %sign3A_575 = arith.cmpi sgt, %jit3A, %sign3A_574 : i32
      %sign3A_576 = arith.extui %sign3A_575 : i1 to i32
      %sign3A_577 = arith.constant 0 : i32
      %sign3A_578 = arith.cmpi slt, %jit3A, %sign3A_577 : i32
      %sign3A_579 = arith.extui %sign3A_578 : i1 to i32
      %sign3A_580 = arith.subi %sign3A_576, %sign3A_579 : i32
      %ne3A = arith.cmpi ne, %sign3A_573, %sign3A_580 : i32
      %rem3A = arith.remsi %scan3A_566, %jit3A : i32
      %ne3A_581 = arith.constant 0 : i32
      %ne3A_582 = arith.cmpi ne, %rem3A, %ne3A_581 : i32
      %and3A = arith.andi %ne3A, %ne3A_582 : i1
      %sub3A = arith.constant 1 : i32
      %sub3A_583 = arith.subi %div3A, %sub3A : i32
      %select_n3A = arith.select %and3A, %sub3A_583, %div3A : i32
      %jit3A_584 = arith.constant 8 : i32
      %eq3A_585 = arith.constant 0 : i32
      %eq3A_586 = arith.cmpi eq, %jit3A_584, %eq3A_585 : i32
      %jit3A_587 = arith.constant 1 : i32
      %select_n3A_588 = arith.select %eq3A_586, %jit3A_587, %jit3A_584 : i32
      %rem3A_589 = arith.remsi %scan3A_566, %select_n3A_588 : i32
      %ne3A_590 = arith.constant 0 : i32
      %ne3A_591 = arith.cmpi ne, %rem3A_589, %ne3A_590 : i32
      %lt3A = arith.constant 0 : i32
      %lt3A_592 = arith.cmpi slt, %rem3A_589, %lt3A : i32
      %lt3A_593 = arith.constant 0 : i32
      %lt3A_594 = arith.cmpi slt, %select_n3A_588, %lt3A_593 : i32
      %ne3A_595 = arith.xori %lt3A_592, %lt3A_594 : i1
      %and3A_596 = arith.andi %ne3A_595, %ne3A_591 : i1
      %add3A_597 = arith.addi %rem3A_589, %select_n3A_588 : i32
      %select_n3A_598 = arith.select %and3A_596, %add3A_597, %rem3A_589 : i32
      %mul3A_599 = arith.constant 128 : i32
      %mul3A_600 = arith.muli %select_n3A, %mul3A_599 : i32
      %mul3A_601 = arith.constant 16 : i32
      %mul3A_602 = arith.muli %select_n3A_598, %mul3A_601 : i32
      %add3A_603 = arith.addi %mul3A_600, %mul3A_602 : i32
      %get3A = arith.index_cast %add3A_603 : i32 to index
      %get3A_604 = tpu.vector_load %arg20[%get3A] {strides = array<i32>} : memref<1040xi32, #tpu.memory_space<vmem>>, vector<16xi32>,
      %mul3A_605 = arith.constant 16 : i32
      %mul3A_606 = arith.muli %select_n3A_598, %mul3A_605 : i32
      %swap3A = arith.index_cast %select_n3A : i32 to index
      %swap3A_607 = arith.index_cast %mul3A_606 : i32 to index
      %swap3A_608 = tpu.vector_load %arg21[%swap3A, %swap3A_607] {strides = array<i32>} : memref<8x128xi32, #tpu.memory_space<vmem>>, vector<16xi32>,
      tpu.vector_store %arg21[%swap3A, %swap3A_607], %get3A_604 {strides = array<i32>} : memref<8x128xi32, #tpu.memory_space<vmem>>, vector<16xi32>,
      %scan3A_609 = arith.constant 0 : i32
      scf.yield %scan3A_609 : i32
    }
    %scan3A_55 = arith.constant 64 : i32
    %dma_start3A = arith.constant 0 : i32
    %dma_start3A_56 = arith.constant 0 : i32
    %dma_start3A_57 = tpu.memref_slice %arg16[%dma_start3A_56] : memref<1024xf32, #tpu.memory_space<vmem>> -> memref<128xf32, #tpu.memory_space<vmem>>
    %dma_start3A_58 = arith.constant 0 : i32
    %dma_start3A_59 = tpu.memref_slice %arg21[%dma_start3A, %dma_start3A_58] : memref<8x128xi32, #tpu.memory_space<vmem>> -> memref<1x128xi32, #tpu.memory_space<vmem>>
    %dma_start3A_60 = tpu.memref_squeeze %dma_start3A_59 : memref<1x128xi32, #tpu.memory_space<vmem>> -> memref<128xi32, #tpu.memory_space<vmem>>
    %dma_start3A_61 = arith.constant 0 : i32
    %dma_start3A_62 = tpu.memref_slice %arg5[%dma_start3A_61] : memref<30336xf32, #tpu.memory_space<hbm>> -> memref<30336xf32, #tpu.memory_space<hbm>>
    tpu.enqueue_indirect_dma source(%dma_start3A_57 : memref<128xf32, #tpu.memory_space<vmem>>) target(%dma_start3A_62 : memref<30336xf32, #tpu.memory_space<hbm>>) offsets(%dma_start3A_60 : memref<128xi32, #tpu.memory_space<vmem>>) semaphore(%arg22 : memref<!tpu.dma_semaphore, #tpu.memory_space<semaphore_mem>>)
    %dma_wait3A = arith.constant 0 : i32
    %dma_wait3A_63 = arith.constant 0 : i32
    %dma_wait3A_64 = tpu.memref_slice %arg16[%dma_wait3A_63] : memref<1024xf32, #tpu.memory_space<vmem>> -> memref<128xf32, #tpu.memory_space<vmem>>
    %dma_wait3A_65 = arith.constant 0 : i32
    %dma_wait3A_66 = tpu.memref_slice %arg21[%dma_wait3A, %dma_wait3A_65] : memref<8x128xi32, #tpu.memory_space<vmem>> -> memref<1x128xi32, #tpu.memory_space<vmem>>
    %dma_wait3A_67 = tpu.memref_squeeze %dma_wait3A_66 : memref<1x128xi32, #tpu.memory_space<vmem>> -> memref<128xi32, #tpu.memory_space<vmem>>
    %dma_wait3A_68 = arith.constant 0 : i32
    %dma_wait3A_69 = tpu.memref_slice %arg5[%dma_wait3A_68] : memref<30336xf32, #tpu.memory_space<hbm>> -> memref<30336xf32, #tpu.memory_space<hbm>>
    tpu.wait_indirect_dma semaphore(%arg22 : memref<!tpu.dma_semaphore, #tpu.memory_space<semaphore_mem>>) src(%dma_wait3A_64 : memref<128xf32, #tpu.memory_space<vmem>>) dst(%dma_wait3A_69 : memref<30336xf32, #tpu.memory_space<hbm>>)
    %dma_start3A_70 = arith.constant 0 : i32
    %dma_start3A_71 = arith.constant 0 : i32
    %dma_start3A_72 = tpu.memref_slice %arg17[%dma_start3A_71] : memref<1024xf32, #tpu.memory_space<vmem>> -> memref<128xf32, #tpu.memory_space<vmem>>
    %dma_start3A_73 = arith.constant 0 : i32
    %dma_start3A_74 = tpu.memref_slice %arg21[%dma_start3A_70, %dma_start3A_73] : memref<8x128xi32, #tpu.memory_space<vmem>> -> memref<1x128xi32, #tpu.memory_space<vmem>>
    %dma_start3A_75 = tpu.memref_squeeze %dma_start3A_74 : memref<1x128xi32, #tpu.memory_space<vmem>> -> memref<128xi32, #tpu.memory_space<vmem>>
    %dma_start3A_76 = arith.constant 0 : i32
    %dma_start3A_77 = tpu.memref_slice %arg6[%dma_start3A_76] : memref<30336xf32, #tpu.memory_space<hbm>> -> memref<30336xf32, #tpu.memory_space<hbm>>
    tpu.enqueue_indirect_dma source(%dma_start3A_72 : memref<128xf32, #tpu.memory_space<vmem>>) target(%dma_start3A_77 : memref<30336xf32, #tpu.memory_space<hbm>>) offsets(%dma_start3A_75 : memref<128xi32, #tpu.memory_space<vmem>>) semaphore(%arg22 : memref<!tpu.dma_semaphore, #tpu.memory_space<semaphore_mem>>)
    %dma_wait3A_78 = arith.constant 0 : i32
    %dma_wait3A_79 = arith.constant 0 : i32
    %dma_wait3A_80 = tpu.memref_slice %arg17[%dma_wait3A_79] : memref<1024xf32, #tpu.memory_space<vmem>> -> memref<128xf32, #tpu.memory_space<vmem>>
    %dma_wait3A_81 = arith.constant 0 : i32
    %dma_wait3A_82 = tpu.memref_slice %arg21[%dma_wait3A_78, %dma_wait3A_81] : memref<8x128xi32, #tpu.memory_space<vmem>> -> memref<1x128xi32, #tpu.memory_space<vmem>>
    %dma_wait3A_83 = tpu.memref_squeeze %dma_wait3A_82 : memref<1x128xi32, #tpu.memory_space<vmem>> -> memref<128xi32, #tpu.memory_space<vmem>>
    %dma_wait3A_84 = arith.constant 0 : i32
    %dma_wait3A_85 = tpu.memref_slice %arg6[%dma_wait3A_84] : memref<30336xf32, #tpu.memory_space<hbm>> -> memref<30336xf32, #tpu.memory_space<hbm>>
    tpu.wait_indirect_dma semaphore(%arg22 : memref<!tpu.dma_semaphore, #tpu.memory_space<semaphore_mem>>) src(%dma_wait3A_80 : memref<128xf32, #tpu.memory_space<vmem>>) dst(%dma_wait3A_85 : memref<30336xf32, #tpu.memory_space<hbm>>)
    %dma_start3A_86 = arith.constant 0 : i32
    %dma_start3A_87 = arith.constant 0 : i32
    %dma_start3A_88 = tpu.memref_slice %arg18[%dma_start3A_87] : memref<1024xf32, #tpu.memory_space<vmem>> -> memref<128xf32, #tpu.memory_space<vmem>>
    %dma_start3A_89 = arith.constant 0 : i32
    %dma_start3A_90 = tpu.memref_slice %arg21[%dma_start3A_86, %dma_start3A_89] : memref<8x128xi32, #tpu.memory_space<vmem>> -> memref<1x128xi32, #tpu.memory_space<vmem>>
    %dma_start3A_91 = tpu.memref_squeeze %dma_start3A_90 : memref<1x128xi32, #tpu.memory_space<vmem>> -> memref<128xi32, #tpu.memory_space<vmem>>
    %dma_start3A_92 = arith.constant 0 : i32
    %dma_start3A_93 = tpu.memref_slice %arg7[%dma_start3A_92] : memref<30336xf32, #tpu.memory_space<hbm>> -> memref<30336xf32, #tpu.memory_space<hbm>>
    tpu.enqueue_indirect_dma source(%dma_start3A_88 : memref<128xf32, #tpu.memory_space<vmem>>) target(%dma_start3A_93 : memref<30336xf32, #tpu.memory_space<hbm>>) offsets(%dma_start3A_91 : memref<128xi32, #tpu.memory_space<vmem>>) semaphore(%arg22 : memref<!tpu.dma_semaphore, #tpu.memory_space<semaphore_mem>>)
    %dma_wait3A_94 = arith.constant 0 : i32
    %dma_wait3A_95 = arith.constant 0 : i32
    %dma_wait3A_96 = tpu.memref_slice %arg18[%dma_wait3A_95] : memref<1024xf32, #tpu.memory_space<vmem>> -> memref<128xf32, #tpu.memory_space<vmem>>
    %dma_wait3A_97 = arith.constant 0 : i32
    %dma_wait3A_98 = tpu.memref_slice %arg21[%dma_wait3A_94, %dma_wait3A_97] : memref<8x128xi32, #tpu.memory_space<vmem>> -> memref<1x128xi32, #tpu.memory_space<vmem>>
    %dma_wait3A_99 = tpu.memref_squeeze %dma_wait3A_98 : memref<1x128xi32, #tpu.memory_space<vmem>> -> memref<128xi32, #tpu.memory_space<vmem>>
    %dma_wait3A_100 = arith.constant 0 : i32
    %dma_wait3A_101 = tpu.memref_slice %arg7[%dma_wait3A_100] : memref<30336xf32, #tpu.memory_space<hbm>> -> memref<30336xf32, #tpu.memory_space<hbm>>
    tpu.wait_indirect_dma semaphore(%arg22 : memref<!tpu.dma_semaphore, #tpu.memory_space<semaphore_mem>>) src(%dma_wait3A_96 : memref<128xf32, #tpu.memory_space<vmem>>) dst(%dma_wait3A_101 : memref<30336xf32, #tpu.memory_space<hbm>>)
    %dma_start3A_102 = arith.constant 0 : i32
    %dma_start3A_103 = arith.constant 0 : i32
    %dma_start3A_104 = tpu.memref_slice %arg19[%dma_start3A_103] : memref<1024xi32, #tpu.memory_space<vmem>> -> memref<128xi32, #tpu.memory_space<vmem>>
    %dma_start3A_105 = arith.constant 0 : i32
    %dma_start3A_106 = tpu.memref_slice %arg21[%dma_start3A_102, %dma_start3A_105] : memref<8x128xi32, #tpu.memory_space<vmem>> -> memref<1x128xi32, #tpu.memory_space<vmem>>
    %dma_start3A_107 = tpu.memref_squeeze %dma_start3A_106 : memref<1x128xi32, #tpu.memory_space<vmem>> -> memref<128xi32, #tpu.memory_space<vmem>>
    %dma_start3A_108 = arith.constant 0 : i32
    %dma_start3A_109 = tpu.memref_slice %arg8[%dma_start3A_108] : memref<30336xi32, #tpu.memory_space<hbm>> -> memref<30336xi32, #tpu.memory_space<hbm>>
    tpu.enqueue_indirect_dma source(%dma_start3A_104 : memref<128xi32, #tpu.memory_space<vmem>>) target(%dma_start3A_109 : memref<30336xi32, #tpu.memory_space<hbm>>) offsets(%dma_start3A_107 : memref<128xi32, #tpu.memory_space<vmem>>) semaphore(%arg22 : memref<!tpu.dma_semaphore, #tpu.memory_space<semaphore_mem>>)
    %dma_wait3A_110 = arith.constant 0 : i32
    %dma_wait3A_111 = arith.constant 0 : i32
    %dma_wait3A_112 = tpu.memref_slice %arg19[%dma_wait3A_111] : memref<1024xi32, #tpu.memory_space<vmem>> -> memref<128xi32, #tpu.memory_space<vmem>>
    %dma_wait3A_113 = arith.constant 0 : i32
    %dma_wait3A_114 = tpu.memref_slice %arg21[%dma_wait3A_110, %dma_wait3A_113] : memref<8x128xi32, #tpu.memory_space<vmem>> -> memref<1x128xi32, #tpu.memory_space<vmem>>
    %dma_wait3A_115 = tpu.memref_squeeze %dma_wait3A_114 : memref<1x128xi32, #tpu.memory_space<vmem>> -> memref<128xi32, #tpu.memory_space<vmem>>
    %dma_wait3A_116 = arith.constant 0 : i32
    %dma_wait3A_117 = tpu.memref_slice %arg8[%dma_wait3A_116] : memref<30336xi32, #tpu.memory_space<hbm>> -> memref<30336xi32, #tpu.memory_space<hbm>>
    tpu.wait_indirect_dma semaphore(%arg22 : memref<!tpu.dma_semaphore, #tpu.memory_space<semaphore_mem>>) src(%dma_wait3A_112 : memref<128xi32, #tpu.memory_space<vmem>>) dst(%dma_wait3A_117 : memref<30336xi32, #tpu.memory_space<hbm>>)
    %dma_start3A_118 = arith.constant 1 : i32
    %dma_start3A_119 = arith.constant 128 : i32
    %dma_start3A_120 = tpu.memref_slice %arg16[%dma_start3A_119] : memref<1024xf32, #tpu.memory_space<vmem>> -> memref<128xf32, #tpu.memory_space<vmem>>
    %dma_start3A_121 = arith.constant 0 : i32
    %dma_start3A_122 = tpu.memref_slice %arg21[%dma_start3A_118, %dma_start3A_121] : memref<8x128xi32, #tpu.memory_space<vmem>> -> memref<1x128xi32, #tpu.memory_space<vmem>>
    %dma_start3A_123 = tpu.memref_squeeze %dma_start3A_122 : memref<1x128xi32, #tpu.memory_space<vmem>> -> memref<128xi32, #tpu.memory_space<vmem>>
    %dma_start3A_124 = arith.constant 0 : i32
    %dma_start3A_125 = tpu.memref_slice %arg5[%dma_start3A_124] : memref<30336xf32, #tpu.memory_space<hbm>> -> memref<30336xf32, #tpu.memory_space<hbm>>
    tpu.enqueue_indirect_dma source(%dma_start3A_120 : memref<128xf32, #tpu.memory_space<vmem>>) target(%dma_start3A_125 : memref<30336xf32, #tpu.memory_space<hbm>>) offsets(%dma_start3A_123 : memref<128xi32, #tpu.memory_space<vmem>>) semaphore(%arg22 : memref<!tpu.dma_semaphore, #tpu.memory_space<semaphore_mem>>)
    %dma_wait3A_126 = arith.constant 1 : i32
    %dma_wait3A_127 = arith.constant 128 : i32
    %dma_wait3A_128 = tpu.memref_slice %arg16[%dma_wait3A_127] : memref<1024xf32, #tpu.memory_space<vmem>> -> memref<128xf32, #tpu.memory_space<vmem>>
    %dma_wait3A_129 = arith.constant 0 : i32
    %dma_wait3A_130 = tpu.memref_slice %arg21[%dma_wait3A_126, %dma_wait3A_129] : memref<8x128xi32, #tpu.memory_space<vmem>> -> memref<1x128xi32, #tpu.memory_space<vmem>>
    %dma_wait3A_131 = tpu.memref_squeeze %dma_wait3A_130 : memref<1x128xi32, #tpu.memory_space<vmem>> -> memref<128xi32, #tpu.memory_space<vmem>>
    %dma_wait3A_132 = arith.constant 0 : i32
    %dma_wait3A_133 = tpu.memref_slice %arg5[%dma_wait3A_132] : memref<30336xf32, #tpu.memory_space<hbm>> -> memref<30336xf32, #tpu.memory_space<hbm>>
    tpu.wait_indirect_dma semaphore(%arg22 : memref<!tpu.dma_semaphore, #tpu.memory_space<semaphore_mem>>) src(%dma_wait3A_128 : memref<128xf32, #tpu.memory_space<vmem>>) dst(%dma_wait3A_133 : memref<30336xf32, #tpu.memory_space<hbm>>)
    %dma_start3A_134 = arith.constant 1 : i32
    %dma_start3A_135 = arith.constant 128 : i32
    %dma_start3A_136 = tpu.memref_slice %arg17[%dma_start3A_135] : memref<1024xf32, #tpu.memory_space<vmem>> -> memref<128xf32, #tpu.memory_space<vmem>>
    %dma_start3A_137 = arith.constant 0 : i32
    %dma_start3A_138 = tpu.memref_slice %arg21[%dma_start3A_134, %dma_start3A_137] : memref<8x128xi32, #tpu.memory_space<vmem>> -> memref<1x128xi32, #tpu.memory_space<vmem>>
    %dma_start3A_139 = tpu.memref_squeeze %dma_start3A_138 : memref<1x128xi32, #tpu.memory_space<vmem>> -> memref<128xi32, #tpu.memory_space<vmem>>
    %dma_start3A_140 = arith.constant 0 : i32
    %dma_start3A_141 = tpu.memref_slice %arg6[%dma_start3A_140] : memref<30336xf32, #tpu.memory_space<hbm>> -> memref<30336xf32, #tpu.memory_space<hbm>>
    tpu.enqueue_indirect_dma source(%dma_start3A_136 : memref<128xf32, #tpu.memory_space<vmem>>) target(%dma_start3A_141 : memref<30336xf32, #tpu.memory_space<hbm>>) offsets(%dma_start3A_139 : memref<128xi32, #tpu.memory_space<vmem>>) semaphore(%arg22 : memref<!tpu.dma_semaphore, #tpu.memory_space<semaphore_mem>>)
    %dma_wait3A_142 = arith.constant 1 : i32
    %dma_wait3A_143 = arith.constant 128 : i32
    %dma_wait3A_144 = tpu.memref_slice %arg17[%dma_wait3A_143] : memref<1024xf32, #tpu.memory_space<vmem>> -> memref<128xf32, #tpu.memory_space<vmem>>
    %dma_wait3A_145 = arith.constant 0 : i32
    %dma_wait3A_146 = tpu.memref_slice %arg21[%dma_wait3A_142, %dma_wait3A_145] : memref<8x128xi32, #tpu.memory_space<vmem>> -> memref<1x128xi32, #tpu.memory_space<vmem>>
    %dma_wait3A_147 = tpu.memref_squeeze %dma_wait3A_146 : memref<1x128xi32, #tpu.memory_space<vmem>> -> memref<128xi32, #tpu.memory_space<vmem>>
    %dma_wait3A_148 = arith.constant 0 : i32
    %dma_wait3A_149 = tpu.memref_slice %arg6[%dma_wait3A_148] : memref<30336xf32, #tpu.memory_space<hbm>> -> memref<30336xf32, #tpu.memory_space<hbm>>
    tpu.wait_indirect_dma semaphore(%arg22 : memref<!tpu.dma_semaphore, #tpu.memory_space<semaphore_mem>>) src(%dma_wait3A_144 : memref<128xf32, #tpu.memory_space<vmem>>) dst(%dma_wait3A_149 : memref<30336xf32, #tpu.memory_space<hbm>>)
    %dma_start3A_150 = arith.constant 1 : i32
    %dma_start3A_151 = arith.constant 128 : i32
    %dma_start3A_152 = tpu.memref_slice %arg18[%dma_start3A_151] : memref<1024xf32, #tpu.memory_space<vmem>> -> memref<128xf32, #tpu.memory_space<vmem>>
    %dma_start3A_153 = arith.constant 0 : i32
    %dma_start3A_154 = tpu.memref_slice %arg21[%dma_start3A_150, %dma_start3A_153] : memref<8x128xi32, #tpu.memory_space<vmem>> -> memref<1x128xi32, #tpu.memory_space<vmem>>
    %dma_start3A_155 = tpu.memref_squeeze %dma_start3A_154 : memref<1x128xi32, #tpu.memory_space<vmem>> -> memref<128xi32, #tpu.memory_space<vmem>>
    %dma_start3A_156 = arith.constant 0 : i32
    %dma_start3A_157 = tpu.memref_slice %arg7[%dma_start3A_156] : memref<30336xf32, #tpu.memory_space<hbm>> -> memref<30336xf32, #tpu.memory_space<hbm>>
    tpu.enqueue_indirect_dma source(%dma_start3A_152 : memref<128xf32, #tpu.memory_space<vmem>>) target(%dma_start3A_157 : memref<30336xf32, #tpu.memory_space<hbm>>) offsets(%dma_start3A_155 : memref<128xi32, #tpu.memory_space<vmem>>) semaphore(%arg22 : memref<!tpu.dma_semaphore, #tpu.memory_space<semaphore_mem>>)
    %dma_wait3A_158 = arith.constant 1 : i32
    %dma_wait3A_159 = arith.constant 128 : i32
    %dma_wait3A_160 = tpu.memref_slice %arg18[%dma_wait3A_159] : memref<1024xf32, #tpu.memory_space<vmem>> -> memref<128xf32, #tpu.memory_space<vmem>>
    %dma_wait3A_161 = arith.constant 0 : i32
    %dma_wait3A_162 = tpu.memref_slice %arg21[%dma_wait3A_158, %dma_wait3A_161] : memref<8x128xi32, #tpu.memory_space<vmem>> -> memref<1x128xi32, #tpu.memory_space<vmem>>
    %dma_wait3A_163 = tpu.memref_squeeze %dma_wait3A_162 : memref<1x128xi32, #tpu.memory_space<vmem>> -> memref<128xi32, #tpu.memory_space<vmem>>
    %dma_wait3A_164 = arith.constant 0 : i32
    %dma_wait3A_165 = tpu.memref_slice %arg7[%dma_wait3A_164] : memref<30336xf32, #tpu.memory_space<hbm>> -> memref<30336xf32, #tpu.memory_space<hbm>>
    tpu.wait_indirect_dma semaphore(%arg22 : memref<!tpu.dma_semaphore, #tpu.memory_space<semaphore_mem>>) src(%dma_wait3A_160 : memref<128xf32, #tpu.memory_space<vmem>>) dst(%dma_wait3A_165 : memref<30336xf32, #tpu.memory_space<hbm>>)
    %dma_start3A_166 = arith.constant 1 : i32
    %dma_start3A_167 = arith.constant 128 : i32
    %dma_start3A_168 = tpu.memref_slice %arg19[%dma_start3A_167] : memref<1024xi32, #tpu.memory_space<vmem>> -> memref<128xi32, #tpu.memory_space<vmem>>
    %dma_start3A_169 = arith.constant 0 : i32
    %dma_start3A_170 = tpu.memref_slice %arg21[%dma_start3A_166, %dma_start3A_169] : memref<8x128xi32, #tpu.memory_space<vmem>> -> memref<1x128xi32, #tpu.memory_space<vmem>>
    %dma_start3A_171 = tpu.memref_squeeze %dma_start3A_170 : memref<1x128xi32, #tpu.memory_space<vmem>> -> memref<128xi32, #tpu.memory_space<vmem>>
    %dma_start3A_172 = arith.constant 0 : i32
    %dma_start3A_173 = tpu.memref_slice %arg8[%dma_start3A_172] : memref<30336xi32, #tpu.memory_space<hbm>> -> memref<30336xi32, #tpu.memory_space<hbm>>
    tpu.enqueue_indirect_dma source(%dma_start3A_168 : memref<128xi32, #tpu.memory_space<vmem>>) target(%dma_start3A_173 : memref<30336xi32, #tpu.memory_space<hbm>>) offsets(%dma_start3A_171 : memref<128xi32, #tpu.memory_space<vmem>>) semaphore(%arg22 : memref<!tpu.dma_semaphore, #tpu.memory_space<semaphore_mem>>)
    %dma_wait3A_174 = arith.constant 1 : i32
    %dma_wait3A_175 = arith.constant 128 : i32
    %dma_wait3A_176 = tpu.memref_slice %arg19[%dma_wait3A_175] : memref<1024xi32, #tpu.memory_space<vmem>> -> memref<128xi32, #tpu.memory_space<vmem>>
    %dma_wait3A_177 = arith.constant 0 : i32
    %dma_wait3A_178 = tpu.memref_slice %arg21[%dma_wait3A_174, %dma_wait3A_177] : memref<8x128xi32, #tpu.memory_space<vmem>> -> memref<1x128xi32, #tpu.memory_space<vmem>>
    %dma_wait3A_179 = tpu.memref_squeeze %dma_wait3A_178 : memref<1x128xi32, #tpu.memory_space<vmem>> -> memref<128xi32, #tpu.memory_space<vmem>>
    %dma_wait3A_180 = arith.constant 0 : i32
    %dma_wait3A_181 = tpu.memref_slice %arg8[%dma_wait3A_180] : memref<30336xi32, #tpu.memory_space<hbm>> -> memref<30336xi32, #tpu.memory_space<hbm>>
    tpu.wait_indirect_dma semaphore(%arg22 : memref<!tpu.dma_semaphore, #tpu.memory_space<semaphore_mem>>) src(%dma_wait3A_176 : memref<128xi32, #tpu.memory_space<vmem>>) dst(%dma_wait3A_181 : memref<30336xi32, #tpu.memory_space<hbm>>)
    %dma_start3A_182 = arith.constant 2 : i32
    %dma_start3A_183 = arith.constant 256 : i32
    %dma_start3A_184 = tpu.memref_slice %arg16[%dma_start3A_183] : memref<1024xf32, #tpu.memory_space<vmem>> -> memref<128xf32, #tpu.memory_space<vmem>>
    %dma_start3A_185 = arith.constant 0 : i32
    %dma_start3A_186 = tpu.memref_slice %arg21[%dma_start3A_182, %dma_start3A_185] : memref<8x128xi32, #tpu.memory_space<vmem>> -> memref<1x128xi32, #tpu.memory_space<vmem>>
    %dma_start3A_187 = tpu.memref_squeeze %dma_start3A_186 : memref<1x128xi32, #tpu.memory_space<vmem>> -> memref<128xi32, #tpu.memory_space<vmem>>
    %dma_start3A_188 = arith.constant 0 : i32
    %dma_start3A_189 = tpu.memref_slice %arg5[%dma_start3A_188] : memref<30336xf32, #tpu.memory_space<hbm>> -> memref<30336xf32, #tpu.memory_space<hbm>>
    tpu.enqueue_indirect_dma source(%dma_start3A_184 : memref<128xf32, #tpu.memory_space<vmem>>) target(%dma_start3A_189 : memref<30336xf32, #tpu.memory_space<hbm>>) offsets(%dma_start3A_187 : memref<128xi32, #tpu.memory_space<vmem>>) semaphore(%arg22 : memref<!tpu.dma_semaphore, #tpu.memory_space<semaphore_mem>>)
    %dma_wait3A_190 = arith.constant 2 : i32
    %dma_wait3A_191 = arith.constant 256 : i32
    %dma_wait3A_192 = tpu.memref_slice %arg16[%dma_wait3A_191] : memref<1024xf32, #tpu.memory_space<vmem>> -> memref<128xf32, #tpu.memory_space<vmem>>
    %dma_wait3A_193 = arith.constant 0 : i32
    %dma_wait3A_194 = tpu.memref_slice %arg21[%dma_wait3A_190, %dma_wait3A_193] : memref<8x128xi32, #tpu.memory_space<vmem>> -> memref<1x128xi32, #tpu.memory_space<vmem>>
    %dma_wait3A_195 = tpu.memref_squeeze %dma_wait3A_194 : memref<1x128xi32, #tpu.memory_space<vmem>> -> memref<128xi32, #tpu.memory_space<vmem>>
    %dma_wait3A_196 = arith.constant 0 : i32
    %dma_wait3A_197 = tpu.memref_slice %arg5[%dma_wait3A_196] : memref<30336xf32, #tpu.memory_space<hbm>> -> memref<30336xf32, #tpu.memory_space<hbm>>
    tpu.wait_indirect_dma semaphore(%arg22 : memref<!tpu.dma_semaphore, #tpu.memory_space<semaphore_mem>>) src(%dma_wait3A_192 : memref<128xf32, #tpu.memory_space<vmem>>) dst(%dma_wait3A_197 : memref<30336xf32, #tpu.memory_space<hbm>>)
    %dma_start3A_198 = arith.constant 2 : i32
    %dma_start3A_199 = arith.constant 256 : i32
    %dma_start3A_200 = tpu.memref_slice %arg17[%dma_start3A_199] : memref<1024xf32, #tpu.memory_space<vmem>> -> memref<128xf32, #tpu.memory_space<vmem>>
    %dma_start3A_201 = arith.constant 0 : i32
    %dma_start3A_202 = tpu.memref_slice %arg21[%dma_start3A_198, %dma_start3A_201] : memref<8x128xi32, #tpu.memory_space<vmem>> -> memref<1x128xi32, #tpu.memory_space<vmem>>
    %dma_start3A_203 = tpu.memref_squeeze %dma_start3A_202 : memref<1x128xi32, #tpu.memory_space<vmem>> -> memref<128xi32, #tpu.memory_space<vmem>>
    %dma_start3A_204 = arith.constant 0 : i32
    %dma_start3A_205 = tpu.memref_slice %arg6[%dma_start3A_204] : memref<30336xf32, #tpu.memory_space<hbm>> -> memref<30336xf32, #tpu.memory_space<hbm>>
    tpu.enqueue_indirect_dma source(%dma_start3A_200 : memref<128xf32, #tpu.memory_space<vmem>>) target(%dma_start3A_205 : memref<30336xf32, #tpu.memory_space<hbm>>) offsets(%dma_start3A_203 : memref<128xi32, #tpu.memory_space<vmem>>) semaphore(%arg22 : memref<!tpu.dma_semaphore, #tpu.memory_space<semaphore_mem>>)
    %dma_wait3A_206 = arith.constant 2 : i32
    %dma_wait3A_207 = arith.constant 256 : i32
    %dma_wait3A_208 = tpu.memref_slice %arg17[%dma_wait3A_207] : memref<1024xf32, #tpu.memory_space<vmem>> -> memref<128xf32, #tpu.memory_space<vmem>>
    %dma_wait3A_209 = arith.constant 0 : i32
    %dma_wait3A_210 = tpu.memref_slice %arg21[%dma_wait3A_206, %dma_wait3A_209] : memref<8x128xi32, #tpu.memory_space<vmem>> -> memref<1x128xi32, #tpu.memory_space<vmem>>
    %dma_wait3A_211 = tpu.memref_squeeze %dma_wait3A_210 : memref<1x128xi32, #tpu.memory_space<vmem>> -> memref<128xi32, #tpu.memory_space<vmem>>
    %dma_wait3A_212 = arith.constant 0 : i32
    %dma_wait3A_213 = tpu.memref_slice %arg6[%dma_wait3A_212] : memref<30336xf32, #tpu.memory_space<hbm>> -> memref<30336xf32, #tpu.memory_space<hbm>>
    tpu.wait_indirect_dma semaphore(%arg22 : memref<!tpu.dma_semaphore, #tpu.memory_space<semaphore_mem>>) src(%dma_wait3A_208 : memref<128xf32, #tpu.memory_space<vmem>>) dst(%dma_wait3A_213 : memref<30336xf32, #tpu.memory_space<hbm>>)
    %dma_start3A_214 = arith.constant 2 : i32
    %dma_start3A_215 = arith.constant 256 : i32
    %dma_start3A_216 = tpu.memref_slice %arg18[%dma_start3A_215] : memref<1024xf32, #tpu.memory_space<vmem>> -> memref<128xf32, #tpu.memory_space<vmem>>
    %dma_start3A_217 = arith.constant 0 : i32
    %dma_start3A_218 = tpu.memref_slice %arg21[%dma_start3A_214, %dma_start3A_217] : memref<8x128xi32, #tpu.memory_space<vmem>> -> memref<1x128xi32, #tpu.memory_space<vmem>>
    %dma_start3A_219 = tpu.memref_squeeze %dma_start3A_218 : memref<1x128xi32, #tpu.memory_space<vmem>> -> memref<128xi32, #tpu.memory_space<vmem>>
    %dma_start3A_220 = arith.constant 0 : i32
    %dma_start3A_221 = tpu.memref_slice %arg7[%dma_start3A_220] : memref<30336xf32, #tpu.memory_space<hbm>> -> memref<30336xf32, #tpu.memory_space<hbm>>
    tpu.enqueue_indirect_dma source(%dma_start3A_216 : memref<128xf32, #tpu.memory_space<vmem>>) target(%dma_start3A_221 : memref<30336xf32, #tpu.memory_space<hbm>>) offsets(%dma_start3A_219 : memref<128xi32, #tpu.memory_space<vmem>>) semaphore(%arg22 : memref<!tpu.dma_semaphore, #tpu.memory_space<semaphore_mem>>)
    %dma_wait3A_222 = arith.constant 2 : i32
    %dma_wait3A_223 = arith.constant 256 : i32
    %dma_wait3A_224 = tpu.memref_slice %arg18[%dma_wait3A_223] : memref<1024xf32, #tpu.memory_space<vmem>> -> memref<128xf32, #tpu.memory_space<vmem>>
    %dma_wait3A_225 = arith.constant 0 : i32
    %dma_wait3A_226 = tpu.memref_slice %arg21[%dma_wait3A_222, %dma_wait3A_225] : memref<8x128xi32, #tpu.memory_space<vmem>> -> memref<1x128xi32, #tpu.memory_space<vmem>>
    %dma_wait3A_227 = tpu.memref_squeeze %dma_wait3A_226 : memref<1x128xi32, #tpu.memory_space<vmem>> -> memref<128xi32, #tpu.memory_space<vmem>>
    %dma_wait3A_228 = arith.constant 0 : i32
    %dma_wait3A_229 = tpu.memref_slice %arg7[%dma_wait3A_228] : memref<30336xf32, #tpu.memory_space<hbm>> -> memref<30336xf32, #tpu.memory_space<hbm>>
    tpu.wait_indirect_dma semaphore(%arg22 : memref<!tpu.dma_semaphore, #tpu.memory_space<semaphore_mem>>) src(%dma_wait3A_224 : memref<128xf32, #tpu.memory_space<vmem>>) dst(%dma_wait3A_229 : memref<30336xf32, #tpu.memory_space<hbm>>)
    %dma_start3A_230 = arith.constant 2 : i32
    %dma_start3A_231 = arith.constant 256 : i32
    %dma_start3A_232 = tpu.memref_slice %arg19[%dma_start3A_231] : memref<1024xi32, #tpu.memory_space<vmem>> -> memref<128xi32, #tpu.memory_space<vmem>>
    %dma_start3A_233 = arith.constant 0 : i32
    %dma_start3A_234 = tpu.memref_slice %arg21[%dma_start3A_230, %dma_start3A_233] : memref<8x128xi32, #tpu.memory_space<vmem>> -> memref<1x128xi32, #tpu.memory_space<vmem>>
    %dma_start3A_235 = tpu.memref_squeeze %dma_start3A_234 : memref<1x128xi32, #tpu.memory_space<vmem>> -> memref<128xi32, #tpu.memory_space<vmem>>
    %dma_start3A_236 = arith.constant 0 : i32
    %dma_start3A_237 = tpu.memref_slice %arg8[%dma_start3A_236] : memref<30336xi32, #tpu.memory_space<hbm>> -> memref<30336xi32, #tpu.memory_space<hbm>>
    tpu.enqueue_indirect_dma source(%dma_start3A_232 : memref<128xi32, #tpu.memory_space<vmem>>) target(%dma_start3A_237 : memref<30336xi32, #tpu.memory_space<hbm>>) offsets(%dma_start3A_235 : memref<128xi32, #tpu.memory_space<vmem>>) semaphore(%arg22 : memref<!tpu.dma_semaphore, #tpu.memory_space<semaphore_mem>>)
    %dma_wait3A_238 = arith.constant 2 : i32
    %dma_wait3A_239 = arith.constant 256 : i32
    %dma_wait3A_240 = tpu.memref_slice %arg19[%dma_wait3A_239] : memref<1024xi32, #tpu.memory_space<vmem>> -> memref<128xi32, #tpu.memory_space<vmem>>
    %dma_wait3A_241 = arith.constant 0 : i32
    %dma_wait3A_242 = tpu.memref_slice %arg21[%dma_wait3A_238, %dma_wait3A_241] : memref<8x128xi32, #tpu.memory_space<vmem>> -> memref<1x128xi32, #tpu.memory_space<vmem>>
    %dma_wait3A_243 = tpu.memref_squeeze %dma_wait3A_242 : memref<1x128xi32, #tpu.memory_space<vmem>> -> memref<128xi32, #tpu.memory_space<vmem>>
    %dma_wait3A_244 = arith.constant 0 : i32
    %dma_wait3A_245 = tpu.memref_slice %arg8[%dma_wait3A_244] : memref<30336xi32, #tpu.memory_space<hbm>> -> memref<30336xi32, #tpu.memory_space<hbm>>
    tpu.wait_indirect_dma semaphore(%arg22 : memref<!tpu.dma_semaphore, #tpu.memory_space<semaphore_mem>>) src(%dma_wait3A_240 : memref<128xi32, #tpu.memory_space<vmem>>) dst(%dma_wait3A_245 : memref<30336xi32, #tpu.memory_space<hbm>>)
    %dma_start3A_246 = arith.constant 3 : i32
    %dma_start3A_247 = arith.constant 384 : i32
    %dma_start3A_248 = tpu.memref_slice %arg16[%dma_start3A_247] : memref<1024xf32, #tpu.memory_space<vmem>> -> memref<128xf32, #tpu.memory_space<vmem>>
    %dma_start3A_249 = arith.constant 0 : i32
    %dma_start3A_250 = tpu.memref_slice %arg21[%dma_start3A_246, %dma_start3A_249] : memref<8x128xi32, #tpu.memory_space<vmem>> -> memref<1x128xi32, #tpu.memory_space<vmem>>
    %dma_start3A_251 = tpu.memref_squeeze %dma_start3A_250 : memref<1x128xi32, #tpu.memory_space<vmem>> -> memref<128xi32, #tpu.memory_space<vmem>>
    %dma_start3A_252 = arith.constant 0 : i32
    %dma_start3A_253 = tpu.memref_slice %arg5[%dma_start3A_252] : memref<30336xf32, #tpu.memory_space<hbm>> -> memref<30336xf32, #tpu.memory_space<hbm>>
    tpu.enqueue_indirect_dma source(%dma_start3A_248 : memref<128xf32, #tpu.memory_space<vmem>>) target(%dma_start3A_253 : memref<30336xf32, #tpu.memory_space<hbm>>) offsets(%dma_start3A_251 : memref<128xi32, #tpu.memory_space<vmem>>) semaphore(%arg22 : memref<!tpu.dma_semaphore, #tpu.memory_space<semaphore_mem>>)
    %dma_wait3A_254 = arith.constant 3 : i32
    %dma_wait3A_255 = arith.constant 384 : i32
    %dma_wait3A_256 = tpu.memref_slice %arg16[%dma_wait3A_255] : memref<1024xf32, #tpu.memory_space<vmem>> -> memref<128xf32, #tpu.memory_space<vmem>>
    %dma_wait3A_257 = arith.constant 0 : i32
    %dma_wait3A_258 = tpu.memref_slice %arg21[%dma_wait3A_254, %dma_wait3A_257] : memref<8x128xi32, #tpu.memory_space<vmem>> -> memref<1x128xi32, #tpu.memory_space<vmem>>
    %dma_wait3A_259 = tpu.memref_squeeze %dma_wait3A_258 : memref<1x128xi32, #tpu.memory_space<vmem>> -> memref<128xi32, #tpu.memory_space<vmem>>
    %dma_wait3A_260 = arith.constant 0 : i32
    %dma_wait3A_261 = tpu.memref_slice %arg5[%dma_wait3A_260] : memref<30336xf32, #tpu.memory_space<hbm>> -> memref<30336xf32, #tpu.memory_space<hbm>>
    tpu.wait_indirect_dma semaphore(%arg22 : memref<!tpu.dma_semaphore, #tpu.memory_space<semaphore_mem>>) src(%dma_wait3A_256 : memref<128xf32, #tpu.memory_space<vmem>>) dst(%dma_wait3A_261 : memref<30336xf32, #tpu.memory_space<hbm>>)
    %dma_start3A_262 = arith.constant 3 : i32
    %dma_start3A_263 = arith.constant 384 : i32
    %dma_start3A_264 = tpu.memref_slice %arg17[%dma_start3A_263] : memref<1024xf32, #tpu.memory_space<vmem>> -> memref<128xf32, #tpu.memory_space<vmem>>
    %dma_start3A_265 = arith.constant 0 : i32
    %dma_start3A_266 = tpu.memref_slice %arg21[%dma_start3A_262, %dma_start3A_265] : memref<8x128xi32, #tpu.memory_space<vmem>> -> memref<1x128xi32, #tpu.memory_space<vmem>>
    %dma_start3A_267 = tpu.memref_squeeze %dma_start3A_266 : memref<1x128xi32, #tpu.memory_space<vmem>> -> memref<128xi32, #tpu.memory_space<vmem>>
    %dma_start3A_268 = arith.constant 0 : i32
    %dma_start3A_269 = tpu.memref_slice %arg6[%dma_start3A_268] : memref<30336xf32, #tpu.memory_space<hbm>> -> memref<30336xf32, #tpu.memory_space<hbm>>
    tpu.enqueue_indirect_dma source(%dma_start3A_264 : memref<128xf32, #tpu.memory_space<vmem>>) target(%dma_start3A_269 : memref<30336xf32, #tpu.memory_space<hbm>>) offsets(%dma_start3A_267 : memref<128xi32, #tpu.memory_space<vmem>>) semaphore(%arg22 : memref<!tpu.dma_semaphore, #tpu.memory_space<semaphore_mem>>)
    %dma_wait3A_270 = arith.constant 3 : i32
    %dma_wait3A_271 = arith.constant 384 : i32
    %dma_wait3A_272 = tpu.memref_slice %arg17[%dma_wait3A_271] : memref<1024xf32, #tpu.memory_space<vmem>> -> memref<128xf32, #tpu.memory_space<vmem>>
    %dma_wait3A_273 = arith.constant 0 : i32
    %dma_wait3A_274 = tpu.memref_slice %arg21[%dma_wait3A_270, %dma_wait3A_273] : memref<8x128xi32, #tpu.memory_space<vmem>> -> memref<1x128xi32, #tpu.memory_space<vmem>>
    %dma_wait3A_275 = tpu.memref_squeeze %dma_wait3A_274 : memref<1x128xi32, #tpu.memory_space<vmem>> -> memref<128xi32, #tpu.memory_space<vmem>>
    %dma_wait3A_276 = arith.constant 0 : i32
    %dma_wait3A_277 = tpu.memref_slice %arg6[%dma_wait3A_276] : memref<30336xf32, #tpu.memory_space<hbm>> -> memref<30336xf32, #tpu.memory_space<hbm>>
    tpu.wait_indirect_dma semaphore(%arg22 : memref<!tpu.dma_semaphore, #tpu.memory_space<semaphore_mem>>) src(%dma_wait3A_272 : memref<128xf32, #tpu.memory_space<vmem>>) dst(%dma_wait3A_277 : memref<30336xf32, #tpu.memory_space<hbm>>)
    %dma_start3A_278 = arith.constant 3 : i32
    %dma_start3A_279 = arith.constant 384 : i32
    %dma_start3A_280 = tpu.memref_slice %arg18[%dma_start3A_279] : memref<1024xf32, #tpu.memory_space<vmem>> -> memref<128xf32, #tpu.memory_space<vmem>>
    %dma_start3A_281 = arith.constant 0 : i32
    %dma_start3A_282 = tpu.memref_slice %arg21[%dma_start3A_278, %dma_start3A_281] : memref<8x128xi32, #tpu.memory_space<vmem>> -> memref<1x128xi32, #tpu.memory_space<vmem>>
    %dma_start3A_283 = tpu.memref_squeeze %dma_start3A_282 : memref<1x128xi32, #tpu.memory_space<vmem>> -> memref<128xi32, #tpu.memory_space<vmem>>
    %dma_start3A_284 = arith.constant 0 : i32
    %dma_start3A_285 = tpu.memref_slice %arg7[%dma_start3A_284] : memref<30336xf32, #tpu.memory_space<hbm>> -> memref<30336xf32, #tpu.memory_space<hbm>>
    tpu.enqueue_indirect_dma source(%dma_start3A_280 : memref<128xf32, #tpu.memory_space<vmem>>) target(%dma_start3A_285 : memref<30336xf32, #tpu.memory_space<hbm>>) offsets(%dma_start3A_283 : memref<128xi32, #tpu.memory_space<vmem>>) semaphore(%arg22 : memref<!tpu.dma_semaphore, #tpu.memory_space<semaphore_mem>>)
    %dma_wait3A_286 = arith.constant 3 : i32
    %dma_wait3A_287 = arith.constant 384 : i32
    %dma_wait3A_288 = tpu.memref_slice %arg18[%dma_wait3A_287] : memref<1024xf32, #tpu.memory_space<vmem>> -> memref<128xf32, #tpu.memory_space<vmem>>
    %dma_wait3A_289 = arith.constant 0 : i32
    %dma_wait3A_290 = tpu.memref_slice %arg21[%dma_wait3A_286, %dma_wait3A_289] : memref<8x128xi32, #tpu.memory_space<vmem>> -> memref<1x128xi32, #tpu.memory_space<vmem>>
    %dma_wait3A_291 = tpu.memref_squeeze %dma_wait3A_290 : memref<1x128xi32, #tpu.memory_space<vmem>> -> memref<128xi32, #tpu.memory_space<vmem>>
    %dma_wait3A_292 = arith.constant 0 : i32
    %dma_wait3A_293 = tpu.memref_slice %arg7[%dma_wait3A_292] : memref<30336xf32, #tpu.memory_space<hbm>> -> memref<30336xf32, #tpu.memory_space<hbm>>
    tpu.wait_indirect_dma semaphore(%arg22 : memref<!tpu.dma_semaphore, #tpu.memory_space<semaphore_mem>>) src(%dma_wait3A_288 : memref<128xf32, #tpu.memory_space<vmem>>) dst(%dma_wait3A_293 : memref<30336xf32, #tpu.memory_space<hbm>>)
    %dma_start3A_294 = arith.constant 3 : i32
    %dma_start3A_295 = arith.constant 384 : i32
    %dma_start3A_296 = tpu.memref_slice %arg19[%dma_start3A_295] : memref<1024xi32, #tpu.memory_space<vmem>> -> memref<128xi32, #tpu.memory_space<vmem>>
    %dma_start3A_297 = arith.constant 0 : i32
    %dma_start3A_298 = tpu.memref_slice %arg21[%dma_start3A_294, %dma_start3A_297] : memref<8x128xi32, #tpu.memory_space<vmem>> -> memref<1x128xi32, #tpu.memory_space<vmem>>
    %dma_start3A_299 = tpu.memref_squeeze %dma_start3A_298 : memref<1x128xi32, #tpu.memory_space<vmem>> -> memref<128xi32, #tpu.memory_space<vmem>>
    %dma_start3A_300 = arith.constant 0 : i32
    %dma_start3A_301 = tpu.memref_slice %arg8[%dma_start3A_300] : memref<30336xi32, #tpu.memory_space<hbm>> -> memref<30336xi32, #tpu.memory_space<hbm>>
    tpu.enqueue_indirect_dma source(%dma_start3A_296 : memref<128xi32, #tpu.memory_space<vmem>>) target(%dma_start3A_301 : memref<30336xi32, #tpu.memory_space<hbm>>) offsets(%dma_start3A_299 : memref<128xi32, #tpu.memory_space<vmem>>) semaphore(%arg22 : memref<!tpu.dma_semaphore, #tpu.memory_space<semaphore_mem>>)
    %dma_wait3A_302 = arith.constant 3 : i32
    %dma_wait3A_303 = arith.constant 384 : i32
    %dma_wait3A_304 = tpu.memref_slice %arg19[%dma_wait3A_303] : memref<1024xi32, #tpu.memory_space<vmem>> -> memref<128xi32, #tpu.memory_space<vmem>>
    %dma_wait3A_305 = arith.constant 0 : i32
    %dma_wait3A_306 = tpu.memref_slice %arg21[%dma_wait3A_302, %dma_wait3A_305] : memref<8x128xi32, #tpu.memory_space<vmem>> -> memref<1x128xi32, #tpu.memory_space<vmem>>
    %dma_wait3A_307 = tpu.memref_squeeze %dma_wait3A_306 : memref<1x128xi32, #tpu.memory_space<vmem>> -> memref<128xi32, #tpu.memory_space<vmem>>
    %dma_wait3A_308 = arith.constant 0 : i32
    %dma_wait3A_309 = tpu.memref_slice %arg8[%dma_wait3A_308] : memref<30336xi32, #tpu.memory_space<hbm>> -> memref<30336xi32, #tpu.memory_space<hbm>>
    tpu.wait_indirect_dma semaphore(%arg22 : memref<!tpu.dma_semaphore, #tpu.memory_space<semaphore_mem>>) src(%dma_wait3A_304 : memref<128xi32, #tpu.memory_space<vmem>>) dst(%dma_wait3A_309 : memref<30336xi32, #tpu.memory_space<hbm>>)
    %dma_start3A_310 = arith.constant 4 : i32
    %dma_start3A_311 = arith.constant 512 : i32
    %dma_start3A_312 = tpu.memref_slice %arg16[%dma_start3A_311] : memref<1024xf32, #tpu.memory_space<vmem>> -> memref<128xf32, #tpu.memory_space<vmem>>
    %dma_start3A_313 = arith.constant 0 : i32
    %dma_start3A_314 = tpu.memref_slice %arg21[%dma_start3A_310, %dma_start3A_313] : memref<8x128xi32, #tpu.memory_space<vmem>> -> memref<1x128xi32, #tpu.memory_space<vmem>>
    %dma_start3A_315 = tpu.memref_squeeze %dma_start3A_314 : memref<1x128xi32, #tpu.memory_space<vmem>> -> memref<128xi32, #tpu.memory_space<vmem>>
    %dma_start3A_316 = arith.constant 0 : i32
    %dma_start3A_317 = tpu.memref_slice %arg5[%dma_start3A_316] : memref<30336xf32, #tpu.memory_space<hbm>> -> memref<30336xf32, #tpu.memory_space<hbm>>
    tpu.enqueue_indirect_dma source(%dma_start3A_312 : memref<128xf32, #tpu.memory_space<vmem>>) target(%dma_start3A_317 : memref<30336xf32, #tpu.memory_space<hbm>>) offsets(%dma_start3A_315 : memref<128xi32, #tpu.memory_space<vmem>>) semaphore(%arg22 : memref<!tpu.dma_semaphore, #tpu.memory_space<semaphore_mem>>)
    %dma_wait3A_318 = arith.constant 4 : i32
    %dma_wait3A_319 = arith.constant 512 : i32
    %dma_wait3A_320 = tpu.memref_slice %arg16[%dma_wait3A_319] : memref<1024xf32, #tpu.memory_space<vmem>> -> memref<128xf32, #tpu.memory_space<vmem>>
    %dma_wait3A_321 = arith.constant 0 : i32
    %dma_wait3A_322 = tpu.memref_slice %arg21[%dma_wait3A_318, %dma_wait3A_321] : memref<8x128xi32, #tpu.memory_space<vmem>> -> memref<1x128xi32, #tpu.memory_space<vmem>>
    %dma_wait3A_323 = tpu.memref_squeeze %dma_wait3A_322 : memref<1x128xi32, #tpu.memory_space<vmem>> -> memref<128xi32, #tpu.memory_space<vmem>>
    %dma_wait3A_324 = arith.constant 0 : i32
    %dma_wait3A_325 = tpu.memref_slice %arg5[%dma_wait3A_324] : memref<30336xf32, #tpu.memory_space<hbm>> -> memref<30336xf32, #tpu.memory_space<hbm>>
    tpu.wait_indirect_dma semaphore(%arg22 : memref<!tpu.dma_semaphore, #tpu.memory_space<semaphore_mem>>) src(%dma_wait3A_320 : memref<128xf32, #tpu.memory_space<vmem>>) dst(%dma_wait3A_325 : memref<30336xf32, #tpu.memory_space<hbm>>)
    %dma_start3A_326 = arith.constant 4 : i32
    %dma_start3A_327 = arith.constant 512 : i32
    %dma_start3A_328 = tpu.memref_slice %arg17[%dma_start3A_327] : memref<1024xf32, #tpu.memory_space<vmem>> -> memref<128xf32, #tpu.memory_space<vmem>>
    %dma_start3A_329 = arith.constant 0 : i32
    %dma_start3A_330 = tpu.memref_slice %arg21[%dma_start3A_326, %dma_start3A_329] : memref<8x128xi32, #tpu.memory_space<vmem>> -> memref<1x128xi32, #tpu.memory_space<vmem>>
    %dma_start3A_331 = tpu.memref_squeeze %dma_start3A_330 : memref<1x128xi32, #tpu.memory_space<vmem>> -> memref<128xi32, #tpu.memory_space<vmem>>
    %dma_start3A_332 = arith.constant 0 : i32
    %dma_start3A_333 = tpu.memref_slice %arg6[%dma_start3A_332] : memref<30336xf32, #tpu.memory_space<hbm>> -> memref<30336xf32, #tpu.memory_space<hbm>>
    tpu.enqueue_indirect_dma source(%dma_start3A_328 : memref<128xf32, #tpu.memory_space<vmem>>) target(%dma_start3A_333 : memref<30336xf32, #tpu.memory_space<hbm>>) offsets(%dma_start3A_331 : memref<128xi32, #tpu.memory_space<vmem>>) semaphore(%arg22 : memref<!tpu.dma_semaphore, #tpu.memory_space<semaphore_mem>>)
    %dma_wait3A_334 = arith.constant 4 : i32
    %dma_wait3A_335 = arith.constant 512 : i32
    %dma_wait3A_336 = tpu.memref_slice %arg17[%dma_wait3A_335] : memref<1024xf32, #tpu.memory_space<vmem>> -> memref<128xf32, #tpu.memory_space<vmem>>
    %dma_wait3A_337 = arith.constant 0 : i32
    %dma_wait3A_338 = tpu.memref_slice %arg21[%dma_wait3A_334, %dma_wait3A_337] : memref<8x128xi32, #tpu.memory_space<vmem>> -> memref<1x128xi32, #tpu.memory_space<vmem>>
    %dma_wait3A_339 = tpu.memref_squeeze %dma_wait3A_338 : memref<1x128xi32, #tpu.memory_space<vmem>> -> memref<128xi32, #tpu.memory_space<vmem>>
    %dma_wait3A_340 = arith.constant 0 : i32
    %dma_wait3A_341 = tpu.memref_slice %arg6[%dma_wait3A_340] : memref<30336xf32, #tpu.memory_space<hbm>> -> memref<30336xf32, #tpu.memory_space<hbm>>
    tpu.wait_indirect_dma semaphore(%arg22 : memref<!tpu.dma_semaphore, #tpu.memory_space<semaphore_mem>>) src(%dma_wait3A_336 : memref<128xf32, #tpu.memory_space<vmem>>) dst(%dma_wait3A_341 : memref<30336xf32, #tpu.memory_space<hbm>>)
    %dma_start3A_342 = arith.constant 4 : i32
    %dma_start3A_343 = arith.constant 512 : i32
    %dma_start3A_344 = tpu.memref_slice %arg18[%dma_start3A_343] : memref<1024xf32, #tpu.memory_space<vmem>> -> memref<128xf32, #tpu.memory_space<vmem>>
    %dma_start3A_345 = arith.constant 0 : i32
    %dma_start3A_346 = tpu.memref_slice %arg21[%dma_start3A_342, %dma_start3A_345] : memref<8x128xi32, #tpu.memory_space<vmem>> -> memref<1x128xi32, #tpu.memory_space<vmem>>
    %dma_start3A_347 = tpu.memref_squeeze %dma_start3A_346 : memref<1x128xi32, #tpu.memory_space<vmem>> -> memref<128xi32, #tpu.memory_space<vmem>>
    %dma_start3A_348 = arith.constant 0 : i32
    %dma_start3A_349 = tpu.memref_slice %arg7[%dma_start3A_348] : memref<30336xf32, #tpu.memory_space<hbm>> -> memref<30336xf32, #tpu.memory_space<hbm>>
    tpu.enqueue_indirect_dma source(%dma_start3A_344 : memref<128xf32, #tpu.memory_space<vmem>>) target(%dma_start3A_349 : memref<30336xf32, #tpu.memory_space<hbm>>) offsets(%dma_start3A_347 : memref<128xi32, #tpu.memory_space<vmem>>) semaphore(%arg22 : memref<!tpu.dma_semaphore, #tpu.memory_space<semaphore_mem>>)
    %dma_wait3A_350 = arith.constant 4 : i32
    %dma_wait3A_351 = arith.constant 512 : i32
    %dma_wait3A_352 = tpu.memref_slice %arg18[%dma_wait3A_351] : memref<1024xf32, #tpu.memory_space<vmem>> -> memref<128xf32, #tpu.memory_space<vmem>>
    %dma_wait3A_353 = arith.constant 0 : i32
    %dma_wait3A_354 = tpu.memref_slice %arg21[%dma_wait3A_350, %dma_wait3A_353] : memref<8x128xi32, #tpu.memory_space<vmem>> -> memref<1x128xi32, #tpu.memory_space<vmem>>
    %dma_wait3A_355 = tpu.memref_squeeze %dma_wait3A_354 : memref<1x128xi32, #tpu.memory_space<vmem>> -> memref<128xi32, #tpu.memory_space<vmem>>
    %dma_wait3A_356 = arith.constant 0 : i32
    %dma_wait3A_357 = tpu.memref_slice %arg7[%dma_wait3A_356] : memref<30336xf32, #tpu.memory_space<hbm>> -> memref<30336xf32, #tpu.memory_space<hbm>>
    tpu.wait_indirect_dma semaphore(%arg22 : memref<!tpu.dma_semaphore, #tpu.memory_space<semaphore_mem>>) src(%dma_wait3A_352 : memref<128xf32, #tpu.memory_space<vmem>>) dst(%dma_wait3A_357 : memref<30336xf32, #tpu.memory_space<hbm>>)
    %dma_start3A_358 = arith.constant 4 : i32
    %dma_start3A_359 = arith.constant 512 : i32
    %dma_start3A_360 = tpu.memref_slice %arg19[%dma_start3A_359] : memref<1024xi32, #tpu.memory_space<vmem>> -> memref<128xi32, #tpu.memory_space<vmem>>
    %dma_start3A_361 = arith.constant 0 : i32
    %dma_start3A_362 = tpu.memref_slice %arg21[%dma_start3A_358, %dma_start3A_361] : memref<8x128xi32, #tpu.memory_space<vmem>> -> memref<1x128xi32, #tpu.memory_space<vmem>>
    %dma_start3A_363 = tpu.memref_squeeze %dma_start3A_362 : memref<1x128xi32, #tpu.memory_space<vmem>> -> memref<128xi32, #tpu.memory_space<vmem>>
    %dma_start3A_364 = arith.constant 0 : i32
    %dma_start3A_365 = tpu.memref_slice %arg8[%dma_start3A_364] : memref<30336xi32, #tpu.memory_space<hbm>> -> memref<30336xi32, #tpu.memory_space<hbm>>
    tpu.enqueue_indirect_dma source(%dma_start3A_360 : memref<128xi32, #tpu.memory_space<vmem>>) target(%dma_start3A_365 : memref<30336xi32, #tpu.memory_space<hbm>>) offsets(%dma_start3A_363 : memref<128xi32, #tpu.memory_space<vmem>>) semaphore(%arg22 : memref<!tpu.dma_semaphore, #tpu.memory_space<semaphore_mem>>)
    %dma_wait3A_366 = arith.constant 4 : i32
    %dma_wait3A_367 = arith.constant 512 : i32
    %dma_wait3A_368 = tpu.memref_slice %arg19[%dma_wait3A_367] : memref<1024xi32, #tpu.memory_space<vmem>> -> memref<128xi32, #tpu.memory_space<vmem>>
    %dma_wait3A_369 = arith.constant 0 : i32
    %dma_wait3A_370 = tpu.memref_slice %arg21[%dma_wait3A_366, %dma_wait3A_369] : memref<8x128xi32, #tpu.memory_space<vmem>> -> memref<1x128xi32, #tpu.memory_space<vmem>>
    %dma_wait3A_371 = tpu.memref_squeeze %dma_wait3A_370 : memref<1x128xi32, #tpu.memory_space<vmem>> -> memref<128xi32, #tpu.memory_space<vmem>>
    %dma_wait3A_372 = arith.constant 0 : i32
    %dma_wait3A_373 = tpu.memref_slice %arg8[%dma_wait3A_372] : memref<30336xi32, #tpu.memory_space<hbm>> -> memref<30336xi32, #tpu.memory_space<hbm>>
    tpu.wait_indirect_dma semaphore(%arg22 : memref<!tpu.dma_semaphore, #tpu.memory_space<semaphore_mem>>) src(%dma_wait3A_368 : memref<128xi32, #tpu.memory_space<vmem>>) dst(%dma_wait3A_373 : memref<30336xi32, #tpu.memory_space<hbm>>)
    %dma_start3A_374 = arith.constant 5 : i32
    %dma_start3A_375 = arith.constant 640 : i32
    %dma_start3A_376 = tpu.memref_slice %arg16[%dma_start3A_375] : memref<1024xf32, #tpu.memory_space<vmem>> -> memref<128xf32, #tpu.memory_space<vmem>>
    %dma_start3A_377 = arith.constant 0 : i32
    %dma_start3A_378 = tpu.memref_slice %arg21[%dma_start3A_374, %dma_start3A_377] : memref<8x128xi32, #tpu.memory_space<vmem>> -> memref<1x128xi32, #tpu.memory_space<vmem>>
    %dma_start3A_379 = tpu.memref_squeeze %dma_start3A_378 : memref<1x128xi32, #tpu.memory_space<vmem>> -> memref<128xi32, #tpu.memory_space<vmem>>
    %dma_start3A_380 = arith.constant 0 : i32
    %dma_start3A_381 = tpu.memref_slice %arg5[%dma_start3A_380] : memref<30336xf32, #tpu.memory_space<hbm>> -> memref<30336xf32, #tpu.memory_space<hbm>>
    tpu.enqueue_indirect_dma source(%dma_start3A_376 : memref<128xf32, #tpu.memory_space<vmem>>) target(%dma_start3A_381 : memref<30336xf32, #tpu.memory_space<hbm>>) offsets(%dma_start3A_379 : memref<128xi32, #tpu.memory_space<vmem>>) semaphore(%arg22 : memref<!tpu.dma_semaphore, #tpu.memory_space<semaphore_mem>>)
    %dma_wait3A_382 = arith.constant 5 : i32
    %dma_wait3A_383 = arith.constant 640 : i32
    %dma_wait3A_384 = tpu.memref_slice %arg16[%dma_wait3A_383] : memref<1024xf32, #tpu.memory_space<vmem>> -> memref<128xf32, #tpu.memory_space<vmem>>
    %dma_wait3A_385 = arith.constant 0 : i32
    %dma_wait3A_386 = tpu.memref_slice %arg21[%dma_wait3A_382, %dma_wait3A_385] : memref<8x128xi32, #tpu.memory_space<vmem>> -> memref<1x128xi32, #tpu.memory_space<vmem>>
    %dma_wait3A_387 = tpu.memref_squeeze %dma_wait3A_386 : memref<1x128xi32, #tpu.memory_space<vmem>> -> memref<128xi32, #tpu.memory_space<vmem>>
    %dma_wait3A_388 = arith.constant 0 : i32
    %dma_wait3A_389 = tpu.memref_slice %arg5[%dma_wait3A_388] : memref<30336xf32, #tpu.memory_space<hbm>> -> memref<30336xf32, #tpu.memory_space<hbm>>
    tpu.wait_indirect_dma semaphore(%arg22 : memref<!tpu.dma_semaphore, #tpu.memory_space<semaphore_mem>>) src(%dma_wait3A_384 : memref<128xf32, #tpu.memory_space<vmem>>) dst(%dma_wait3A_389 : memref<30336xf32, #tpu.memory_space<hbm>>)
    %dma_start3A_390 = arith.constant 5 : i32
    %dma_start3A_391 = arith.constant 640 : i32
    %dma_start3A_392 = tpu.memref_slice %arg17[%dma_start3A_391] : memref<1024xf32, #tpu.memory_space<vmem>> -> memref<128xf32, #tpu.memory_space<vmem>>
    %dma_start3A_393 = arith.constant 0 : i32
    %dma_start3A_394 = tpu.memref_slice %arg21[%dma_start3A_390, %dma_start3A_393] : memref<8x128xi32, #tpu.memory_space<vmem>> -> memref<1x128xi32, #tpu.memory_space<vmem>>
    %dma_start3A_395 = tpu.memref_squeeze %dma_start3A_394 : memref<1x128xi32, #tpu.memory_space<vmem>> -> memref<128xi32, #tpu.memory_space<vmem>>
    %dma_start3A_396 = arith.constant 0 : i32
    %dma_start3A_397 = tpu.memref_slice %arg6[%dma_start3A_396] : memref<30336xf32, #tpu.memory_space<hbm>> -> memref<30336xf32, #tpu.memory_space<hbm>>
    tpu.enqueue_indirect_dma source(%dma_start3A_392 : memref<128xf32, #tpu.memory_space<vmem>>) target(%dma_start3A_397 : memref<30336xf32, #tpu.memory_space<hbm>>) offsets(%dma_start3A_395 : memref<128xi32, #tpu.memory_space<vmem>>) semaphore(%arg22 : memref<!tpu.dma_semaphore, #tpu.memory_space<semaphore_mem>>)
    %dma_wait3A_398 = arith.constant 5 : i32
    %dma_wait3A_399 = arith.constant 640 : i32
    %dma_wait3A_400 = tpu.memref_slice %arg17[%dma_wait3A_399] : memref<1024xf32, #tpu.memory_space<vmem>> -> memref<128xf32, #tpu.memory_space<vmem>>
    %dma_wait3A_401 = arith.constant 0 : i32
    %dma_wait3A_402 = tpu.memref_slice %arg21[%dma_wait3A_398, %dma_wait3A_401] : memref<8x128xi32, #tpu.memory_space<vmem>> -> memref<1x128xi32, #tpu.memory_space<vmem>>
    %dma_wait3A_403 = tpu.memref_squeeze %dma_wait3A_402 : memref<1x128xi32, #tpu.memory_space<vmem>> -> memref<128xi32, #tpu.memory_space<vmem>>
    %dma_wait3A_404 = arith.constant 0 : i32
    %dma_wait3A_405 = tpu.memref_slice %arg6[%dma_wait3A_404] : memref<30336xf32, #tpu.memory_space<hbm>> -> memref<30336xf32, #tpu.memory_space<hbm>>
    tpu.wait_indirect_dma semaphore(%arg22 : memref<!tpu.dma_semaphore, #tpu.memory_space<semaphore_mem>>) src(%dma_wait3A_400 : memref<128xf32, #tpu.memory_space<vmem>>) dst(%dma_wait3A_405 : memref<30336xf32, #tpu.memory_space<hbm>>)
    %dma_start3A_406 = arith.constant 5 : i32
    %dma_start3A_407 = arith.constant 640 : i32
    %dma_start3A_408 = tpu.memref_slice %arg18[%dma_start3A_407] : memref<1024xf32, #tpu.memory_space<vmem>> -> memref<128xf32, #tpu.memory_space<vmem>>
    %dma_start3A_409 = arith.constant 0 : i32
    %dma_start3A_410 = tpu.memref_slice %arg21[%dma_start3A_406, %dma_start3A_409] : memref<8x128xi32, #tpu.memory_space<vmem>> -> memref<1x128xi32, #tpu.memory_space<vmem>>
    %dma_start3A_411 = tpu.memref_squeeze %dma_start3A_410 : memref<1x128xi32, #tpu.memory_space<vmem>> -> memref<128xi32, #tpu.memory_space<vmem>>
    %dma_start3A_412 = arith.constant 0 : i32
    %dma_start3A_413 = tpu.memref_slice %arg7[%dma_start3A_412] : memref<30336xf32, #tpu.memory_space<hbm>> -> memref<30336xf32, #tpu.memory_space<hbm>>
    tpu.enqueue_indirect_dma source(%dma_start3A_408 : memref<128xf32, #tpu.memory_space<vmem>>) target(%dma_start3A_413 : memref<30336xf32, #tpu.memory_space<hbm>>) offsets(%dma_start3A_411 : memref<128xi32, #tpu.memory_space<vmem>>) semaphore(%arg22 : memref<!tpu.dma_semaphore, #tpu.memory_space<semaphore_mem>>)
    %dma_wait3A_414 = arith.constant 5 : i32
    %dma_wait3A_415 = arith.constant 640 : i32
    %dma_wait3A_416 = tpu.memref_slice %arg18[%dma_wait3A_415] : memref<1024xf32, #tpu.memory_space<vmem>> -> memref<128xf32, #tpu.memory_space<vmem>>
    %dma_wait3A_417 = arith.constant 0 : i32
    %dma_wait3A_418 = tpu.memref_slice %arg21[%dma_wait3A_414, %dma_wait3A_417] : memref<8x128xi32, #tpu.memory_space<vmem>> -> memref<1x128xi32, #tpu.memory_space<vmem>>
    %dma_wait3A_419 = tpu.memref_squeeze %dma_wait3A_418 : memref<1x128xi32, #tpu.memory_space<vmem>> -> memref<128xi32, #tpu.memory_space<vmem>>
    %dma_wait3A_420 = arith.constant 0 : i32
    %dma_wait3A_421 = tpu.memref_slice %arg7[%dma_wait3A_420] : memref<30336xf32, #tpu.memory_space<hbm>> -> memref<30336xf32, #tpu.memory_space<hbm>>
    tpu.wait_indirect_dma semaphore(%arg22 : memref<!tpu.dma_semaphore, #tpu.memory_space<semaphore_mem>>) src(%dma_wait3A_416 : memref<128xf32, #tpu.memory_space<vmem>>) dst(%dma_wait3A_421 : memref<30336xf32, #tpu.memory_space<hbm>>)
    %dma_start3A_422 = arith.constant 5 : i32
    %dma_start3A_423 = arith.constant 640 : i32
    %dma_start3A_424 = tpu.memref_slice %arg19[%dma_start3A_423] : memref<1024xi32, #tpu.memory_space<vmem>> -> memref<128xi32, #tpu.memory_space<vmem>>
    %dma_start3A_425 = arith.constant 0 : i32
    %dma_start3A_426 = tpu.memref_slice %arg21[%dma_start3A_422, %dma_start3A_425] : memref<8x128xi32, #tpu.memory_space<vmem>> -> memref<1x128xi32, #tpu.memory_space<vmem>>
    %dma_start3A_427 = tpu.memref_squeeze %dma_start3A_426 : memref<1x128xi32, #tpu.memory_space<vmem>> -> memref<128xi32, #tpu.memory_space<vmem>>
    %dma_start3A_428 = arith.constant 0 : i32
    %dma_start3A_429 = tpu.memref_slice %arg8[%dma_start3A_428] : memref<30336xi32, #tpu.memory_space<hbm>> -> memref<30336xi32, #tpu.memory_space<hbm>>
    tpu.enqueue_indirect_dma source(%dma_start3A_424 : memref<128xi32, #tpu.memory_space<vmem>>) target(%dma_start3A_429 : memref<30336xi32, #tpu.memory_space<hbm>>) offsets(%dma_start3A_427 : memref<128xi32, #tpu.memory_space<vmem>>) semaphore(%arg22 : memref<!tpu.dma_semaphore, #tpu.memory_space<semaphore_mem>>)
    %dma_wait3A_430 = arith.constant 5 : i32
    %dma_wait3A_431 = arith.constant 640 : i32
    %dma_wait3A_432 = tpu.memref_slice %arg19[%dma_wait3A_431] : memref<1024xi32, #tpu.memory_space<vmem>> -> memref<128xi32, #tpu.memory_space<vmem>>
    %dma_wait3A_433 = arith.constant 0 : i32
    %dma_wait3A_434 = tpu.memref_slice %arg21[%dma_wait3A_430, %dma_wait3A_433] : memref<8x128xi32, #tpu.memory_space<vmem>> -> memref<1x128xi32, #tpu.memory_space<vmem>>
    %dma_wait3A_435 = tpu.memref_squeeze %dma_wait3A_434 : memref<1x128xi32, #tpu.memory_space<vmem>> -> memref<128xi32, #tpu.memory_space<vmem>>
    %dma_wait3A_436 = arith.constant 0 : i32
    %dma_wait3A_437 = tpu.memref_slice %arg8[%dma_wait3A_436] : memref<30336xi32, #tpu.memory_space<hbm>> -> memref<30336xi32, #tpu.memory_space<hbm>>
    tpu.wait_indirect_dma semaphore(%arg22 : memref<!tpu.dma_semaphore, #tpu.memory_space<semaphore_mem>>) src(%dma_wait3A_432 : memref<128xi32, #tpu.memory_space<vmem>>) dst(%dma_wait3A_437 : memref<30336xi32, #tpu.memory_space<hbm>>)
    %dma_start3A_438 = arith.constant 6 : i32
    %dma_start3A_439 = arith.constant 768 : i32
    %dma_start3A_440 = tpu.memref_slice %arg16[%dma_start3A_439] : memref<1024xf32, #tpu.memory_space<vmem>> -> memref<128xf32, #tpu.memory_space<vmem>>
    %dma_start3A_441 = arith.constant 0 : i32
    %dma_start3A_442 = tpu.memref_slice %arg21[%dma_start3A_438, %dma_start3A_441] : memref<8x128xi32, #tpu.memory_space<vmem>> -> memref<1x128xi32, #tpu.memory_space<vmem>>
    %dma_start3A_443 = tpu.memref_squeeze %dma_start3A_442 : memref<1x128xi32, #tpu.memory_space<vmem>> -> memref<128xi32, #tpu.memory_space<vmem>>
    %dma_start3A_444 = arith.constant 0 : i32
    %dma_start3A_445 = tpu.memref_slice %arg5[%dma_start3A_444] : memref<30336xf32, #tpu.memory_space<hbm>> -> memref<30336xf32, #tpu.memory_space<hbm>>
    tpu.enqueue_indirect_dma source(%dma_start3A_440 : memref<128xf32, #tpu.memory_space<vmem>>) target(%dma_start3A_445 : memref<30336xf32, #tpu.memory_space<hbm>>) offsets(%dma_start3A_443 : memref<128xi32, #tpu.memory_space<vmem>>) semaphore(%arg22 : memref<!tpu.dma_semaphore, #tpu.memory_space<semaphore_mem>>)
    %dma_wait3A_446 = arith.constant 6 : i32
    %dma_wait3A_447 = arith.constant 768 : i32
    %dma_wait3A_448 = tpu.memref_slice %arg16[%dma_wait3A_447] : memref<1024xf32, #tpu.memory_space<vmem>> -> memref<128xf32, #tpu.memory_space<vmem>>
    %dma_wait3A_449 = arith.constant 0 : i32
    %dma_wait3A_450 = tpu.memref_slice %arg21[%dma_wait3A_446, %dma_wait3A_449] : memref<8x128xi32, #tpu.memory_space<vmem>> -> memref<1x128xi32, #tpu.memory_space<vmem>>
    %dma_wait3A_451 = tpu.memref_squeeze %dma_wait3A_450 : memref<1x128xi32, #tpu.memory_space<vmem>> -> memref<128xi32, #tpu.memory_space<vmem>>
    %dma_wait3A_452 = arith.constant 0 : i32
    %dma_wait3A_453 = tpu.memref_slice %arg5[%dma_wait3A_452] : memref<30336xf32, #tpu.memory_space<hbm>> -> memref<30336xf32, #tpu.memory_space<hbm>>
    tpu.wait_indirect_dma semaphore(%arg22 : memref<!tpu.dma_semaphore, #tpu.memory_space<semaphore_mem>>) src(%dma_wait3A_448 : memref<128xf32, #tpu.memory_space<vmem>>) dst(%dma_wait3A_453 : memref<30336xf32, #tpu.memory_space<hbm>>)
    %dma_start3A_454 = arith.constant 6 : i32
    %dma_start3A_455 = arith.constant 768 : i32
    %dma_start3A_456 = tpu.memref_slice %arg17[%dma_start3A_455] : memref<1024xf32, #tpu.memory_space<vmem>> -> memref<128xf32, #tpu.memory_space<vmem>>
    %dma_start3A_457 = arith.constant 0 : i32
    %dma_start3A_458 = tpu.memref_slice %arg21[%dma_start3A_454, %dma_start3A_457] : memref<8x128xi32, #tpu.memory_space<vmem>> -> memref<1x128xi32, #tpu.memory_space<vmem>>
    %dma_start3A_459 = tpu.memref_squeeze %dma_start3A_458 : memref<1x128xi32, #tpu.memory_space<vmem>> -> memref<128xi32, #tpu.memory_space<vmem>>
    %dma_start3A_460 = arith.constant 0 : i32
    %dma_start3A_461 = tpu.memref_slice %arg6[%dma_start3A_460] : memref<30336xf32, #tpu.memory_space<hbm>> -> memref<30336xf32, #tpu.memory_space<hbm>>
    tpu.enqueue_indirect_dma source(%dma_start3A_456 : memref<128xf32, #tpu.memory_space<vmem>>) target(%dma_start3A_461 : memref<30336xf32, #tpu.memory_space<hbm>>) offsets(%dma_start3A_459 : memref<128xi32, #tpu.memory_space<vmem>>) semaphore(%arg22 : memref<!tpu.dma_semaphore, #tpu.memory_space<semaphore_mem>>)
    %dma_wait3A_462 = arith.constant 6 : i32
    %dma_wait3A_463 = arith.constant 768 : i32
    %dma_wait3A_464 = tpu.memref_slice %arg17[%dma_wait3A_463] : memref<1024xf32, #tpu.memory_space<vmem>> -> memref<128xf32, #tpu.memory_space<vmem>>
    %dma_wait3A_465 = arith.constant 0 : i32
    %dma_wait3A_466 = tpu.memref_slice %arg21[%dma_wait3A_462, %dma_wait3A_465] : memref<8x128xi32, #tpu.memory_space<vmem>> -> memref<1x128xi32, #tpu.memory_space<vmem>>
    %dma_wait3A_467 = tpu.memref_squeeze %dma_wait3A_466 : memref<1x128xi32, #tpu.memory_space<vmem>> -> memref<128xi32, #tpu.memory_space<vmem>>
    %dma_wait3A_468 = arith.constant 0 : i32
    %dma_wait3A_469 = tpu.memref_slice %arg6[%dma_wait3A_468] : memref<30336xf32, #tpu.memory_space<hbm>> -> memref<30336xf32, #tpu.memory_space<hbm>>
    tpu.wait_indirect_dma semaphore(%arg22 : memref<!tpu.dma_semaphore, #tpu.memory_space<semaphore_mem>>) src(%dma_wait3A_464 : memref<128xf32, #tpu.memory_space<vmem>>) dst(%dma_wait3A_469 : memref<30336xf32, #tpu.memory_space<hbm>>)
    %dma_start3A_470 = arith.constant 6 : i32
    %dma_start3A_471 = arith.constant 768 : i32
    %dma_start3A_472 = tpu.memref_slice %arg18[%dma_start3A_471] : memref<1024xf32, #tpu.memory_space<vmem>> -> memref<128xf32, #tpu.memory_space<vmem>>
    %dma_start3A_473 = arith.constant 0 : i32
    %dma_start3A_474 = tpu.memref_slice %arg21[%dma_start3A_470, %dma_start3A_473] : memref<8x128xi32, #tpu.memory_space<vmem>> -> memref<1x128xi32, #tpu.memory_space<vmem>>
    %dma_start3A_475 = tpu.memref_squeeze %dma_start3A_474 : memref<1x128xi32, #tpu.memory_space<vmem>> -> memref<128xi32, #tpu.memory_space<vmem>>
    %dma_start3A_476 = arith.constant 0 : i32
    %dma_start3A_477 = tpu.memref_slice %arg7[%dma_start3A_476] : memref<30336xf32, #tpu.memory_space<hbm>> -> memref<30336xf32, #tpu.memory_space<hbm>>
    tpu.enqueue_indirect_dma source(%dma_start3A_472 : memref<128xf32, #tpu.memory_space<vmem>>) target(%dma_start3A_477 : memref<30336xf32, #tpu.memory_space<hbm>>) offsets(%dma_start3A_475 : memref<128xi32, #tpu.memory_space<vmem>>) semaphore(%arg22 : memref<!tpu.dma_semaphore, #tpu.memory_space<semaphore_mem>>)
    %dma_wait3A_478 = arith.constant 6 : i32
    %dma_wait3A_479 = arith.constant 768 : i32
    %dma_wait3A_480 = tpu.memref_slice %arg18[%dma_wait3A_479] : memref<1024xf32, #tpu.memory_space<vmem>> -> memref<128xf32, #tpu.memory_space<vmem>>
    %dma_wait3A_481 = arith.constant 0 : i32
    %dma_wait3A_482 = tpu.memref_slice %arg21[%dma_wait3A_478, %dma_wait3A_481] : memref<8x128xi32, #tpu.memory_space<vmem>> -> memref<1x128xi32, #tpu.memory_space<vmem>>
    %dma_wait3A_483 = tpu.memref_squeeze %dma_wait3A_482 : memref<1x128xi32, #tpu.memory_space<vmem>> -> memref<128xi32, #tpu.memory_space<vmem>>
    %dma_wait3A_484 = arith.constant 0 : i32
    %dma_wait3A_485 = tpu.memref_slice %arg7[%dma_wait3A_484] : memref<30336xf32, #tpu.memory_space<hbm>> -> memref<30336xf32, #tpu.memory_space<hbm>>
    tpu.wait_indirect_dma semaphore(%arg22 : memref<!tpu.dma_semaphore, #tpu.memory_space<semaphore_mem>>) src(%dma_wait3A_480 : memref<128xf32, #tpu.memory_space<vmem>>) dst(%dma_wait3A_485 : memref<30336xf32, #tpu.memory_space<hbm>>)
    %dma_start3A_486 = arith.constant 6 : i32
    %dma_start3A_487 = arith.constant 768 : i32
    %dma_start3A_488 = tpu.memref_slice %arg19[%dma_start3A_487] : memref<1024xi32, #tpu.memory_space<vmem>> -> memref<128xi32, #tpu.memory_space<vmem>>
    %dma_start3A_489 = arith.constant 0 : i32
    %dma_start3A_490 = tpu.memref_slice %arg21[%dma_start3A_486, %dma_start3A_489] : memref<8x128xi32, #tpu.memory_space<vmem>> -> memref<1x128xi32, #tpu.memory_space<vmem>>
    %dma_start3A_491 = tpu.memref_squeeze %dma_start3A_490 : memref<1x128xi32, #tpu.memory_space<vmem>> -> memref<128xi32, #tpu.memory_space<vmem>>
    %dma_start3A_492 = arith.constant 0 : i32
    %dma_start3A_493 = tpu.memref_slice %arg8[%dma_start3A_492] : memref<30336xi32, #tpu.memory_space<hbm>> -> memref<30336xi32, #tpu.memory_space<hbm>>
    tpu.enqueue_indirect_dma source(%dma_start3A_488 : memref<128xi32, #tpu.memory_space<vmem>>) target(%dma_start3A_493 : memref<30336xi32, #tpu.memory_space<hbm>>) offsets(%dma_start3A_491 : memref<128xi32, #tpu.memory_space<vmem>>) semaphore(%arg22 : memref<!tpu.dma_semaphore, #tpu.memory_space<semaphore_mem>>)
    %dma_wait3A_494 = arith.constant 6 : i32
    %dma_wait3A_495 = arith.constant 768 : i32
    %dma_wait3A_496 = tpu.memref_slice %arg19[%dma_wait3A_495] : memref<1024xi32, #tpu.memory_space<vmem>> -> memref<128xi32, #tpu.memory_space<vmem>>
    %dma_wait3A_497 = arith.constant 0 : i32
    %dma_wait3A_498 = tpu.memref_slice %arg21[%dma_wait3A_494, %dma_wait3A_497] : memref<8x128xi32, #tpu.memory_space<vmem>> -> memref<1x128xi32, #tpu.memory_space<vmem>>
    %dma_wait3A_499 = tpu.memref_squeeze %dma_wait3A_498 : memref<1x128xi32, #tpu.memory_space<vmem>> -> memref<128xi32, #tpu.memory_space<vmem>>
    %dma_wait3A_500 = arith.constant 0 : i32
    %dma_wait3A_501 = tpu.memref_slice %arg8[%dma_wait3A_500] : memref<30336xi32, #tpu.memory_space<hbm>> -> memref<30336xi32, #tpu.memory_space<hbm>>
    tpu.wait_indirect_dma semaphore(%arg22 : memref<!tpu.dma_semaphore, #tpu.memory_space<semaphore_mem>>) src(%dma_wait3A_496 : memref<128xi32, #tpu.memory_space<vmem>>) dst(%dma_wait3A_501 : memref<30336xi32, #tpu.memory_space<hbm>>)
    %dma_start3A_502 = arith.constant 7 : i32
    %dma_start3A_503 = arith.constant 896 : i32
    %dma_start3A_504 = tpu.memref_slice %arg16[%dma_start3A_503] : memref<1024xf32, #tpu.memory_space<vmem>> -> memref<128xf32, #tpu.memory_space<vmem>>
    %dma_start3A_505 = arith.constant 0 : i32
    %dma_start3A_506 = tpu.memref_slice %arg21[%dma_start3A_502, %dma_start3A_505] : memref<8x128xi32, #tpu.memory_space<vmem>> -> memref<1x128xi32, #tpu.memory_space<vmem>>
    %dma_start3A_507 = tpu.memref_squeeze %dma_start3A_506 : memref<1x128xi32, #tpu.memory_space<vmem>> -> memref<128xi32, #tpu.memory_space<vmem>>
    %dma_start3A_508 = arith.constant 0 : i32
    %dma_start3A_509 = tpu.memref_slice %arg5[%dma_start3A_508] : memref<30336xf32, #tpu.memory_space<hbm>> -> memref<30336xf32, #tpu.memory_space<hbm>>
    tpu.enqueue_indirect_dma source(%dma_start3A_504 : memref<128xf32, #tpu.memory_space<vmem>>) target(%dma_start3A_509 : memref<30336xf32, #tpu.memory_space<hbm>>) offsets(%dma_start3A_507 : memref<128xi32, #tpu.memory_space<vmem>>) semaphore(%arg22 : memref<!tpu.dma_semaphore, #tpu.memory_space<semaphore_mem>>)
    %dma_wait3A_510 = arith.constant 7 : i32
    %dma_wait3A_511 = arith.constant 896 : i32
    %dma_wait3A_512 = tpu.memref_slice %arg16[%dma_wait3A_511] : memref<1024xf32, #tpu.memory_space<vmem>> -> memref<128xf32, #tpu.memory_space<vmem>>
    %dma_wait3A_513 = arith.constant 0 : i32
    %dma_wait3A_514 = tpu.memref_slice %arg21[%dma_wait3A_510, %dma_wait3A_513] : memref<8x128xi32, #tpu.memory_space<vmem>> -> memref<1x128xi32, #tpu.memory_space<vmem>>
    %dma_wait3A_515 = tpu.memref_squeeze %dma_wait3A_514 : memref<1x128xi32, #tpu.memory_space<vmem>> -> memref<128xi32, #tpu.memory_space<vmem>>
    %dma_wait3A_516 = arith.constant 0 : i32
    %dma_wait3A_517 = tpu.memref_slice %arg5[%dma_wait3A_516] : memref<30336xf32, #tpu.memory_space<hbm>> -> memref<30336xf32, #tpu.memory_space<hbm>>
    tpu.wait_indirect_dma semaphore(%arg22 : memref<!tpu.dma_semaphore, #tpu.memory_space<semaphore_mem>>) src(%dma_wait3A_512 : memref<128xf32, #tpu.memory_space<vmem>>) dst(%dma_wait3A_517 : memref<30336xf32, #tpu.memory_space<hbm>>)
    %dma_start3A_518 = arith.constant 7 : i32
    %dma_start3A_519 = arith.constant 896 : i32
    %dma_start3A_520 = tpu.memref_slice %arg17[%dma_start3A_519] : memref<1024xf32, #tpu.memory_space<vmem>> -> memref<128xf32, #tpu.memory_space<vmem>>
    %dma_start3A_521 = arith.constant 0 : i32
    %dma_start3A_522 = tpu.memref_slice %arg21[%dma_start3A_518, %dma_start3A_521] : memref<8x128xi32, #tpu.memory_space<vmem>> -> memref<1x128xi32, #tpu.memory_space<vmem>>
    %dma_start3A_523 = tpu.memref_squeeze %dma_start3A_522 : memref<1x128xi32, #tpu.memory_space<vmem>> -> memref<128xi32, #tpu.memory_space<vmem>>
    %dma_start3A_524 = arith.constant 0 : i32
    %dma_start3A_525 = tpu.memref_slice %arg6[%dma_start3A_524] : memref<30336xf32, #tpu.memory_space<hbm>> -> memref<30336xf32, #tpu.memory_space<hbm>>
    tpu.enqueue_indirect_dma source(%dma_start3A_520 : memref<128xf32, #tpu.memory_space<vmem>>) target(%dma_start3A_525 : memref<30336xf32, #tpu.memory_space<hbm>>) offsets(%dma_start3A_523 : memref<128xi32, #tpu.memory_space<vmem>>) semaphore(%arg22 : memref<!tpu.dma_semaphore, #tpu.memory_space<semaphore_mem>>)
    %dma_wait3A_526 = arith.constant 7 : i32
    %dma_wait3A_527 = arith.constant 896 : i32
    %dma_wait3A_528 = tpu.memref_slice %arg17[%dma_wait3A_527] : memref<1024xf32, #tpu.memory_space<vmem>> -> memref<128xf32, #tpu.memory_space<vmem>>
    %dma_wait3A_529 = arith.constant 0 : i32
    %dma_wait3A_530 = tpu.memref_slice %arg21[%dma_wait3A_526, %dma_wait3A_529] : memref<8x128xi32, #tpu.memory_space<vmem>> -> memref<1x128xi32, #tpu.memory_space<vmem>>
    %dma_wait3A_531 = tpu.memref_squeeze %dma_wait3A_530 : memref<1x128xi32, #tpu.memory_space<vmem>> -> memref<128xi32, #tpu.memory_space<vmem>>
    %dma_wait3A_532 = arith.constant 0 : i32
    %dma_wait3A_533 = tpu.memref_slice %arg6[%dma_wait3A_532] : memref<30336xf32, #tpu.memory_space<hbm>> -> memref<30336xf32, #tpu.memory_space<hbm>>
    tpu.wait_indirect_dma semaphore(%arg22 : memref<!tpu.dma_semaphore, #tpu.memory_space<semaphore_mem>>) src(%dma_wait3A_528 : memref<128xf32, #tpu.memory_space<vmem>>) dst(%dma_wait3A_533 : memref<30336xf32, #tpu.memory_space<hbm>>)
    %dma_start3A_534 = arith.constant 7 : i32
    %dma_start3A_535 = arith.constant 896 : i32
    %dma_start3A_536 = tpu.memref_slice %arg18[%dma_start3A_535] : memref<1024xf32, #tpu.memory_space<vmem>> -> memref<128xf32, #tpu.memory_space<vmem>>
    %dma_start3A_537 = arith.constant 0 : i32
    %dma_start3A_538 = tpu.memref_slice %arg21[%dma_start3A_534, %dma_start3A_537] : memref<8x128xi32, #tpu.memory_space<vmem>> -> memref<1x128xi32, #tpu.memory_space<vmem>>
    %dma_start3A_539 = tpu.memref_squeeze %dma_start3A_538 : memref<1x128xi32, #tpu.memory_space<vmem>> -> memref<128xi32, #tpu.memory_space<vmem>>
    %dma_start3A_540 = arith.constant 0 : i32
    %dma_start3A_541 = tpu.memref_slice %arg7[%dma_start3A_540] : memref<30336xf32, #tpu.memory_space<hbm>> -> memref<30336xf32, #tpu.memory_space<hbm>>
    tpu.enqueue_indirect_dma source(%dma_start3A_536 : memref<128xf32, #tpu.memory_space<vmem>>) target(%dma_start3A_541 : memref<30336xf32, #tpu.memory_space<hbm>>) offsets(%dma_start3A_539 : memref<128xi32, #tpu.memory_space<vmem>>) semaphore(%arg22 : memref<!tpu.dma_semaphore, #tpu.memory_space<semaphore_mem>>)
    %dma_wait3A_542 = arith.constant 7 : i32
    %dma_wait3A_543 = arith.constant 896 : i32
    %dma_wait3A_544 = tpu.memref_slice %arg18[%dma_wait3A_543] : memref<1024xf32, #tpu.memory_space<vmem>> -> memref<128xf32, #tpu.memory_space<vmem>>
    %dma_wait3A_545 = arith.constant 0 : i32
    %dma_wait3A_546 = tpu.memref_slice %arg21[%dma_wait3A_542, %dma_wait3A_545] : memref<8x128xi32, #tpu.memory_space<vmem>> -> memref<1x128xi32, #tpu.memory_space<vmem>>
    %dma_wait3A_547 = tpu.memref_squeeze %dma_wait3A_546 : memref<1x128xi32, #tpu.memory_space<vmem>> -> memref<128xi32, #tpu.memory_space<vmem>>
    %dma_wait3A_548 = arith.constant 0 : i32
    %dma_wait3A_549 = tpu.memref_slice %arg7[%dma_wait3A_548] : memref<30336xf32, #tpu.memory_space<hbm>> -> memref<30336xf32, #tpu.memory_space<hbm>>
    tpu.wait_indirect_dma semaphore(%arg22 : memref<!tpu.dma_semaphore, #tpu.memory_space<semaphore_mem>>) src(%dma_wait3A_544 : memref<128xf32, #tpu.memory_space<vmem>>) dst(%dma_wait3A_549 : memref<30336xf32, #tpu.memory_space<hbm>>)
    %dma_start3A_550 = arith.constant 7 : i32
    %dma_start3A_551 = arith.constant 896 : i32
    %dma_start3A_552 = tpu.memref_slice %arg19[%dma_start3A_551] : memref<1024xi32, #tpu.memory_space<vmem>> -> memref<128xi32, #tpu.memory_space<vmem>>
    %dma_start3A_553 = arith.constant 0 : i32
    %dma_start3A_554 = tpu.memref_slice %arg21[%dma_start3A_550, %dma_start3A_553] : memref<8x128xi32, #tpu.memory_space<vmem>> -> memref<1x128xi32, #tpu.memory_space<vmem>>
    %dma_start3A_555 = tpu.memref_squeeze %dma_start3A_554 : memref<1x128xi32, #tpu.memory_space<vmem>> -> memref<128xi32, #tpu.memory_space<vmem>>
    %dma_start3A_556 = arith.constant 0 : i32
    %dma_start3A_557 = tpu.memref_slice %arg8[%dma_start3A_556] : memref<30336xi32, #tpu.memory_space<hbm>> -> memref<30336xi32, #tpu.memory_space<hbm>>
    tpu.enqueue_indirect_dma source(%dma_start3A_552 : memref<128xi32, #tpu.memory_space<vmem>>) target(%dma_start3A_557 : memref<30336xi32, #tpu.memory_space<hbm>>) offsets(%dma_start3A_555 : memref<128xi32, #tpu.memory_space<vmem>>) semaphore(%arg22 : memref<!tpu.dma_semaphore, #tpu.memory_space<semaphore_mem>>)
    %dma_wait3A_558 = arith.constant 7 : i32
    %dma_wait3A_559 = arith.constant 896 : i32
    %dma_wait3A_560 = tpu.memref_slice %arg19[%dma_wait3A_559] : memref<1024xi32, #tpu.memory_space<vmem>> -> memref<128xi32, #tpu.memory_space<vmem>>
    %dma_wait3A_561 = arith.constant 0 : i32
    %dma_wait3A_562 = tpu.memref_slice %arg21[%dma_wait3A_558, %dma_wait3A_561] : memref<8x128xi32, #tpu.memory_space<vmem>> -> memref<1x128xi32, #tpu.memory_space<vmem>>
    %dma_wait3A_563 = tpu.memref_squeeze %dma_wait3A_562 : memref<1x128xi32, #tpu.memory_space<vmem>> -> memref<128xi32, #tpu.memory_space<vmem>>
    %dma_wait3A_564 = arith.constant 0 : i32
    %dma_wait3A_565 = tpu.memref_slice %arg8[%dma_wait3A_564] : memref<30336xi32, #tpu.memory_space<hbm>> -> memref<30336xi32, #tpu.memory_space<hbm>>
    tpu.wait_indirect_dma semaphore(%arg22 : memref<!tpu.dma_semaphore, #tpu.memory_space<semaphore_mem>>) src(%dma_wait3A_560 : memref<128xi32, #tpu.memory_space<vmem>>) dst(%dma_wait3A_565 : memref<30336xi32, #tpu.memory_space<hbm>>)
    return
  }
}

#map = affine_map<(d0, d1) -> (0)>
module attributes {stable_mosaic.version = 14 : i64} {
  func.func @_hist_body(%arg0: i32, %arg1: i32, %arg2: memref<120832xf32, #tpu.memory_space<hbm>>, %arg3: memref<30208xi32, #tpu.memory_space<hbm>>, %arg4: memref<128512xi32, #tpu.memory_space<hbm>>, %arg5: memref<3792xf32, #tpu.memory_space<vmem>>, %arg6: memref<4032xi32, #tpu.memory_space<vmem>>, %arg7: memref<960xi32, #tpu.memory_space<vmem>>) attributes {dimension_semantics = [#tpu.dimension_semantics<core_parallel>, #tpu.dimension_semantics<subcore_parallel>], iteration_bounds = array<i64: 2, 16>, scalar_prefetch = 0 : i64, scratch_operands = 3 : i64, tpu.core_type = #tpu.core_type<sc_vector_subcore>, window_params = [{transform_indices = #map}, {transform_indices = #map}, {transform_indices = #map}]} {
    %mul3A = arith.constant 2 : i32
    %mul3A_0 = arith.muli %arg1, %mul3A : i32
    %add3A = arith.addi %mul3A_0, %arg0 : i32
    %mul3A_1 = arith.constant 944 : i32
    %mul3A_2 = arith.muli %add3A, %mul3A_1 : i32
    %mul3A_3 = arith.constant 4 : i32
    %mul3A_4 = arith.muli %mul3A_2, %mul3A_3 : i32
    "tpu.region"() ({
      %run_scoped3A = tpu.sem_alloc : memref<!tpu.dma_semaphore, #tpu.memory_space<semaphore_mem>>
      %dma_start3A = arith.constant 0 : i32
      %dma_start3A_30 = tpu.memref_slice %arg5[%dma_start3A] : memref<3792xf32, #tpu.memory_space<vmem>> -> memref<3776xf32, #tpu.memory_space<vmem>>
      %dma_start3A_31 = tpu.memref_slice %arg2[%mul3A_4] : memref<120832xf32, #tpu.memory_space<hbm>> -> memref<3776xf32, #tpu.memory_space<hbm>>
      %dma_start3A_32 = arith.constant 0 : i32
      %dma_start3A_33 = tpu.memref_slice %arg5[%dma_start3A_32] : memref<3792xf32, #tpu.memory_space<vmem>> -> memref<3776xf32, #tpu.memory_space<vmem>>
      %dma_start3A_34 = tpu.memref_slice %arg2[%mul3A_4] : memref<120832xf32, #tpu.memory_space<hbm>> -> memref<3776xf32, #tpu.memory_space<hbm>>
      tpu.enqueue_dma source(%dma_start3A_34 : memref<3776xf32, #tpu.memory_space<hbm>>) target(%dma_start3A_33 : memref<3776xf32, #tpu.memory_space<vmem>>) target_semaphore(%run_scoped3A : memref<!tpu.dma_semaphore, #tpu.memory_space<semaphore_mem>>)
      %dma_wait3A = arith.constant 0 : i32
      %dma_wait3A_35 = tpu.memref_slice %arg5[%dma_wait3A] : memref<3792xf32, #tpu.memory_space<vmem>> -> memref<3776xf32, #tpu.memory_space<vmem>>
      %dma_wait3A_36 = tpu.memref_slice %arg2[%mul3A_4] : memref<120832xf32, #tpu.memory_space<hbm>> -> memref<3776xf32, #tpu.memory_space<hbm>>
      %dma_wait3A_37 = arith.constant 0 : i32
      %dma_wait3A_38 = tpu.memref_slice %arg5[%dma_wait3A_37] : memref<3792xf32, #tpu.memory_space<vmem>> -> memref<3776xf32, #tpu.memory_space<vmem>>
      %dma_wait3A_39 = tpu.memref_slice %arg2[%mul3A_4] : memref<120832xf32, #tpu.memory_space<hbm>> -> memref<3776xf32, #tpu.memory_space<hbm>>
      tpu.wait_dma2 semaphore(%run_scoped3A : memref<!tpu.dma_semaphore, #tpu.memory_space<semaphore_mem>>) src(%dma_wait3A_39 : memref<3776xf32, #tpu.memory_space<hbm>>) dst(%dma_wait3A_38 : memref<3776xf32, #tpu.memory_space<vmem>>)
      tpu.yield
    }) : () -> ()
    %iota3A = tpu.iota {dimensions = array<i32: 0>} : vector<16xi32>
    %broadcast_in_dim3A = arith.constant 0 : i32
    %broadcast_in_dim3A_5 = vector.broadcast %broadcast_in_dim3A : i32 to vector<16xi32>
    %broadcast_in_dim3A_6 = arith.constant 1 : i32
    %broadcast_in_dim3A_7 = vector.broadcast %broadcast_in_dim3A_6 : i32 to vector<16xi32>
    %scan3A = arith.constant 0 : i32
    %scan3A_8 = arith.constant 0 : i32
    %scan3A_9 = arith.constant 251 : i32
    %scan3A_10 = arith.addi %scan3A_8, %scan3A_9 : i32
    %scan3A_11 = arith.constant 1 : i32
    %scan3A_12 = scf.for %scan3A_30 = %scan3A_8 to %scan3A_10 step %scan3A_11 iter_args(%scan3A_31 = %scan3A) -> (i32)  : i32 {
      %mul3A_32 = arith.constant 16 : i32
      %mul3A_33 = arith.muli %scan3A_30, %mul3A_32 : i32
      %swap3A = arith.index_cast %mul3A_33 : i32 to index
      %swap3A_34 = tpu.vector_load %arg6[%swap3A] {strides = array<i32>} : memref<4032xi32, #tpu.memory_space<vmem>>, vector<16xi32>,
      tpu.vector_store %arg6[%swap3A], %broadcast_in_dim3A_5 {strides = array<i32>} : memref<4032xi32, #tpu.memory_space<vmem>>, vector<16xi32>,
      %scan3A_35 = arith.constant 0 : i32
      scf.yield %scan3A_35 : i32
    }
    %scan3A_13 = arith.constant 251 : i32
    %scan3A_14 = arith.constant 0 : i32
    %scan3A_15 = arith.constant 0 : i32
    %scan3A_16 = arith.constant 59 : i32
    %scan3A_17 = arith.addi %scan3A_15, %scan3A_16 : i32
    %scan3A_18 = arith.constant 1 : i32
    %scan3A_19 = scf.for %scan3A_30 = %scan3A_15 to %scan3A_17 step %scan3A_18 iter_args(%scan3A_31 = %scan3A_14) -> (i32)  : i32 {
      %mul3A_32 = arith.constant 16 : i32
      %mul3A_33 = arith.muli %scan3A_30, %mul3A_32 : i32
      %add3A_34 = vector.broadcast %mul3A_33 : i32 to vector<16xi32>
      %add3A_35 = arith.addi %add3A_34, %iota3A : vector<16xi32>
      %mul3A_36 = arith.constant 4 : i32
      %mul3A_37 = vector.broadcast %mul3A_36 : i32 to vector<16xi32>
      %mul3A_38 = arith.muli %add3A_35, %mul3A_37 : vector<16xi32>
      %gather3A = tpu.vector_load_idx %arg5[%mul3A_38] : memref<3792xf32, #tpu.memory_space<vmem>>[vector<16xi32>], vector<16xf32>,
      %add3A_39 = arith.constant 1 : i32
      %add3A_40 = vector.broadcast %add3A_39 : i32 to vector<16xi32>
      %add3A_41 = arith.addi %mul3A_38, %add3A_40 : vector<16xi32>
      %gather3A_42 = tpu.vector_load_idx %arg5[%add3A_41] : memref<3792xf32, #tpu.memory_space<vmem>>[vector<16xi32>], vector<16xf32>,
      %add3A_43 = arith.constant 2 : i32
      %add3A_44 = vector.broadcast %add3A_43 : i32 to vector<16xi32>
      %add3A_45 = arith.addi %mul3A_38, %add3A_44 : vector<16xi32>
      %gather3A_46 = tpu.vector_load_idx %arg5[%add3A_45] : memref<3792xf32, #tpu.memory_space<vmem>>[vector<16xi32>], vector<16xf32>,
      %add3A_47 = arith.constant 3 : i32
      %add3A_48 = vector.broadcast %add3A_47 : i32 to vector<16xi32>
      %add3A_49 = arith.addi %mul3A_38, %add3A_48 : vector<16xi32>
      %gather3A_50 = tpu.vector_load_idx %arg5[%add3A_49] : memref<3792xf32, #tpu.memory_space<vmem>>[vector<16xi32>], vector<16xf32>,
      %mul3A_51 = arith.constant 16 : i32
      %mul3A_52 = arith.muli %scan3A_30, %mul3A_51 : i32
      %add3A_53 = arith.addi %mul3A_2, %mul3A_52 : i32
      %add3A_54 = vector.broadcast %add3A_53 : i32 to vector<16xi32>
      %add3A_55 = arith.addi %add3A_54, %iota3A : vector<16xi32>
      %lt3A = arith.constant 30000 : i32
      %lt3A_56 = vector.broadcast %lt3A : i32 to vector<16xi32>
      %lt3A_57 = arith.cmpi slt, %add3A_55, %lt3A_56 : vector<16xi32>
      %convert_element_type3A = arith.fptosi %gather3A : vector<16xf32> to vector<16xi32>
      %convert_element_type3A_58 = arith.fptosi %gather3A_42 : vector<16xf32> to vector<16xi32>
      %jit3A = arith.constant 0 : i32
      %jit3A_59 = arith.constant 9 : i32
      %max3A = vector.broadcast %jit3A : i32 to vector<16xi32>
      %max3A_60 = arith.maxsi %max3A, %convert_element_type3A_58 : vector<16xi32>
      %min3A = vector.broadcast %jit3A_59 : i32 to vector<16xi32>
      %min3A_61 = arith.minsi %min3A, %max3A_60 : vector<16xi32>
      %convert_element_type3A_62 = arith.fptosi %gather3A_46 : vector<16xf32> to vector<16xi32>
      %jit3A_63 = arith.constant 0 : i32
      %jit3A_64 = arith.constant 9 : i32
      %max3A_65 = vector.broadcast %jit3A_63 : i32 to vector<16xi32>
      %max3A_66 = arith.maxsi %max3A_65, %convert_element_type3A_62 : vector<16xi32>
      %min3A_67 = vector.broadcast %jit3A_64 : i32 to vector<16xi32>
      %min3A_68 = arith.minsi %min3A_67, %max3A_66 : vector<16xi32>
      %convert_element_type3A_69 = arith.fptosi %gather3A_50 : vector<16xf32> to vector<16xi32>
      %jit3A_70 = arith.constant 0 : i32
      %jit3A_71 = arith.constant 9 : i32
      %max3A_72 = vector.broadcast %jit3A_70 : i32 to vector<16xi32>
      %max3A_73 = arith.maxsi %max3A_72, %convert_element_type3A_69 : vector<16xi32>
      %min3A_74 = vector.broadcast %jit3A_71 : i32 to vector<16xi32>
      %min3A_75 = arith.minsi %min3A_74, %max3A_73 : vector<16xi32>
      %mul3A_76 = arith.constant 10 : i32
      %mul3A_77 = vector.broadcast %mul3A_76 : i32 to vector<16xi32>
      %mul3A_78 = arith.muli %convert_element_type3A, %mul3A_77 : vector<16xi32>
      %add3A_79 = arith.addi %mul3A_78, %min3A_61 : vector<16xi32>
      %mul3A_80 = arith.constant 10 : i32
      %mul3A_81 = vector.broadcast %mul3A_80 : i32 to vector<16xi32>
      %mul3A_82 = arith.muli %add3A_79, %mul3A_81 : vector<16xi32>
      %add3A_83 = arith.addi %mul3A_82, %min3A_68 : vector<16xi32>
      %mul3A_84 = arith.constant 10 : i32
      %mul3A_85 = vector.broadcast %mul3A_84 : i32 to vector<16xi32>
      %mul3A_86 = arith.muli %add3A_83, %mul3A_85 : vector<16xi32>
      %add3A_87 = arith.addi %mul3A_86, %min3A_75 : vector<16xi32>
      %jit3A_88 = arith.constant 4000 : i32
      %broadcast_in_dim3A_89 = vector.broadcast %jit3A_88 : i32 to vector<16xi32>
      %select_n3A = arith.select %lt3A_57, %add3A_87, %broadcast_in_dim3A_89 : vector<16xi1>, vector<16xi32>
      %mul3A_90 = arith.constant 16 : i32
      %mul3A_91 = arith.muli %scan3A_30, %mul3A_90 : i32
      %swap3A = arith.index_cast %mul3A_91 : i32 to index
      %swap3A_92 = tpu.vector_load %arg7[%swap3A] {strides = array<i32>} : memref<960xi32, #tpu.memory_space<vmem>>, vector<16xi32>,
      tpu.vector_store %arg7[%swap3A], %select_n3A {strides = array<i32>} : memref<960xi32, #tpu.memory_space<vmem>>, vector<16xi32>,
      %scan3A_93 = arith.constant 0 : i32
      scf.yield %scan3A_93 : i32
    }
    %scan3A_20 = arith.constant 59 : i32
    %scan3A_21 = arith.constant 0 : i32
    %scan3A_22 = arith.constant 0 : i32
    %scan3A_23 = arith.constant 944 : i32
    %scan3A_24 = arith.addi %scan3A_22, %scan3A_23 : i32
    %scan3A_25 = arith.constant 1 : i32
    %scan3A_26 = scf.for %scan3A_30 = %scan3A_22 to %scan3A_24 step %scan3A_25 iter_args(%scan3A_31 = %scan3A_21) -> (i32)  : i32 {
      %get3A = arith.index_cast %scan3A_30 : i32 to index
      %get3A_32 = tpu.vector_load %arg7[%get3A] {strides = array<i32>} : memref<960xi32, #tpu.memory_space<vmem>>, vector<16xi32>,
      %slice3A = vector.extract_strided_slice %get3A_32 {offsets = [0], sizes = [1], strides = [1]} : vector<16xi32> to vector<1xi32>
      %squeeze3A = vector.extract %slice3A[0] : i32 from vector<1xi32>
      %get3A_33 = arith.index_cast %squeeze3A : i32 to index
      %get3A_34 = tpu.vector_load %arg6[%get3A_33] {strides = array<i32>} : memref<4032xi32, #tpu.memory_space<vmem>>, vector<16xi32>,
      %eq3A = arith.constant 0 : i32
      %eq3A_35 = vector.broadcast %eq3A : i32 to vector<16xi32>
      %eq3A_36 = arith.cmpi eq, %iota3A, %eq3A_35 : vector<16xi32>
      %jit3A = arith.constant 1 : i32
      %jit3A_37 = arith.constant 0 : i32
      %broadcast_in_dim3A_38 = vector.broadcast %jit3A : i32 to vector<16xi32>
      %broadcast_in_dim3A_39 = vector.broadcast %jit3A_37 : i32 to vector<16xi32>
      %select_n3A = arith.select %eq3A_36, %broadcast_in_dim3A_38, %broadcast_in_dim3A_39 : vector<16xi1>, vector<16xi32>
      %add3A_40 = arith.addi %get3A_34, %select_n3A : vector<16xi32>
      %swap3A = arith.index_cast %squeeze3A : i32 to index
      %swap3A_41 = tpu.vector_load %arg6[%swap3A] {strides = array<i32>} : memref<4032xi32, #tpu.memory_space<vmem>>, vector<16xi32>,
      tpu.vector_store %arg6[%swap3A], %add3A_40 {strides = array<i32>} : memref<4032xi32, #tpu.memory_space<vmem>>, vector<16xi32>,
      %scan3A_42 = arith.constant 0 : i32
      scf.yield %scan3A_42 : i32
    }
    %scan3A_27 = arith.constant 944 : i32
    "tpu.region"() ({
      %run_scoped3A = tpu.sem_alloc : memref<!tpu.dma_semaphore, #tpu.memory_space<semaphore_mem>>
      %dma_start3A = arith.constant 0 : i32
      %dma_start3A_30 = tpu.memref_slice %arg7[%dma_start3A] : memref<960xi32, #tpu.memory_space<vmem>> -> memref<944xi32, #tpu.memory_space<vmem>>
      %dma_start3A_31 = tpu.memref_slice %arg3[%mul3A_2] : memref<30208xi32, #tpu.memory_space<hbm>> -> memref<944xi32, #tpu.memory_space<hbm>>
      %dma_start3A_32 = tpu.memref_slice %arg3[%mul3A_2] : memref<30208xi32, #tpu.memory_space<hbm>> -> memref<944xi32, #tpu.memory_space<hbm>>
      %dma_start3A_33 = arith.constant 0 : i32
      %dma_start3A_34 = tpu.memref_slice %arg7[%dma_start3A_33] : memref<960xi32, #tpu.memory_space<vmem>> -> memref<944xi32, #tpu.memory_space<vmem>>
      tpu.enqueue_dma source(%dma_start3A_34 : memref<944xi32, #tpu.memory_space<vmem>>) target(%dma_start3A_32 : memref<944xi32, #tpu.memory_space<hbm>>) target_semaphore(%run_scoped3A : memref<!tpu.dma_semaphore, #tpu.memory_space<semaphore_mem>>)
      %dma_wait3A = arith.constant 0 : i32
      %dma_wait3A_35 = tpu.memref_slice %arg7[%dma_wait3A] : memref<960xi32, #tpu.memory_space<vmem>> -> memref<944xi32, #tpu.memory_space<vmem>>
      %dma_wait3A_36 = tpu.memref_slice %arg3[%mul3A_2] : memref<30208xi32, #tpu.memory_space<hbm>> -> memref<944xi32, #tpu.memory_space<hbm>>
      %dma_wait3A_37 = tpu.memref_slice %arg3[%mul3A_2] : memref<30208xi32, #tpu.memory_space<hbm>> -> memref<944xi32, #tpu.memory_space<hbm>>
      %dma_wait3A_38 = arith.constant 0 : i32
      %dma_wait3A_39 = tpu.memref_slice %arg7[%dma_wait3A_38] : memref<960xi32, #tpu.memory_space<vmem>> -> memref<944xi32, #tpu.memory_space<vmem>>
      tpu.wait_dma2 semaphore(%run_scoped3A : memref<!tpu.dma_semaphore, #tpu.memory_space<semaphore_mem>>) src(%dma_wait3A_39 : memref<944xi32, #tpu.memory_space<vmem>>) dst(%dma_wait3A_37 : memref<944xi32, #tpu.memory_space<hbm>>)
      tpu.yield
    }) : () -> ()
    %mul3A_28 = arith.constant 4016 : i32
    %mul3A_29 = arith.muli %add3A, %mul3A_28 : i32
    "tpu.region"() ({
      %run_scoped3A = tpu.sem_alloc : memref<!tpu.dma_semaphore, #tpu.memory_space<semaphore_mem>>
      %dma_start3A = arith.constant 0 : i32
      %dma_start3A_30 = tpu.memref_slice %arg6[%dma_start3A] : memref<4032xi32, #tpu.memory_space<vmem>> -> memref<4016xi32, #tpu.memory_space<vmem>>
      %dma_start3A_31 = tpu.memref_slice %arg4[%mul3A_29] : memref<128512xi32, #tpu.memory_space<hbm>> -> memref<4016xi32, #tpu.memory_space<hbm>>
      %dma_start3A_32 = tpu.memref_slice %arg4[%mul3A_29] : memref<128512xi32, #tpu.memory_space<hbm>> -> memref<4016xi32, #tpu.memory_space<hbm>>
      %dma_start3A_33 = arith.constant 0 : i32
      %dma_start3A_34 = tpu.memref_slice %arg6[%dma_start3A_33] : memref<4032xi32, #tpu.memory_space<vmem>> -> memref<4016xi32, #tpu.memory_space<vmem>>
      tpu.enqueue_dma source(%dma_start3A_34 : memref<4016xi32, #tpu.memory_space<vmem>>) target(%dma_start3A_32 : memref<4016xi32, #tpu.memory_space<hbm>>) target_semaphore(%run_scoped3A : memref<!tpu.dma_semaphore, #tpu.memory_space<semaphore_mem>>)
      %dma_wait3A = arith.constant 0 : i32
      %dma_wait3A_35 = tpu.memref_slice %arg6[%dma_wait3A] : memref<4032xi32, #tpu.memory_space<vmem>> -> memref<4016xi32, #tpu.memory_space<vmem>>
      %dma_wait3A_36 = tpu.memref_slice %arg4[%mul3A_29] : memref<128512xi32, #tpu.memory_space<hbm>> -> memref<4016xi32, #tpu.memory_space<hbm>>
      %dma_wait3A_37 = tpu.memref_slice %arg4[%mul3A_29] : memref<128512xi32, #tpu.memory_space<hbm>> -> memref<4016xi32, #tpu.memory_space<hbm>>
      %dma_wait3A_38 = arith.constant 0 : i32
      %dma_wait3A_39 = tpu.memref_slice %arg6[%dma_wait3A_38] : memref<4032xi32, #tpu.memory_space<vmem>> -> memref<4016xi32, #tpu.memory_space<vmem>>
      tpu.wait_dma2 semaphore(%run_scoped3A : memref<!tpu.dma_semaphore, #tpu.memory_space<semaphore_mem>>) src(%dma_wait3A_39 : memref<4016xi32, #tpu.memory_space<vmem>>) dst(%dma_wait3A_37 : memref<4016xi32, #tpu.memory_space<hbm>>)
      tpu.yield
    }) : () -> ()
    return
  }
}

#map = affine_map<(d0, d1) -> (0)>
module attributes {stable_mosaic.version = 14 : i64} {
  func.func @_query_body(%arg0: i32, %arg1: i32, %arg2: memref<30336xf32, #tpu.memory_space<hbm>>, %arg3: memref<30336xf32, #tpu.memory_space<hbm>>, %arg4: memref<30336xf32, #tpu.memory_space<hbm>>, %arg5: memref<30336xi32, #tpu.memory_space<hbm>>, %arg6: memref<32128xi32, #tpu.memory_space<hbm>>, %arg7: memref<120832xf32, #tpu.memory_space<hbm>>, %arg8: memref<966656xi32, #tpu.memory_space<hbm>>, %arg9: memref<30352xf32, #tpu.memory_space<vmem>>, %arg10: memref<30352xf32, #tpu.memory_space<vmem>>, %arg11: memref<30352xf32, #tpu.memory_space<vmem>>, %arg12: memref<30352xi32, #tpu.memory_space<vmem>>, %arg13: memref<4032xi32, #tpu.memory_space<vmem>>, %arg14: memref<3792xf32, #tpu.memory_space<vmem>>, %arg15: memref<32xi32, #tpu.memory_space<vmem>>, %arg16: memref<432xf32, #tpu.memory_space<vmem>>, %arg17: memref<432xi32, #tpu.memory_space<vmem>>) attributes {dimension_semantics = [#tpu.dimension_semantics<core_parallel>, #tpu.dimension_semantics<subcore_parallel>], iteration_bounds = array<i64: 2, 16>, scalar_prefetch = 0 : i64, scratch_operands = 9 : i64, tpu.core_type = #tpu.core_type<sc_vector_subcore>, window_params = [{transform_indices = #map}, {transform_indices = #map}, {transform_indices = #map}, {transform_indices = #map}, {transform_indices = #map}, {transform_indices = #map}, {transform_indices = #map}]} {
    %mul3A = arith.constant 2 : i32
    %mul3A_0 = arith.muli %arg1, %mul3A : i32
    %add3A = arith.addi %mul3A_0, %arg0 : i32
    %mul3A_1 = arith.constant 944 : i32
    %mul3A_2 = arith.muli %add3A, %mul3A_1 : i32
    "tpu.region"() ({
      %run_scoped3A = tpu.sem_alloc : memref<!tpu.dma_semaphore, #tpu.memory_space<semaphore_mem>>
      %dma_start3A = arith.constant 0 : i32
      %dma_start3A_14 = tpu.memref_slice %arg9[%dma_start3A] : memref<30352xf32, #tpu.memory_space<vmem>> -> memref<30336xf32, #tpu.memory_space<vmem>>
      %dma_start3A_15 = arith.constant 0 : i32
      %dma_start3A_16 = tpu.memref_slice %arg9[%dma_start3A_15] : memref<30352xf32, #tpu.memory_space<vmem>> -> memref<30336xf32, #tpu.memory_space<vmem>>
      tpu.enqueue_dma source(%arg2 : memref<30336xf32, #tpu.memory_space<hbm>>) target(%dma_start3A_16 : memref<30336xf32, #tpu.memory_space<vmem>>) target_semaphore(%run_scoped3A : memref<!tpu.dma_semaphore, #tpu.memory_space<semaphore_mem>>)
      %dma_wait3A = arith.constant 0 : i32
      %dma_wait3A_17 = tpu.memref_slice %arg9[%dma_wait3A] : memref<30352xf32, #tpu.memory_space<vmem>> -> memref<30336xf32, #tpu.memory_space<vmem>>
      %dma_wait3A_18 = arith.constant 0 : i32
      %dma_wait3A_19 = tpu.memref_slice %arg9[%dma_wait3A_18] : memref<30352xf32, #tpu.memory_space<vmem>> -> memref<30336xf32, #tpu.memory_space<vmem>>
      tpu.wait_dma2 semaphore(%run_scoped3A : memref<!tpu.dma_semaphore, #tpu.memory_space<semaphore_mem>>) src(%arg2 : memref<30336xf32, #tpu.memory_space<hbm>>) dst(%dma_wait3A_19 : memref<30336xf32, #tpu.memory_space<vmem>>)
      tpu.yield
    }) : () -> ()
    "tpu.region"() ({
      %run_scoped3A = tpu.sem_alloc : memref<!tpu.dma_semaphore, #tpu.memory_space<semaphore_mem>>
      %dma_start3A = arith.constant 0 : i32
      %dma_start3A_14 = tpu.memref_slice %arg10[%dma_start3A] : memref<30352xf32, #tpu.memory_space<vmem>> -> memref<30336xf32, #tpu.memory_space<vmem>>
      %dma_start3A_15 = arith.constant 0 : i32
      %dma_start3A_16 = tpu.memref_slice %arg10[%dma_start3A_15] : memref<30352xf32, #tpu.memory_space<vmem>> -> memref<30336xf32, #tpu.memory_space<vmem>>
      tpu.enqueue_dma source(%arg3 : memref<30336xf32, #tpu.memory_space<hbm>>) target(%dma_start3A_16 : memref<30336xf32, #tpu.memory_space<vmem>>) target_semaphore(%run_scoped3A : memref<!tpu.dma_semaphore, #tpu.memory_space<semaphore_mem>>)
      %dma_wait3A = arith.constant 0 : i32
      %dma_wait3A_17 = tpu.memref_slice %arg10[%dma_wait3A] : memref<30352xf32, #tpu.memory_space<vmem>> -> memref<30336xf32, #tpu.memory_space<vmem>>
      %dma_wait3A_18 = arith.constant 0 : i32
      %dma_wait3A_19 = tpu.memref_slice %arg10[%dma_wait3A_18] : memref<30352xf32, #tpu.memory_space<vmem>> -> memref<30336xf32, #tpu.memory_space<vmem>>
      tpu.wait_dma2 semaphore(%run_scoped3A : memref<!tpu.dma_semaphore, #tpu.memory_space<semaphore_mem>>) src(%arg3 : memref<30336xf32, #tpu.memory_space<hbm>>) dst(%dma_wait3A_19 : memref<30336xf32, #tpu.memory_space<vmem>>)
      tpu.yield
    }) : () -> ()
    "tpu.region"() ({
      %run_scoped3A = tpu.sem_alloc : memref<!tpu.dma_semaphore, #tpu.memory_space<semaphore_mem>>
      %dma_start3A = arith.constant 0 : i32
      %dma_start3A_14 = tpu.memref_slice %arg11[%dma_start3A] : memref<30352xf32, #tpu.memory_space<vmem>> -> memref<30336xf32, #tpu.memory_space<vmem>>
      %dma_start3A_15 = arith.constant 0 : i32
      %dma_start3A_16 = tpu.memref_slice %arg11[%dma_start3A_15] : memref<30352xf32, #tpu.memory_space<vmem>> -> memref<30336xf32, #tpu.memory_space<vmem>>
      tpu.enqueue_dma source(%arg4 : memref<30336xf32, #tpu.memory_space<hbm>>) target(%dma_start3A_16 : memref<30336xf32, #tpu.memory_space<vmem>>) target_semaphore(%run_scoped3A : memref<!tpu.dma_semaphore, #tpu.memory_space<semaphore_mem>>)
      %dma_wait3A = arith.constant 0 : i32
      %dma_wait3A_17 = tpu.memref_slice %arg11[%dma_wait3A] : memref<30352xf32, #tpu.memory_space<vmem>> -> memref<30336xf32, #tpu.memory_space<vmem>>
      %dma_wait3A_18 = arith.constant 0 : i32
      %dma_wait3A_19 = tpu.memref_slice %arg11[%dma_wait3A_18] : memref<30352xf32, #tpu.memory_space<vmem>> -> memref<30336xf32, #tpu.memory_space<vmem>>
      tpu.wait_dma2 semaphore(%run_scoped3A : memref<!tpu.dma_semaphore, #tpu.memory_space<semaphore_mem>>) src(%arg4 : memref<30336xf32, #tpu.memory_space<hbm>>) dst(%dma_wait3A_19 : memref<30336xf32, #tpu.memory_space<vmem>>)
      tpu.yield
    }) : () -> ()
    "tpu.region"() ({
      %run_scoped3A = tpu.sem_alloc : memref<!tpu.dma_semaphore, #tpu.memory_space<semaphore_mem>>
      %dma_start3A = arith.constant 0 : i32
      %dma_start3A_14 = tpu.memref_slice %arg12[%dma_start3A] : memref<30352xi32, #tpu.memory_space<vmem>> -> memref<30336xi32, #tpu.memory_space<vmem>>
      %dma_start3A_15 = arith.constant 0 : i32
      %dma_start3A_16 = tpu.memref_slice %arg12[%dma_start3A_15] : memref<30352xi32, #tpu.memory_space<vmem>> -> memref<30336xi32, #tpu.memory_space<vmem>>
      tpu.enqueue_dma source(%arg5 : memref<30336xi32, #tpu.memory_space<hbm>>) target(%dma_start3A_16 : memref<30336xi32, #tpu.memory_space<vmem>>) target_semaphore(%run_scoped3A : memref<!tpu.dma_semaphore, #tpu.memory_space<semaphore_mem>>)
      %dma_wait3A = arith.constant 0 : i32
      %dma_wait3A_17 = tpu.memref_slice %arg12[%dma_wait3A] : memref<30352xi32, #tpu.memory_space<vmem>> -> memref<30336xi32, #tpu.memory_space<vmem>>
      %dma_wait3A_18 = arith.constant 0 : i32
      %dma_wait3A_19 = tpu.memref_slice %arg12[%dma_wait3A_18] : memref<30352xi32, #tpu.memory_space<vmem>> -> memref<30336xi32, #tpu.memory_space<vmem>>
      tpu.wait_dma2 semaphore(%run_scoped3A : memref<!tpu.dma_semaphore, #tpu.memory_space<semaphore_mem>>) src(%arg5 : memref<30336xi32, #tpu.memory_space<hbm>>) dst(%dma_wait3A_19 : memref<30336xi32, #tpu.memory_space<vmem>>)
      tpu.yield
    }) : () -> ()
    "tpu.region"() ({
      %run_scoped3A = tpu.sem_alloc : memref<!tpu.dma_semaphore, #tpu.memory_space<semaphore_mem>>
      %dma_start3A = arith.constant 0 : i32
      %dma_start3A_14 = tpu.memref_slice %arg13[%dma_start3A] : memref<4032xi32, #tpu.memory_space<vmem>> -> memref<4016xi32, #tpu.memory_space<vmem>>
      %dma_start3A_15 = arith.constant 0 : i32
      %dma_start3A_16 = tpu.memref_slice %arg6[%dma_start3A_15] : memref<32128xi32, #tpu.memory_space<hbm>> -> memref<4016xi32, #tpu.memory_space<hbm>>
      %dma_start3A_17 = arith.constant 0 : i32
      %dma_start3A_18 = tpu.memref_slice %arg13[%dma_start3A_17] : memref<4032xi32, #tpu.memory_space<vmem>> -> memref<4016xi32, #tpu.memory_space<vmem>>
      %dma_start3A_19 = arith.constant 0 : i32
      %dma_start3A_20 = tpu.memref_slice %arg6[%dma_start3A_19] : memref<32128xi32, #tpu.memory_space<hbm>> -> memref<4016xi32, #tpu.memory_space<hbm>>
      tpu.enqueue_dma source(%dma_start3A_20 : memref<4016xi32, #tpu.memory_space<hbm>>) target(%dma_start3A_18 : memref<4016xi32, #tpu.memory_space<vmem>>) target_semaphore(%run_scoped3A : memref<!tpu.dma_semaphore, #tpu.memory_space<semaphore_mem>>)
      %dma_wait3A = arith.constant 0 : i32
      %dma_wait3A_21 = tpu.memref_slice %arg13[%dma_wait3A] : memref<4032xi32, #tpu.memory_space<vmem>> -> memref<4016xi32, #tpu.memory_space<vmem>>
      %dma_wait3A_22 = arith.constant 0 : i32
      %dma_wait3A_23 = tpu.memref_slice %arg6[%dma_wait3A_22] : memref<32128xi32, #tpu.memory_space<hbm>> -> memref<4016xi32, #tpu.memory_space<hbm>>
      %dma_wait3A_24 = arith.constant 0 : i32
      %dma_wait3A_25 = tpu.memref_slice %arg13[%dma_wait3A_24] : memref<4032xi32, #tpu.memory_space<vmem>> -> memref<4016xi32, #tpu.memory_space<vmem>>
      %dma_wait3A_26 = arith.constant 0 : i32
      %dma_wait3A_27 = tpu.memref_slice %arg6[%dma_wait3A_26] : memref<32128xi32, #tpu.memory_space<hbm>> -> memref<4016xi32, #tpu.memory_space<hbm>>
      tpu.wait_dma2 semaphore(%run_scoped3A : memref<!tpu.dma_semaphore, #tpu.memory_space<semaphore_mem>>) src(%dma_wait3A_27 : memref<4016xi32, #tpu.memory_space<hbm>>) dst(%dma_wait3A_25 : memref<4016xi32, #tpu.memory_space<vmem>>)
      tpu.yield
    }) : () -> ()
    %mul3A_3 = arith.constant 4 : i32
    %mul3A_4 = arith.muli %mul3A_2, %mul3A_3 : i32
    "tpu.region"() ({
      %run_scoped3A = tpu.sem_alloc : memref<!tpu.dma_semaphore, #tpu.memory_space<semaphore_mem>>
      %dma_start3A = arith.constant 0 : i32
      %dma_start3A_14 = tpu.memref_slice %arg14[%dma_start3A] : memref<3792xf32, #tpu.memory_space<vmem>> -> memref<3776xf32, #tpu.memory_space<vmem>>
      %dma_start3A_15 = tpu.memref_slice %arg7[%mul3A_4] : memref<120832xf32, #tpu.memory_space<hbm>> -> memref<3776xf32, #tpu.memory_space<hbm>>
      %dma_start3A_16 = arith.constant 0 : i32
      %dma_start3A_17 = tpu.memref_slice %arg14[%dma_start3A_16] : memref<3792xf32, #tpu.memory_space<vmem>> -> memref<3776xf32, #tpu.memory_space<vmem>>
      %dma_start3A_18 = tpu.memref_slice %arg7[%mul3A_4] : memref<120832xf32, #tpu.memory_space<hbm>> -> memref<3776xf32, #tpu.memory_space<hbm>>
      tpu.enqueue_dma source(%dma_start3A_18 : memref<3776xf32, #tpu.memory_space<hbm>>) target(%dma_start3A_17 : memref<3776xf32, #tpu.memory_space<vmem>>) target_semaphore(%run_scoped3A : memref<!tpu.dma_semaphore, #tpu.memory_space<semaphore_mem>>)
      %dma_wait3A = arith.constant 0 : i32
      %dma_wait3A_19 = tpu.memref_slice %arg14[%dma_wait3A] : memref<3792xf32, #tpu.memory_space<vmem>> -> memref<3776xf32, #tpu.memory_space<vmem>>
      %dma_wait3A_20 = tpu.memref_slice %arg7[%mul3A_4] : memref<120832xf32, #tpu.memory_space<hbm>> -> memref<3776xf32, #tpu.memory_space<hbm>>
      %dma_wait3A_21 = arith.constant 0 : i32
      %dma_wait3A_22 = tpu.memref_slice %arg14[%dma_wait3A_21] : memref<3792xf32, #tpu.memory_space<vmem>> -> memref<3776xf32, #tpu.memory_space<vmem>>
      %dma_wait3A_23 = tpu.memref_slice %arg7[%mul3A_4] : memref<120832xf32, #tpu.memory_space<hbm>> -> memref<3776xf32, #tpu.memory_space<hbm>>
      tpu.wait_dma2 semaphore(%run_scoped3A : memref<!tpu.dma_semaphore, #tpu.memory_space<semaphore_mem>>) src(%dma_wait3A_23 : memref<3776xf32, #tpu.memory_space<hbm>>) dst(%dma_wait3A_22 : memref<3776xf32, #tpu.memory_space<vmem>>)
      tpu.yield
    }) : () -> ()
    %iota3A = tpu.iota {dimensions = array<i32: 0>} : vector<16xi32>
    %broadcast_in_dim3A = arith.constant 0x7F800000 : f32
    %broadcast_in_dim3A_5 = vector.broadcast %broadcast_in_dim3A : f32 to vector<16xf32>
    %broadcast_in_dim3A_6 = arith.constant -1 : i32
    %broadcast_in_dim3A_7 = vector.broadcast %broadcast_in_dim3A_6 : i32 to vector<16xi32>
    %scan3A = arith.constant 0 : i32
    %scan3A_8 = arith.constant 0 : i32
    %scan3A_9 = arith.constant 944 : i32
    %scan3A_10 = arith.addi %scan3A_8, %scan3A_9 : i32
    %scan3A_11 = arith.constant 1 : i32
    %scan3A_12 = scf.for %scan3A_14 = %scan3A_8 to %scan3A_10 step %scan3A_11 iter_args(%scan3A_15 = %scan3A) -> (i32)  : i32 {
      %mul3A_16 = arith.constant 4 : i32
      %mul3A_17 = arith.muli %scan3A_14, %mul3A_16 : i32
      %get3A = arith.index_cast %mul3A_17 : i32 to index
      %get3A_18 = tpu.vector_load %arg14[%get3A] {strides = array<i32>} : memref<3792xf32, #tpu.memory_space<vmem>>, vector<16xf32>,
      %convert_element_type3A = arith.fptosi %get3A_18 : vector<16xf32> to vector<16xi32>
      %jit3A = arith.constant 0 : i32
      %jit3A_19 = arith.constant 9 : i32
      %max3A = vector.broadcast %jit3A : i32 to vector<16xi32>
      %max3A_20 = arith.maxsi %max3A, %convert_element_type3A : vector<16xi32>
      %min3A = vector.broadcast %jit3A_19 : i32 to vector<16xi32>
      %min3A_21 = arith.minsi %min3A, %max3A_20 : vector<16xi32>
      %slice3A = vector.extract_strided_slice %min3A_21 {offsets = [0], sizes = [1], strides = [1]} : vector<16xi32> to vector<1xi32>
      %squeeze3A = vector.extract %slice3A[0] : i32 from vector<1xi32>
      %slice3A_22 = vector.extract_strided_slice %get3A_18 {offsets = [1], sizes = [1], strides = [1]} : vector<16xf32> to vector<1xf32>
      %squeeze3A_23 = vector.extract %slice3A_22[0] : f32 from vector<1xf32>
      %slice3A_24 = vector.extract_strided_slice %get3A_18 {offsets = [2], sizes = [1], strides = [1]} : vector<16xf32> to vector<1xf32>
      %squeeze3A_25 = vector.extract %slice3A_24[0] : f32 from vector<1xf32>
      %slice3A_26 = vector.extract_strided_slice %get3A_18 {offsets = [3], sizes = [1], strides = [1]} : vector<16xf32> to vector<1xf32>
      %squeeze3A_27 = vector.extract %slice3A_26[0] : f32 from vector<1xf32>
      %slice3A_28 = vector.extract_strided_slice %min3A_21 {offsets = [1], sizes = [1], strides = [1]} : vector<16xi32> to vector<1xi32>
      %squeeze3A_29 = vector.extract %slice3A_28[0] : i32 from vector<1xi32>
      %slice3A_30 = vector.extract_strided_slice %min3A_21 {offsets = [2], sizes = [1], strides = [1]} : vector<16xi32> to vector<1xi32>
      %squeeze3A_31 = vector.extract %slice3A_30[0] : i32 from vector<1xi32>
      %slice3A_32 = vector.extract_strided_slice %min3A_21 {offsets = [3], sizes = [1], strides = [1]} : vector<16xi32> to vector<1xi32>
      %squeeze3A_33 = vector.extract %slice3A_32[0] : i32 from vector<1xi32>
      %sub3A = arith.constant 1 : i32
      %sub3A_34 = arith.subi %squeeze3A_33, %sub3A : i32
      %max3A_35 = arith.constant 0 : i32
      %max3A_36 = arith.maxsi %sub3A_34, %max3A_35 : i32
      %add3A_37 = arith.constant 1 : i32
      %add3A_38 = arith.addi %squeeze3A_33, %add3A_37 : i32
      %min3A_39 = arith.constant 9 : i32
      %min3A_40 = arith.minsi %add3A_38, %min3A_39 : i32
      %scan3A_41 = arith.constant 0 : i32
      %scan3A_42 = arith.constant 0 : i32
      %scan3A_43 = arith.constant 9 : i32
      %scan3A_44 = arith.addi %scan3A_42, %scan3A_43 : i32
      %scan3A_45 = arith.constant 1 : i32
      %scan3A_46 = scf.for %scan3A_75 = %scan3A_42 to %scan3A_44 step %scan3A_45 iter_args(%scan3A_76 = %scan3A_41) -> (i32)  : i32 {
        %jit3A_77 = arith.constant 3 : i32
        %div3A = arith.divsi %scan3A_75, %jit3A_77 : i32
        %sign3A = arith.constant 0 : i32
        %sign3A_78 = arith.cmpi sgt, %scan3A_75, %sign3A : i32
        %sign3A_79 = arith.extui %sign3A_78 : i1 to i32
        %sign3A_80 = arith.constant 0 : i32
        %sign3A_81 = arith.cmpi slt, %scan3A_75, %sign3A_80 : i32
        %sign3A_82 = arith.extui %sign3A_81 : i1 to i32
        %sign3A_83 = arith.subi %sign3A_79, %sign3A_82 : i32
        %sign3A_84 = arith.constant 0 : i32
        %sign3A_85 = arith.cmpi sgt, %jit3A_77, %sign3A_84 : i32
        %sign3A_86 = arith.extui %sign3A_85 : i1 to i32
        %sign3A_87 = arith.constant 0 : i32
        %sign3A_88 = arith.cmpi slt, %jit3A_77, %sign3A_87 : i32
        %sign3A_89 = arith.extui %sign3A_88 : i1 to i32
        %sign3A_90 = arith.subi %sign3A_86, %sign3A_89 : i32
        %ne3A = arith.cmpi ne, %sign3A_83, %sign3A_90 : i32
        %rem3A = arith.remsi %scan3A_75, %jit3A_77 : i32
        %ne3A_91 = arith.constant 0 : i32
        %ne3A_92 = arith.cmpi ne, %rem3A, %ne3A_91 : i32
        %and3A_93 = arith.andi %ne3A, %ne3A_92 : i1
        %sub3A_94 = arith.constant 1 : i32
        %sub3A_95 = arith.subi %div3A, %sub3A_94 : i32
        %select_n3A_96 = arith.select %and3A_93, %sub3A_95, %div3A : i32
        %sub3A_97 = arith.constant 1 : i32
        %sub3A_98 = arith.subi %select_n3A_96, %sub3A_97 : i32
        %jit3A_99 = arith.constant 3 : i32
        %eq3A = arith.constant 0 : i32
        %eq3A_100 = arith.cmpi eq, %jit3A_99, %eq3A : i32
        %jit3A_101 = arith.constant 1 : i32
        %select_n3A_102 = arith.select %eq3A_100, %jit3A_101, %jit3A_99 : i32
        %rem3A_103 = arith.remsi %scan3A_75, %select_n3A_102 : i32
        %ne3A_104 = arith.constant 0 : i32
        %ne3A_105 = arith.cmpi ne, %rem3A_103, %ne3A_104 : i32
        %lt3A = arith.constant 0 : i32
        %lt3A_106 = arith.cmpi slt, %rem3A_103, %lt3A : i32
        %lt3A_107 = arith.constant 0 : i32
        %lt3A_108 = arith.cmpi slt, %select_n3A_102, %lt3A_107 : i32
        %ne3A_109 = arith.xori %lt3A_106, %lt3A_108 : i1
        %and3A_110 = arith.andi %ne3A_109, %ne3A_105 : i1
        %add3A_111 = arith.addi %rem3A_103, %select_n3A_102 : i32
        %select_n3A_112 = arith.select %and3A_110, %add3A_111, %rem3A_103 : i32
        %sub3A_113 = arith.constant 1 : i32
        %sub3A_114 = arith.subi %select_n3A_112, %sub3A_113 : i32
        %add3A_115 = arith.addi %squeeze3A_29, %sub3A_98 : i32
        %add3A_116 = arith.addi %squeeze3A_31, %sub3A_114 : i32
        %ge3A = arith.constant 0 : i32
        %ge3A_117 = arith.cmpi sge, %add3A_115, %ge3A : i32
        %le3A_118 = arith.constant 9 : i32
        %le3A_119 = arith.cmpi sle, %add3A_115, %le3A_118 : i32
        %and3A_120 = arith.andi %ge3A_117, %le3A_119 : i1
        %ge3A_121 = arith.constant 0 : i32
        %ge3A_122 = arith.cmpi sge, %add3A_116, %ge3A_121 : i32
        %and3A_123 = arith.andi %and3A_120, %ge3A_122 : i1
        %le3A_124 = arith.constant 9 : i32
        %le3A_125 = arith.cmpi sle, %add3A_116, %le3A_124 : i32
        %and3A_126 = arith.andi %and3A_123, %le3A_125 : i1
        %mul3A_127 = arith.constant 10 : i32
        %mul3A_128 = arith.muli %squeeze3A, %mul3A_127 : i32
        %add3A_129 = arith.addi %mul3A_128, %add3A_115 : i32
        %mul3A_130 = arith.constant 10 : i32
        %mul3A_131 = arith.muli %add3A_129, %mul3A_130 : i32
        %add3A_132 = arith.addi %mul3A_131, %add3A_116 : i32
        %mul3A_133 = arith.constant 10 : i32
        %mul3A_134 = arith.muli %add3A_132, %mul3A_133 : i32
        %jit3A_135 = arith.constant 0 : i32
        %jit3A_136 = arith.constant 3990 : i32
        %max3A_137 = arith.maxsi %jit3A_135, %mul3A_134 : i32
        %min3A_138 = arith.minsi %jit3A_136, %max3A_137 : i32
        %mul3A_139 = arith.constant 0 : i32
        %mul3A_140 = vector.broadcast %mul3A_139 : i32 to vector<16xi32>
        %mul3A_141 = arith.muli %iota3A, %mul3A_140 : vector<16xi32>
        %add3A_142 = arith.addi %min3A_138, %max3A_36 : i32
        %add3A_143 = vector.broadcast %add3A_142 : i32 to vector<16xi32>
        %add3A_144 = arith.addi %mul3A_141, %add3A_143 : vector<16xi32>
        %gather3A = tpu.vector_load_idx %arg13[%add3A_144] : memref<4032xi32, #tpu.memory_space<vmem>>[vector<16xi32>], vector<16xi32>,
        %slice3A_145 = vector.extract_strided_slice %gather3A {offsets = [0], sizes = [1], strides = [1]} : vector<16xi32> to vector<1xi32>
        %squeeze3A_146 = vector.extract %slice3A_145[0] : i32 from vector<1xi32>
        %add3A_147 = arith.addi %min3A_138, %min3A_40 : i32
        %add3A_148 = arith.constant 1 : i32
        %add3A_149 = arith.addi %add3A_147, %add3A_148 : i32
        %add3A_150 = vector.broadcast %add3A_149 : i32 to vector<16xi32>
        %add3A_151 = arith.addi %mul3A_141, %add3A_150 : vector<16xi32>
        %gather3A_152 = tpu.vector_load_idx %arg13[%add3A_151] : memref<4032xi32, #tpu.memory_space<vmem>>[vector<16xi32>], vector<16xi32>,
        %slice3A_153 = vector.extract_strided_slice %gather3A_152 {offsets = [0], sizes = [1], strides = [1]} : vector<16xi32> to vector<1xi32>
        %squeeze3A_154 = vector.extract %slice3A_153[0] : i32 from vector<1xi32>
        %select_n3A_155 = arith.select %and3A_126, %squeeze3A_154, %squeeze3A_146 : i32
        %sub3A_156 = arith.subi %select_n3A_155, %squeeze3A_146 : i32
        %add3A_157 = arith.constant 15 : i32
        %add3A_158 = arith.addi %sub3A_156, %add3A_157 : i32
        %jit3A_159 = arith.constant 16 : i32
        %div3A_160 = arith.divsi %add3A_158, %jit3A_159 : i32
        %sign3A_161 = arith.constant 0 : i32
        %sign3A_162 = arith.cmpi sgt, %add3A_158, %sign3A_161 : i32
        %sign3A_163 = arith.extui %sign3A_162 : i1 to i32
        %sign3A_164 = arith.constant 0 : i32
        %sign3A_165 = arith.cmpi slt, %add3A_158, %sign3A_164 : i32
        %sign3A_166 = arith.extui %sign3A_165 : i1 to i32
        %sign3A_167 = arith.subi %sign3A_163, %sign3A_166 : i32
        %sign3A_168 = arith.constant 0 : i32
        %sign3A_169 = arith.cmpi sgt, %jit3A_159, %sign3A_168 : i32
        %sign3A_170 = arith.extui %sign3A_169 : i1 to i32
        %sign3A_171 = arith.constant 0 : i32
        %sign3A_172 = arith.cmpi slt, %jit3A_159, %sign3A_171 : i32
        %sign3A_173 = arith.extui %sign3A_172 : i1 to i32
        %sign3A_174 = arith.subi %sign3A_170, %sign3A_173 : i32
        %ne3A_175 = arith.cmpi ne, %sign3A_167, %sign3A_174 : i32
        %rem3A_176 = arith.remsi %add3A_158, %jit3A_159 : i32
        %ne3A_177 = arith.constant 0 : i32
        %ne3A_178 = arith.cmpi ne, %rem3A_176, %ne3A_177 : i32
        %and3A_179 = arith.andi %ne3A_175, %ne3A_178 : i1
        %sub3A_180 = arith.constant 1 : i32
        %sub3A_181 = arith.subi %div3A_160, %sub3A_180 : i32
        %select_n3A_182 = arith.select %and3A_179, %sub3A_181, %div3A_160 : i32
        %while3A = arith.constant 0 : i32
        %while3A_183 = arith.subi %select_n3A_182, %while3A : i32
        %while3A_184 = arith.addi %while3A, %while3A_183 : i32
        %while3A_185 = arith.constant 1 : i32
        %while3A_186 = arith.divsi %while3A_183, %while3A_185 : i32
        %while3A_187 = arith.muli %while3A_186, %while3A_185 : i32
        %while3A_188 = arith.addi %while3A, %while3A_187 : i32
        %while3A_189 = arith.constant 1 : i32
        %while3A_190 = scf.for %while3A_193 = %while3A to %while3A_188 step %while3A_189 iter_args(%while3A_194 = %scan3A_76) -> (i32)  : i32 {
          %mul3A_195 = arith.constant 16 : i32
          %mul3A_196 = arith.muli %while3A_193, %mul3A_195 : i32
          %add3A_197 = arith.addi %squeeze3A_146, %mul3A_196 : i32
          %add3A_198 = vector.broadcast %add3A_197 : i32 to vector<16xi32>
          %add3A_199 = arith.addi %add3A_198, %iota3A : vector<16xi32>
          %gather3A_200 = tpu.vector_load_idx %arg9[%add3A_199] : memref<30352xf32, #tpu.memory_space<vmem>>[vector<16xi32>], vector<16xf32>,
          %gather3A_201 = tpu.vector_load_idx %arg10[%add3A_199] : memref<30352xf32, #tpu.memory_space<vmem>>[vector<16xi32>], vector<16xf32>,
          %gather3A_202 = tpu.vector_load_idx %arg11[%add3A_199] : memref<30352xf32, #tpu.memory_space<vmem>>[vector<16xi32>], vector<16xf32>,
          %gather3A_203 = tpu.vector_load_idx %arg12[%add3A_199] : memref<30352xi32, #tpu.memory_space<vmem>>[vector<16xi32>], vector<16xi32>,
          %sub3A_204 = vector.broadcast %squeeze3A_23 : f32 to vector<16xf32>
          %sub3A_205 = arith.subf %gather3A_200, %sub3A_204 : vector<16xf32>
          %sub3A_206 = vector.broadcast %squeeze3A_25 : f32 to vector<16xf32>
          %sub3A_207 = arith.subf %gather3A_201, %sub3A_206 : vector<16xf32>
          %sub3A_208 = vector.broadcast %squeeze3A_27 : f32 to vector<16xf32>
          %sub3A_209 = arith.subf %gather3A_202, %sub3A_208 : vector<16xf32>
          %mul3A_210 = arith.mulf %sub3A_205, %sub3A_205 : vector<16xf32>
          %mul3A_211 = arith.mulf %sub3A_207, %sub3A_207 : vector<16xf32>
          %add3A_212 = arith.addf %mul3A_210, %mul3A_211 : vector<16xf32>
          %mul3A_213 = arith.mulf %sub3A_209, %sub3A_209 : vector<16xf32>
          %add3A_214 = arith.addf %add3A_212, %mul3A_213 : vector<16xf32>
          %add3A_215 = vector.broadcast %add3A_197 : i32 to vector<16xi32>
          %add3A_216 = arith.addi %add3A_215, %iota3A : vector<16xi32>
          %lt3A_217 = vector.broadcast %select_n3A_155 : i32 to vector<16xi32>
          %lt3A_218 = arith.cmpi slt, %add3A_216, %lt3A_217 : vector<16xi32>
          %le3A_219 = arith.constant 1.000000e+00 : f32
          %le3A_220 = vector.broadcast %le3A_219 : f32 to vector<16xf32>
          %le3A_221 = arith.cmpf ole, %add3A_214, %le3A_220 : vector<16xf32>
          %and3A_222 = arith.andi %lt3A_218, %le3A_221 : vector<16xi1>
          %min3A_223 = arith.constant 400 : i32
          %min3A_224 = arith.minsi %while3A_194, %min3A_223 : i32
          %swap3A_225 = arith.index_cast %min3A_224 : i32 to index
          %swap3A_226 = tpu.vector_load %arg16[%swap3A_225] masked %and3A_222 {strides = array<i32>} : memref<432xf32, #tpu.memory_space<vmem>>, vector<16xf32>, vector<16xi1>
          tpu.vector_store %arg16[%swap3A_225], %add3A_214 masked %and3A_222 {strides = array<i32>} : memref<432xf32, #tpu.memory_space<vmem>>, vector<16xf32>, vector<16xi1>
          %swap3A_227 = arith.index_cast %min3A_224 : i32 to index
          %swap3A_228 = tpu.vector_load %arg17[%swap3A_227] masked %and3A_222 {strides = array<i32>} : memref<432xi32, #tpu.memory_space<vmem>>, vector<16xi32>, vector<16xi1>
          tpu.vector_store %arg17[%swap3A_227], %gather3A_203 masked %and3A_222 {strides = array<i32>} : memref<432xi32, #tpu.memory_space<vmem>>, vector<16xi32>, vector<16xi1>
          %all_reduce_population_count3A = tpu.all_reduce %and3A_222 {dim = 0 : i64, kind = #tpu.reduction_kind<sum>} : vector<16xi1> -> vector<16xi32>
          %slice3A_229 = vector.extract_strided_slice %all_reduce_population_count3A {offsets = [0], sizes = [1], strides = [1]} : vector<16xi32> to vector<1xi32>
          %squeeze3A_230 = vector.extract %slice3A_229[0] : i32 from vector<1xi32>
          %add3A_231 = arith.addi %while3A_194, %squeeze3A_230 : i32
          scf.yield %add3A_231 : i32
        }
        %while3A_191 = arith.constant 1 : i32
        %while3A_192 = scf.for %while3A_193 = %while3A_188 to %while3A_184 step %while3A_191 iter_args(%while3A_194 = %while3A_190) -> (i32)  : i32 {
          %mul3A_195 = arith.constant 16 : i32
          %mul3A_196 = arith.muli %while3A_193, %mul3A_195 : i32
          %add3A_197 = arith.addi %squeeze3A_146, %mul3A_196 : i32
          %add3A_198 = vector.broadcast %add3A_197 : i32 to vector<16xi32>
          %add3A_199 = arith.addi %add3A_198, %iota3A : vector<16xi32>
          %gather3A_200 = tpu.vector_load_idx %arg9[%add3A_199] : memref<30352xf32, #tpu.memory_space<vmem>>[vector<16xi32>], vector<16xf32>,
          %gather3A_201 = tpu.vector_load_idx %arg10[%add3A_199] : memref<30352xf32, #tpu.memory_space<vmem>>[vector<16xi32>], vector<16xf32>,
          %gather3A_202 = tpu.vector_load_idx %arg11[%add3A_199] : memref<30352xf32, #tpu.memory_space<vmem>>[vector<16xi32>], vector<16xf32>,
          %gather3A_203 = tpu.vector_load_idx %arg12[%add3A_199] : memref<30352xi32, #tpu.memory_space<vmem>>[vector<16xi32>], vector<16xi32>,
          %sub3A_204 = vector.broadcast %squeeze3A_23 : f32 to vector<16xf32>
          %sub3A_205 = arith.subf %gather3A_200, %sub3A_204 : vector<16xf32>
          %sub3A_206 = vector.broadcast %squeeze3A_25 : f32 to vector<16xf32>
          %sub3A_207 = arith.subf %gather3A_201, %sub3A_206 : vector<16xf32>
          %sub3A_208 = vector.broadcast %squeeze3A_27 : f32 to vector<16xf32>
          %sub3A_209 = arith.subf %gather3A_202, %sub3A_208 : vector<16xf32>
          %mul3A_210 = arith.mulf %sub3A_205, %sub3A_205 : vector<16xf32>
          %mul3A_211 = arith.mulf %sub3A_207, %sub3A_207 : vector<16xf32>
          %add3A_212 = arith.addf %mul3A_210, %mul3A_211 : vector<16xf32>
          %mul3A_213 = arith.mulf %sub3A_209, %sub3A_209 : vector<16xf32>
          %add3A_214 = arith.addf %add3A_212, %mul3A_213 : vector<16xf32>
          %add3A_215 = vector.broadcast %add3A_197 : i32 to vector<16xi32>
          %add3A_216 = arith.addi %add3A_215, %iota3A : vector<16xi32>
          %lt3A_217 = vector.broadcast %select_n3A_155 : i32 to vector<16xi32>
          %lt3A_218 = arith.cmpi slt, %add3A_216, %lt3A_217 : vector<16xi32>
          %le3A_219 = arith.constant 1.000000e+00 : f32
          %le3A_220 = vector.broadcast %le3A_219 : f32 to vector<16xf32>
          %le3A_221 = arith.cmpf ole, %add3A_214, %le3A_220 : vector<16xf32>
          %and3A_222 = arith.andi %lt3A_218, %le3A_221 : vector<16xi1>
          %min3A_223 = arith.constant 400 : i32
          %min3A_224 = arith.minsi %while3A_194, %min3A_223 : i32
          %swap3A_225 = arith.index_cast %min3A_224 : i32 to index
          %swap3A_226 = tpu.vector_load %arg16[%swap3A_225] masked %and3A_222 {strides = array<i32>} : memref<432xf32, #tpu.memory_space<vmem>>, vector<16xf32>, vector<16xi1>
          tpu.vector_store %arg16[%swap3A_225], %add3A_214 masked %and3A_222 {strides = array<i32>} : memref<432xf32, #tpu.memory_space<vmem>>, vector<16xf32>, vector<16xi1>
          %swap3A_227 = arith.index_cast %min3A_224 : i32 to index
          %swap3A_228 = tpu.vector_load %arg17[%swap3A_227] masked %and3A_222 {strides = array<i32>} : memref<432xi32, #tpu.memory_space<vmem>>, vector<16xi32>, vector<16xi1>
          tpu.vector_store %arg17[%swap3A_227], %gather3A_203 masked %and3A_222 {strides = array<i32>} : memref<432xi32, #tpu.memory_space<vmem>>, vector<16xi32>, vector<16xi1>
          %all_reduce_population_count3A = tpu.all_reduce %and3A_222 {dim = 0 : i64, kind = #tpu.reduction_kind<sum>} : vector<16xi1> -> vector<16xi32>
          %slice3A_229 = vector.extract_strided_slice %all_reduce_population_count3A {offsets = [0], sizes = [1], strides = [1]} : vector<16xi32> to vector<1xi32>
          %squeeze3A_230 = vector.extract %slice3A_229[0] : i32 from vector<1xi32>
          %add3A_231 = arith.addi %while3A_194, %squeeze3A_230 : i32
          scf.yield %add3A_231 : i32
        }
        scf.yield %while3A_192 : i32
      }
      %scan3A_47 = arith.constant 9 : i32
      %le3A = arith.constant 400 : i32
      %le3A_48 = arith.cmpi sle, %scan3A_46, %le3A : i32
      %convert_element_type3A_49 = arith.extui %le3A_48 : i1 to i32
      %cond3A = arith.constant 0 : i32
      %cond3A_50 = arith.cmpi ne, %convert_element_type3A_49, %cond3A : i32
      %cond3A_51:4 = scf.if %cond3A_50 -> (vector<16xf32>, vector<16xi32>, vector<16xf32>, vector<16xi32>) {
        %scan3A_75 = arith.constant 0 : i32
        %scan3A_76 = arith.constant 26 : i32
        %scan3A_77 = arith.addi %scan3A_75, %scan3A_76 : i32
        %scan3A_78 = arith.constant 1 : i32
        %scan3A_79:4 = scf.for %scan3A_81 = %scan3A_75 to %scan3A_77 step %scan3A_78 iter_args(%scan3A_82 = %broadcast_in_dim3A_5, %scan3A_83 = %broadcast_in_dim3A_7, %scan3A_84 = %broadcast_in_dim3A_5, %scan3A_85 = %broadcast_in_dim3A_7) -> (vector<16xf32>, vector<16xi32>, vector<16xf32>, vector<16xi32>)  : i32 {
          %mul3A_86 = arith.constant 16 : i32
          %mul3A_87 = arith.muli %scan3A_81, %mul3A_86 : i32
          %lt3A = arith.cmpi slt, %mul3A_87, %scan3A_46 : i32
          %convert_element_type3A_88 = arith.extui %lt3A : i1 to i32
          %cond3A_89 = arith.constant 0 : i32
          %cond3A_90 = arith.cmpi ne, %convert_element_type3A_88, %cond3A_89 : i32
          %cond3A_91:4 = scf.if %cond3A_90 -> (vector<16xf32>, vector<16xi32>, vector<16xf32>, vector<16xi32>) {
            %get3A_92 = arith.index_cast %mul3A_87 : i32 to index
            %get3A_93 = tpu.vector_load %arg16[%get3A_92] {strides = array<i32>} : memref<432xf32, #tpu.memory_space<vmem>>, vector<16xf32>,
            %get3A_94 = arith.index_cast %mul3A_87 : i32 to index
            %get3A_95 = tpu.vector_load %arg17[%get3A_94] {strides = array<i32>} : memref<432xi32, #tpu.memory_space<vmem>>, vector<16xi32>,
            %add3A_96 = vector.broadcast %mul3A_87 : i32 to vector<16xi32>
            %add3A_97 = arith.addi %add3A_96, %iota3A : vector<16xi32>
            %lt3A_98 = vector.broadcast %scan3A_46 : i32 to vector<16xi32>
            %lt3A_99 = arith.cmpi slt, %add3A_97, %lt3A_98 : vector<16xi32>
            %jit3A_100 = arith.constant 0x7F800000 : f32
            %broadcast_in_dim3A_101 = vector.broadcast %jit3A_100 : f32 to vector<16xf32>
            %select_n3A_102 = arith.select %lt3A_99, %get3A_93, %broadcast_in_dim3A_101 : vector<16xi1>, vector<16xf32>
            %masked_sort3A = arith.constant dense<true> : vector<16xi1>
            %masked_sort3A_103, %masked_sort3A_104, %masked_sort3A_105 = tpu.sort %select_n3A_102, %get3A_95 masked %masked_sort3A : (vector<16xf32>, vector<16xi32>, vector<16xi1>) -> (vector<16xi1>, vector<16xf32>, vector<16xi32>)
            %rev3A = arith.constant 15 : i32
            %rev3A_106 = vector.broadcast %rev3A : i32 to vector<16xi32>
            %rev3A_107 = tpu.iota {dimensions = array<i32: 0>} : vector<16xi32>
            %rev3A_108 = arith.subi %rev3A_106, %rev3A_107 : vector<16xi32>
            %rev3A_109 = tpu.dynamic_gather %masked_sort3A_104[%rev3A_108] in [0] : vector<16xf32>, vector<16xi32> -> vector<16xf32>
            %rev3A_110 = arith.constant 15 : i32
            %rev3A_111 = vector.broadcast %rev3A_110 : i32 to vector<16xi32>
            %rev3A_112 = tpu.iota {dimensions = array<i32: 0>} : vector<16xi32>
            %rev3A_113 = arith.subi %rev3A_111, %rev3A_112 : vector<16xi32>
            %rev3A_114 = tpu.dynamic_gather %masked_sort3A_105[%rev3A_113] in [0] : vector<16xi32>, vector<16xi32> -> vector<16xi32>
            %le3A_115 = arith.cmpf ole, %scan3A_84, %rev3A_109 : vector<16xf32>
            %select_n3A_116 = arith.select %le3A_115, %scan3A_84, %rev3A_109 : vector<16xi1>, vector<16xf32>
            %select_n3A_117 = arith.select %le3A_115, %scan3A_85, %rev3A_114 : vector<16xi1>, vector<16xi32>
            %masked_sort3A_118 = arith.constant dense<true> : vector<16xi1>
            %masked_sort3A_119, %masked_sort3A_120, %masked_sort3A_121 = tpu.sort %select_n3A_116, %select_n3A_117 masked %masked_sort3A_118 : (vector<16xf32>, vector<16xi32>, vector<16xi1>) -> (vector<16xi1>, vector<16xf32>, vector<16xi32>)
            %rev3A_122 = arith.constant 15 : i32
            %rev3A_123 = vector.broadcast %rev3A_122 : i32 to vector<16xi32>
            %rev3A_124 = tpu.iota {dimensions = array<i32: 0>} : vector<16xi32>
            %rev3A_125 = arith.subi %rev3A_123, %rev3A_124 : vector<16xi32>
            %rev3A_126 = tpu.dynamic_gather %masked_sort3A_120[%rev3A_125] in [0] : vector<16xf32>, vector<16xi32> -> vector<16xf32>
            %rev3A_127 = arith.constant 15 : i32
            %rev3A_128 = vector.broadcast %rev3A_127 : i32 to vector<16xi32>
            %rev3A_129 = tpu.iota {dimensions = array<i32: 0>} : vector<16xi32>
            %rev3A_130 = arith.subi %rev3A_128, %rev3A_129 : vector<16xi32>
            %rev3A_131 = tpu.dynamic_gather %masked_sort3A_121[%rev3A_130] in [0] : vector<16xi32>, vector<16xi32> -> vector<16xi32>
            %le3A_132 = arith.cmpf ole, %scan3A_82, %rev3A_126 : vector<16xf32>
            %select_n3A_133 = arith.select %le3A_132, %scan3A_82, %rev3A_126 : vector<16xi1>, vector<16xf32>
            %select_n3A_134 = arith.select %le3A_132, %scan3A_83, %rev3A_131 : vector<16xi1>, vector<16xi32>
            %select_n3A_135 = arith.select %le3A_132, %rev3A_126, %scan3A_82 : vector<16xi1>, vector<16xf32>
            %select_n3A_136 = arith.select %le3A_132, %rev3A_131, %scan3A_83 : vector<16xi1>, vector<16xi32>
            %masked_sort3A_137 = arith.constant dense<true> : vector<16xi1>
            %masked_sort3A_138, %masked_sort3A_139, %masked_sort3A_140 = tpu.sort %select_n3A_133, %select_n3A_134 masked %masked_sort3A_137 : (vector<16xf32>, vector<16xi32>, vector<16xi1>) -> (vector<16xi1>, vector<16xf32>, vector<16xi32>)
            %masked_sort3A_141 = arith.constant dense<true> : vector<16xi1>
            %masked_sort3A_142, %masked_sort3A_143, %masked_sort3A_144 = tpu.sort %select_n3A_135, %select_n3A_136 masked %masked_sort3A_141 : (vector<16xf32>, vector<16xi32>, vector<16xi1>) -> (vector<16xi1>, vector<16xf32>, vector<16xi32>)
            scf.yield %masked_sort3A_139, %masked_sort3A_140, %masked_sort3A_143, %masked_sort3A_144 : vector<16xf32>, vector<16xi32>, vector<16xf32>, vector<16xi32>
          } else {
            scf.yield %scan3A_82, %scan3A_83, %scan3A_84, %scan3A_85 : vector<16xf32>, vector<16xi32>, vector<16xf32>, vector<16xi32>
          }
          scf.yield %cond3A_91#0, %cond3A_91#1, %cond3A_91#2, %cond3A_91#3 : vector<16xf32>, vector<16xi32>, vector<16xf32>, vector<16xi32>
        }
        %scan3A_80 = arith.constant 26 : i32
        scf.yield %scan3A_79#0, %scan3A_79#1, %scan3A_79#2, %scan3A_79#3 : vector<16xf32>, vector<16xi32>, vector<16xf32>, vector<16xi32>
      } else {
        %scan3A_75 = arith.constant 0 : i32
        %scan3A_76 = arith.constant 1896 : i32
        %scan3A_77 = arith.addi %scan3A_75, %scan3A_76 : i32
        %scan3A_78 = arith.constant 1 : i32
        %scan3A_79:4 = scf.for %scan3A_81 = %scan3A_75 to %scan3A_77 step %scan3A_78 iter_args(%scan3A_82 = %broadcast_in_dim3A_5, %scan3A_83 = %broadcast_in_dim3A_7, %scan3A_84 = %broadcast_in_dim3A_5, %scan3A_85 = %broadcast_in_dim3A_7) -> (vector<16xf32>, vector<16xi32>, vector<16xf32>, vector<16xi32>)  : i32 {
          %mul3A_86 = arith.constant 16 : i32
          %mul3A_87 = arith.muli %scan3A_81, %mul3A_86 : i32
          %get3A_88 = arith.index_cast %mul3A_87 : i32 to index
          %get3A_89 = tpu.vector_load %arg9[%get3A_88] {strides = array<i32>} : memref<30352xf32, #tpu.memory_space<vmem>>, vector<16xf32>,
          %get3A_90 = arith.index_cast %mul3A_87 : i32 to index
          %get3A_91 = tpu.vector_load %arg10[%get3A_90] {strides = array<i32>} : memref<30352xf32, #tpu.memory_space<vmem>>, vector<16xf32>,
          %get3A_92 = arith.index_cast %mul3A_87 : i32 to index
          %get3A_93 = tpu.vector_load %arg11[%get3A_92] {strides = array<i32>} : memref<30352xf32, #tpu.memory_space<vmem>>, vector<16xf32>,
          %get3A_94 = arith.index_cast %mul3A_87 : i32 to index
          %get3A_95 = tpu.vector_load %arg12[%get3A_94] {strides = array<i32>} : memref<30352xi32, #tpu.memory_space<vmem>>, vector<16xi32>,
          %sub3A_96 = vector.broadcast %squeeze3A_23 : f32 to vector<16xf32>
          %sub3A_97 = arith.subf %get3A_89, %sub3A_96 : vector<16xf32>
          %sub3A_98 = vector.broadcast %squeeze3A_25 : f32 to vector<16xf32>
          %sub3A_99 = arith.subf %get3A_91, %sub3A_98 : vector<16xf32>
          %sub3A_100 = vector.broadcast %squeeze3A_27 : f32 to vector<16xf32>
          %sub3A_101 = arith.subf %get3A_93, %sub3A_100 : vector<16xf32>
          %mul3A_102 = arith.mulf %sub3A_97, %sub3A_97 : vector<16xf32>
          %mul3A_103 = arith.mulf %sub3A_99, %sub3A_99 : vector<16xf32>
          %add3A_104 = arith.addf %mul3A_102, %mul3A_103 : vector<16xf32>
          %mul3A_105 = arith.mulf %sub3A_101, %sub3A_101 : vector<16xf32>
          %add3A_106 = arith.addf %add3A_104, %mul3A_105 : vector<16xf32>
          %and3A_107 = arith.constant 1048575 : i32
          %and3A_108 = vector.broadcast %and3A_107 : i32 to vector<16xi32>
          %and3A_109 = arith.andi %get3A_95, %and3A_108 : vector<16xi32>
          %shift_right_arithmetic3A = arith.constant 20 : i32
          %shift_right_arithmetic3A_110 = vector.broadcast %shift_right_arithmetic3A : i32 to vector<16xi32>
          %shift_right_arithmetic3A_111 = arith.shrsi %get3A_95, %shift_right_arithmetic3A_110 : vector<16xi32>
          %le3A_112 = arith.constant 1.000000e+00 : f32
          %le3A_113 = vector.broadcast %le3A_112 : f32 to vector<16xf32>
          %le3A_114 = arith.cmpf ole, %add3A_106, %le3A_113 : vector<16xf32>
          %eq3A = vector.broadcast %squeeze3A : i32 to vector<16xi32>
          %eq3A_115 = arith.cmpi eq, %shift_right_arithmetic3A_111, %eq3A : vector<16xi32>
          %and3A_116 = arith.andi %le3A_114, %eq3A_115 : vector<16xi1>
          %lt3A = arith.constant 30000 : i32
          %lt3A_117 = vector.broadcast %lt3A : i32 to vector<16xi32>
          %lt3A_118 = arith.cmpi slt, %and3A_109, %lt3A_117 : vector<16xi32>
          %and3A_119 = arith.andi %and3A_116, %lt3A_118 : vector<16xi1>
          %add3A_120 = vector.broadcast %mul3A_87 : i32 to vector<16xi32>
          %add3A_121 = arith.addi %add3A_120, %iota3A : vector<16xi32>
          %lt3A_122 = arith.constant 30208 : i32
          %lt3A_123 = vector.broadcast %lt3A_122 : i32 to vector<16xi32>
          %lt3A_124 = arith.cmpi slt, %add3A_121, %lt3A_123 : vector<16xi32>
          %and3A_125 = arith.andi %and3A_119, %lt3A_124 : vector<16xi1>
          %reduce_or3A = arith.constant 1.000000e+00 : f32
          %reduce_or3A_126 = arith.constant 0.000000e+00 : f32
          %reduce_or3A_127 = vector.broadcast %reduce_or3A : f32 to vector<16xf32>
          %reduce_or3A_128 = vector.broadcast %reduce_or3A_126 : f32 to vector<16xf32>
          %reduce_or3A_129 = arith.select %and3A_125, %reduce_or3A_127, %reduce_or3A_128 : vector<16xi1>, vector<16xf32>
          %reduce_or3A_130 = arith.constant true
          %reduce_or3A_131 = vector.broadcast %reduce_or3A_130 : i1 to vector<16xi1>
          %reduce_or3A_132 = tpu.scan <max>, %reduce_or3A_129 masked %reduce_or3A_131 : vector<16xf32>, vector<16xi1> -> vector<16xf32>
          %reduce_or3A_133 = vector.extract %reduce_or3A_132[15] : f32 from vector<16xf32>
          %reduce_or3A_134 = arith.constant 0.000000e+00 : f32
          %reduce_or3A_135 = arith.cmpf ogt, %reduce_or3A_133, %reduce_or3A_134 : f32
          %convert_element_type3A_136 = arith.extui %reduce_or3A_135 : i1 to i32
          %cond3A_137 = arith.constant 0 : i32
          %cond3A_138 = arith.cmpi ne, %convert_element_type3A_136, %cond3A_137 : i32
          %cond3A_139:4 = scf.if %cond3A_138 -> (vector<16xf32>, vector<16xi32>, vector<16xf32>, vector<16xi32>) {
            %jit3A_140 = arith.constant 0x7F800000 : f32
            %broadcast_in_dim3A_141 = vector.broadcast %jit3A_140 : f32 to vector<16xf32>
            %select_n3A_142 = arith.select %and3A_125, %add3A_106, %broadcast_in_dim3A_141 : vector<16xi1>, vector<16xf32>
            %masked_sort3A = arith.constant dense<true> : vector<16xi1>
            %masked_sort3A_143, %masked_sort3A_144, %masked_sort3A_145 = tpu.sort %select_n3A_142, %get3A_95 masked %masked_sort3A : (vector<16xf32>, vector<16xi32>, vector<16xi1>) -> (vector<16xi1>, vector<16xf32>, vector<16xi32>)
            %rev3A = arith.constant 15 : i32
            %rev3A_146 = vector.broadcast %rev3A : i32 to vector<16xi32>
            %rev3A_147 = tpu.iota {dimensions = array<i32: 0>} : vector<16xi32>
            %rev3A_148 = arith.subi %rev3A_146, %rev3A_147 : vector<16xi32>
            %rev3A_149 = tpu.dynamic_gather %masked_sort3A_144[%rev3A_148] in [0] : vector<16xf32>, vector<16xi32> -> vector<16xf32>
            %rev3A_150 = arith.constant 15 : i32
            %rev3A_151 = vector.broadcast %rev3A_150 : i32 to vector<16xi32>
            %rev3A_152 = tpu.iota {dimensions = array<i32: 0>} : vector<16xi32>
            %rev3A_153 = arith.subi %rev3A_151, %rev3A_152 : vector<16xi32>
            %rev3A_154 = tpu.dynamic_gather %masked_sort3A_145[%rev3A_153] in [0] : vector<16xi32>, vector<16xi32> -> vector<16xi32>
            %le3A_155 = arith.cmpf ole, %scan3A_84, %rev3A_149 : vector<16xf32>
            %select_n3A_156 = arith.select %le3A_155, %scan3A_84, %rev3A_149 : vector<16xi1>, vector<16xf32>
            %select_n3A_157 = arith.select %le3A_155, %scan3A_85, %rev3A_154 : vector<16xi1>, vector<16xi32>
            %masked_sort3A_158 = arith.constant dense<true> : vector<16xi1>
            %masked_sort3A_159, %masked_sort3A_160, %masked_sort3A_161 = tpu.sort %select_n3A_156, %select_n3A_157 masked %masked_sort3A_158 : (vector<16xf32>, vector<16xi32>, vector<16xi1>) -> (vector<16xi1>, vector<16xf32>, vector<16xi32>)
            %rev3A_162 = arith.constant 15 : i32
            %rev3A_163 = vector.broadcast %rev3A_162 : i32 to vector<16xi32>
            %rev3A_164 = tpu.iota {dimensions = array<i32: 0>} : vector<16xi32>
            %rev3A_165 = arith.subi %rev3A_163, %rev3A_164 : vector<16xi32>
            %rev3A_166 = tpu.dynamic_gather %masked_sort3A_160[%rev3A_165] in [0] : vector<16xf32>, vector<16xi32> -> vector<16xf32>
            %rev3A_167 = arith.constant 15 : i32
            %rev3A_168 = vector.broadcast %rev3A_167 : i32 to vector<16xi32>
            %rev3A_169 = tpu.iota {dimensions = array<i32: 0>} : vector<16xi32>
            %rev3A_170 = arith.subi %rev3A_168, %rev3A_169 : vector<16xi32>
            %rev3A_171 = tpu.dynamic_gather %masked_sort3A_161[%rev3A_170] in [0] : vector<16xi32>, vector<16xi32> -> vector<16xi32>
            %le3A_172 = arith.cmpf ole, %scan3A_82, %rev3A_166 : vector<16xf32>
            %select_n3A_173 = arith.select %le3A_172, %scan3A_82, %rev3A_166 : vector<16xi1>, vector<16xf32>
            %select_n3A_174 = arith.select %le3A_172, %scan3A_83, %rev3A_171 : vector<16xi1>, vector<16xi32>
            %select_n3A_175 = arith.select %le3A_172, %rev3A_166, %scan3A_82 : vector<16xi1>, vector<16xf32>
            %select_n3A_176 = arith.select %le3A_172, %rev3A_171, %scan3A_83 : vector<16xi1>, vector<16xi32>
            %masked_sort3A_177 = arith.constant dense<true> : vector<16xi1>
            %masked_sort3A_178, %masked_sort3A_179, %masked_sort3A_180 = tpu.sort %select_n3A_173, %select_n3A_174 masked %masked_sort3A_177 : (vector<16xf32>, vector<16xi32>, vector<16xi1>) -> (vector<16xi1>, vector<16xf32>, vector<16xi32>)
            %masked_sort3A_181 = arith.constant dense<true> : vector<16xi1>
            %masked_sort3A_182, %masked_sort3A_183, %masked_sort3A_184 = tpu.sort %select_n3A_175, %select_n3A_176 masked %masked_sort3A_181 : (vector<16xf32>, vector<16xi32>, vector<16xi1>) -> (vector<16xi1>, vector<16xf32>, vector<16xi32>)
            scf.yield %masked_sort3A_179, %masked_sort3A_180, %masked_sort3A_183, %masked_sort3A_184 : vector<16xf32>, vector<16xi32>, vector<16xf32>, vector<16xi32>
          } else {
            scf.yield %scan3A_82, %scan3A_83, %scan3A_84, %scan3A_85 : vector<16xf32>, vector<16xi32>, vector<16xf32>, vector<16xi32>
          }
          scf.yield %cond3A_139#0, %cond3A_139#1, %cond3A_139#2, %cond3A_139#3 : vector<16xf32>, vector<16xi32>, vector<16xf32>, vector<16xi32>
        }
        %scan3A_80 = arith.constant 1896 : i32
        scf.yield %scan3A_79#0, %scan3A_79#1, %scan3A_79#2, %scan3A_79#3 : vector<16xf32>, vector<16xi32>, vector<16xf32>, vector<16xi32>
      }
      %le3A_52 = arith.constant 1.000000e+00 : f32
      %le3A_53 = vector.broadcast %le3A_52 : f32 to vector<16xf32>
      %le3A_54 = arith.cmpf ole, %cond3A_51#0, %le3A_53 : vector<16xf32>
      %and3A = arith.constant 1048575 : i32
      %and3A_55 = vector.broadcast %and3A : i32 to vector<16xi32>
      %and3A_56 = arith.andi %cond3A_51#1, %and3A_55 : vector<16xi32>
      %jit3A_57 = arith.constant -1 : i32
      %broadcast_in_dim3A_58 = vector.broadcast %jit3A_57 : i32 to vector<16xi32>
      %select_n3A = arith.select %le3A_54, %and3A_56, %broadcast_in_dim3A_58 : vector<16xi1>, vector<16xi32>
      %le3A_59 = arith.constant 1.000000e+00 : f32
      %le3A_60 = vector.broadcast %le3A_59 : f32 to vector<16xf32>
      %le3A_61 = arith.cmpf ole, %cond3A_51#2, %le3A_60 : vector<16xf32>
      %and3A_62 = arith.constant 1048575 : i32
      %and3A_63 = vector.broadcast %and3A_62 : i32 to vector<16xi32>
      %and3A_64 = arith.andi %cond3A_51#3, %and3A_63 : vector<16xi32>
      %jit3A_65 = arith.constant -1 : i32
      %broadcast_in_dim3A_66 = vector.broadcast %jit3A_65 : i32 to vector<16xi32>
      %select_n3A_67 = arith.select %le3A_61, %and3A_64, %broadcast_in_dim3A_66 : vector<16xi1>, vector<16xi32>
      %swap3A = arith.constant 0 : index
      %swap3A_68 = tpu.vector_load %arg15[%swap3A] {strides = array<i32>} : memref<32xi32, #tpu.memory_space<vmem>>, vector<16xi32>,
      tpu.vector_store %arg15[%swap3A], %select_n3A {strides = array<i32>} : memref<32xi32, #tpu.memory_space<vmem>>, vector<16xi32>,
      %swap3A_69 = arith.constant 16 : index
      %swap3A_70 = tpu.vector_load %arg15[%swap3A_69] {strides = array<i32>} : memref<32xi32, #tpu.memory_space<vmem>>, vector<16xi32>,
      tpu.vector_store %arg15[%swap3A_69], %select_n3A_67 {strides = array<i32>} : memref<32xi32, #tpu.memory_space<vmem>>, vector<16xi32>,
      %add3A_71 = arith.addi %mul3A_2, %scan3A_14 : i32
      %mul3A_72 = arith.constant 32 : i32
      %mul3A_73 = arith.muli %add3A_71, %mul3A_72 : i32
      "tpu.region"() ({
        %run_scoped3A = tpu.sem_alloc : memref<!tpu.dma_semaphore, #tpu.memory_space<semaphore_mem>>
        %dma_start3A = tpu.memref_slice %arg8[%mul3A_73] : memref<966656xi32, #tpu.memory_space<hbm>> -> memref<32xi32, #tpu.memory_space<hbm>>
        %dma_start3A_75 = tpu.memref_slice %arg8[%mul3A_73] : memref<966656xi32, #tpu.memory_space<hbm>> -> memref<32xi32, #tpu.memory_space<hbm>>
        tpu.enqueue_dma source(%arg15 : memref<32xi32, #tpu.memory_space<vmem>>) target(%dma_start3A_75 : memref<32xi32, #tpu.memory_space<hbm>>) target_semaphore(%run_scoped3A : memref<!tpu.dma_semaphore, #tpu.memory_space<semaphore_mem>>)
        %dma_wait3A = tpu.memref_slice %arg8[%mul3A_73] : memref<966656xi32, #tpu.memory_space<hbm>> -> memref<32xi32, #tpu.memory_space<hbm>>
        %dma_wait3A_76 = tpu.memref_slice %arg8[%mul3A_73] : memref<966656xi32, #tpu.memory_space<hbm>> -> memref<32xi32, #tpu.memory_space<hbm>>
        tpu.wait_dma2 semaphore(%run_scoped3A : memref<!tpu.dma_semaphore, #tpu.memory_space<semaphore_mem>>) src(%arg15 : memref<32xi32, #tpu.memory_space<vmem>>) dst(%dma_wait3A_76 : memref<32xi32, #tpu.memory_space<hbm>>)
        tpu.yield
      }) : () -> ()
      %scan3A_74 = arith.constant 0 : i32
      scf.yield %scan3A_74 : i32
    }
    %scan3A_13 = arith.constant 944 : i32
    return
  }
}

</mosaic_0001>

<sc_bundles>
// kernel: kernel.11.cloned.1.call-start
scs
__scs_entry_jumppad:
0x0: {  	(pc) =	sbr.rel $0x88, $3  }
0x1: {  	(tag) =	ssettag $0x0;
	lr =	simm.s32 $0x1  }
0x2: {  	[smem:$0x3F9F] =	sst lr;
	_ =	strace $0xD0000000  }
0x3: {  	_ = 	snop  }
0x4: {  	_ = 	snop  }
0x5: {  	_ = 	snop  }
0x6: {  	_ = 	snop  }
0x7: {  	_ = 	snop  }
__scs_overlays_trampoline_lowered:
0x8: {  	[smem:$0x3FAE] =	sst s0  }
0x9: {  	[smem:$0x3FAF] =	sst s1  }
0xa: {  	[smem:$0x3FB0] =	sst s2  }
0xb: {  	[smem:$0x3FB1] =	sst s3  }
0xc: {  	[smem:$0x3FB2] =	sst s4  }
0xd: {  	[smem:$0x3FB3] =	sst s5  }
0xe: {  	[smem:$0x3FB4] =	sst s6  }
0xf: {  	[smem:$0x3FB5] =	sst s7  }
0x10: {  	[smem:$0x3FB6] =	sst s8  }
0x11: {  	[smem:$0x3FB7] =	sst s9;
	s0 =	simm.s32 @!p0 $0x0  }
0x12: {  	s1 =	sld [smem:$0x3F9D];
	s0 =	simm.s32 @p0 $0x1  }
0x13: {  	[smem:$0x3FB8] =	sst s0;
	s0 =	simm.s32 @!p1 $0x0  }
0x14: {  	s2 =	sld [smem:$0x3F9C];
	s0 =	simm.s32 @p1 $0x1  }
0x15: {  	[smem:$0x3FB9] =	sst s0;
	s0 =	simm.s32 @!p2 $0x0  }
0x16: {  	s3 =	sld [smem:$0x3FDB];
	s0 =	simm.s32 @p2 $0x1  }
0x17: {  	s4 =	simm.s32 $0x1BF5;
	[smem:$0x3FBB] =	sst s0  }
0x18: {  	s0 =	sld [smem:$0x3F9E];
	_ =	swait.ge [sflag:s4], $0x0  }
0x19: {  	s7 =	sld [smem:$0x3F9F]  }
0x1a: {  	s8 =	sadd.s32 $0xFFFFE003, lr  }
0x1b: {  	s9 =	sadd.s32 $0xFFFFFEF7, lr;
	s5 =	simm.s32 $0xFFFFFFFF;
	p2 =	slt.u32 s8, $0xFFFFF086  }
0x1c: {  	p1 =	slt.u32 s9, $0xF7A;
	s5 =	simm.s32 @!p2 $0x0  }
0x1d: {  	s5 =	simm.s32 @p1 $0x1;
	p0 =	seq.s32 s7, s2  }
0x1e: {  	s7 =	smul.u32 @!p0 $0xF7A, s2;
	p2 =	seq.s32 @!p0 s5, $0x0  }
0x1f: {  	s9 =	smul.u32 $0xF7A, s1;
	s8 =	simm.s32 @!p0 $0x1BF5;
	p2 =	por !p2, p0  }
0x20: {  	[sflag:s8] =	ssyncset.s32 @!p0 $0xFFFFF086;
	s6 =	sadd.s32 @!p0 s3, s7;
	s7 =	simm.s32 @!p0 $0x108  }
0x21: {  	s3 =	sadd.s32 s3, s9;
	s6 =	sadd.s32 @!p0 $0x88, s6;
	s7 =	simm.s32 @p2 $0x1082  }
0x22: {  	[simem:s7], [sflag:s8] =	dma.local @!p0 [hbm:s6], $0xF7A  }
0x23: {  	s9 =	sor.u32 $0xD0000000, s2;
	s6 =	simm.s32 $0x108;
	_ =	swait.ge @!p0 [sflag:s8], $0x0  }
0x24: {  	s3 =	sadd.s32 $0x88, s3;
	s6 =	simm.s32 @!p1 $0x1082;
	[sflag:s4] =	ssyncset.s32 $0xFFFFF086  }
0x25: {  	[simem:s6], [sflag:s4] =	dma.local [hbm:s3], $0xF7A  }
0x26: {  	[smem:$0x3F9F] =	sst s1;
	(tag) =	ssettag s2;
	_ =	strace s9  }
0x27: {  	s1 =	sld [smem:$0x3FAF]  }
0x28: {  	s2 =	sld [smem:$0x3FB0]  }
0x29: {  	s4 =	sld [smem:$0x3FB2]  }
0x2a: {  	p0 =	seq.s32 s5, $0x0;
	s5 =	sld [smem:$0x3FB3]  }
0x2b: {  	s6 =	sld [smem:$0x3FB4]  }
0x2c: {  	s7 =	sld [smem:$0x3FB5]  }
0x2d: {  	s3 =	simm.s32 $0x108;
	s8 =	sld [smem:$0x3FB6]  }
0x2e: {  	s3 =	simm.s32 @!p0 $0x1082;
	s9 =	sld [smem:$0x3FB7]  }
0x2f: {  	lr =	sadd.s32 s0, s3;
	s0 =	sld [smem:$0x3FAE]  }
0x30: {  	s3 =	sld [smem:$0x3FB1]  }
0x31: {  	[smem:$0x3FBA] =	sst s10  }
0x32: {  	s10 =	sld [smem:$0x3FB8];
	_ =	sdelay $0x3  }
0x33: {  	p0 =	seq.s32 s10, $0x1;
	s10 =	sld [smem:$0x3FBA];
	_ =	sdelay $0x3  }
0x34: {  	[smem:$0x3FBA] =	sst s10  }
0x35: {  	s10 =	sld [smem:$0x3FB9];
	_ =	sdelay $0x3  }
0x36: {  	p1 =	seq.s32 s10, $0x1;
	s10 =	sld [smem:$0x3FBA];
	_ =	sdelay $0x3  }
0x37: {  	[smem:$0x3FBA] =	sst s10  }
0x38: {  	s10 =	sld [smem:$0x3FBB]  }
0x39: {  	_ = 	snop;
	(pc) =	sbr.ind lr, $3  }
0x3a: {  	_ = 	snop  }
0x3b: {  	_ = 	snop  }
0x3c: {  	p2 =	seq.s32 s10, $0x1;
	s10 =	sld [smem:$0x3FBA]  }
0x3d: {  	_ =	shalt  }
0x3e: {  	_ =	shalt  }
0x3f: {  	_ =	shalt  }
0x40: {  	_ =	shalt  }
0x41: {  	_ =	shalt  }
0x42: {  	_ =	shalt  }
0x43: {  	_ =	shalt  }
0x44: {  	_ =	shalt  }
0x45: {  	_ =	shalt  }
0x46: {  	_ =	shalt  }
0x47: {  	_ =	shalt  }
0x48: {  	_ =	shalt  }
0x49: {  	_ =	shalt  }
0x4a: {  	_ =	shalt  }
0x4b: {  	_ =	shalt  }
0x4c: {  	_ =	shalt  }
0x4d: {  	_ =	shalt  }
0x4e: {  	_ =	shalt  }
0x4f: {  	_ =	shalt  }
0x50: {  	_ =	shalt  }
0x51: {  	_ =	shalt  }
0x52: {  	_ =	shalt  }
0x53: {  	_ =	shalt  }
0x54: {  	_ =	shalt  }
0x55: {  	_ =	shalt  }
0x56: {  	_ =	shalt  }
0x57: {  	_ =	shalt  }
0x58: {  	_ =	shalt  }
0x59: {  	_ =	shalt  }
0x5a: {  	_ =	shalt  }
0x5b: {  	_ =	shalt  }
0x5c: {  	_ =	shalt  }
0x5d: {  	_ =	shalt  }
0x5e: {  	_ =	shalt  }
0x5f: {  	_ =	shalt  }
0x60: {  	_ =	shalt  }
0x61: {  	_ =	shalt  }
0x62: {  	_ =	shalt  }
0x63: {  	_ =	shalt  }
0x64: {  	_ =	shalt  }
0x65: {  	_ =	shalt  }
0x66: {  	_ =	shalt  }
0x67: {  	_ =	shalt  }
0x68: {  	_ =	shalt  }
0x69: {  	_ =	shalt  }
0x6a: {  	_ =	shalt  }
0x6b: {  	_ =	shalt  }
0x6c: {  	_ =	shalt  }
0x6d: {  	_ =	shalt  }
0x6e: {  	_ =	shalt  }
0x6f: {  	_ =	shalt  }
0x70: {  	_ =	shalt  }
0x71: {  	_ =	shalt  }
0x72: {  	_ =	shalt  }
0x73: {  	_ =	shalt  }
0x74: {  	_ =	shalt  }
0x75: {  	_ =	shalt  }
0x76: {  	_ =	shalt  }
0x77: {  	_ =	shalt  }
0x78: {  	_ =	shalt  }
0x79: {  	_ =	shalt  }
0x7a: {  	_ =	shalt  }
0x7b: {  	_ =	shalt  }
0x7c: {  	_ =	shalt  }
0x7d: {  	_ =	shalt  }
0x7e: {  	_ =	shalt  }
0x7f: {  	_ =	shalt  }
0x80: {  	_ =	shalt  }
0x81: {  	_ =	shalt  }
0x82: {  	_ =	shalt  }
0x83: {  	_ =	shalt  }
0x84: {  	_ =	shalt  }
0x85: {  	_ =	shalt  }
0x86: {  	_ =	shalt  }
0x87: {  	_ =	shalt  }
.Lfunc_end0:
.L_simem_size_0:
called_computation.2_lowered:
.L_overlay_start_0:
0x88: {  	s2 =	sld [smem:$0x3FD9]  }
0x89: {  	s3 =	sld [smem:$0x3FFE];
	_ =	sdelay $0x1  }
0x8a: {  	s1 =	srdreg.scid  }
0x8b: {  	s0 =	sand.u32 $0x1, s1  }
0x8c: {  	s17 =	sshll.u32 s0, $0xA;
	s2 =	sadd.s32 s3, s2  }
0x8d: {  	s2 =	sadd.s32 s2, s17  }
0x8e: {  	[smem:$0x3FC6] =	sst s2  }
0x8f: {  	_ = 	snop  }
0x90: {  	s2 =	sld [smem:$0x3FD0];
	(tm) =	ssettm $0x1  }
0x91: {  	s18 =	sld [smem:$0x3FFB];
	_ =	sdelay $0x3  }
0x92: {  	_ =	strace s18  }
0x93: {  	s3 =	sld [smem:$0x3FFC];
	_ =	sdelay $0x3  }
0x94: {  	_ =	strace s3  }
0x95: {  	s3 =	sld [smem:$0x3FFD];
	_ =	sdelay $0x3  }
0x96: {  	_ =	strace s3  }
0x97: {  	_ =	strace $0x8FFFFFFF  }
0x98: {  	s19 =	sld [smem:$0x3FDB];
	_ =	sdelay $0x1  }
0x99: {  	s4 =	simm.s32 $_scs_section_size  }
0x9a: {  	s5 =	simm.s32 $_size__tile_overlayer_lowered;
	s6 =	simm.s32 $_tile_overlayer_lowered  }
0x9b: {  	s22 =	simm.s32 $0x1BFF;
	s21 =	sshll.u32 s6, $0x1;
	s3 =	sadd.s32 s4, s19  }
0x9c: {  	s7 =	simm.s32 $0x0;
	s20 =	sshll.u32 s5, $0x1;
	s5 =	sadd.s32 s21, s3  }
0x9d: {  	[timem:s7], [sflag:s22] =	dma.local [hbm:s5], s20  }
0x9e: {  	_ =	swait.ge [sflag:s22], s20  }
0x9f: {  	s4 =	ssub.s32 $0x0, s20;
	[sflag:s22] =	ssyncset.done $0x0  }
0xa0: {  	[sflag:s22] =	ssyncadd.s32 s4;
	_ =	sdelay $0x1  }
0xa1: {  	s23 =	simm.s32 $0x1B8B  }
0xa2: {  	_ =	swait.ge [sflag:s23], $0x1  }
0xa3: {  	[sflag:s23] =	ssyncset.done $0x0  }
0xa4: {  	s25 =	simm.s32 $0x1B8E;
	s24 =	sld [smem:$0x3FFE];
	[sflag:s23] =	ssyncadd.s32 $0xFFFFFFFF  }
0xa5: {  	s26 =	simm.s32 $execute0_lowered;
	[smem:$0x3FD2] =	sst s25  }
0xa6: {  	s5 =	sshll.u32 s26, $0x1;
	_ =	strace $0x8000004C;
	[dreg:$0x1] =	wrdreg $0xFFFFFFFF  }
0xa7: {  	s28 =	simm.s32 $_size_execute0_lowered;
	s3 =	sadd.s32 s3, s5;
	[dreg:$0x0] =	wrdreg $0x0  }
0xa8: {  	s5 =	sshll.u32 s28, $0x1;
	[dreg:$0x2] =	wrdreg s3  }
0xa9: {  	[dreg:$0x3] =	wrdreg s5  }
0xaa: {  	[dreg:$0x4] =	wrdreg $0xC0  }
0xab: {  	_ =	task [dreg:s7], $0x5FFFF  }
0xac: {  	[dreg:$0x1] =	wrdreg $0xFFFFFFFF  }
0xad: {  	[dreg:$0x0] =	wrdreg $0x60  }
0xae: {  	[dreg:$0x2] =	wrdreg s24  }
0xaf: {  	[dreg:$0x3] =	wrdreg s2  }
0xb0: {  	[dreg:$0x4] =	wrdreg $0x9  }
0xb1: {  	_ =	task.clear_ibuf [dreg:s7], $0x5FFFF;
	_ =	strace $0x9000004C  }
0xb2: {  	s29 =	simm.s32 $0x9;
	_ =	strace $0x8000004E  }
0xb3: {  	_ =	swait.ge [sflag:s29], $0x1  }
0xb4: {  	[sflag:s29] =	ssyncadd.s32 $0xFFFFFFFF  }
0xb5: {  	_ =	strace $0x9000004E  }
0xb6: {  	_ =	sfence  }
0xb7: {  	s30 =	sld [smem:$0x0];
	_ =	sdelay $0x2  }
0xb8: {  	s31 =	sshll.u32 s1, $0xD;
	s1 =	sshrl.u32 s1, $0x2  }
0xb9: {  	s3 =	sand.u32 $0x4000, s31;
	s1 =	sadd.s32 s1, s30  }
0xba: {  	s0 =	sor.u32 s3, s0;
	s1 =	sshll.u32 s1, $0x11  }
0xbb: {  	s0 =	sor.u32 s1, s0  }
0xbc: {  	s0 =	sadd.s32 $0x8F2B, s0  }
0xbd: {  	[sflag:s0] =	ssyncadd.remote.s32 $0x1  }
0xbe: {  	_ =	sfence.sel $0xFFFF  }
0xbf: {  	[dreg:$0x0] =	wrdreg $0xFFFFFFFF;
	(pc) =	sbr.abs _section_cstart, $3  }
0xc0: {  	[dreg:$0x1] =	wrdreg $0xFFFFFFFF  }
0xc1: {  	_ =	task.clear_ibuf [dreg:s7], $0x2FFFF;
	_ =	strace $0x9FFFFFFF  }
0xc2: {  	(tm) =	ssettm $0x7FFFFFFF  }
0xc3: {  	_ =	shalt  }
tec
execute0_lowered:
.L_overlay_start_1:
0x0: {  	(tag) =	ssettag $0x1  }
0x1: {  	s9 =	rddreg [dreg:$0x0]  }
0x2: {  	s2 =	rddreg [dreg:$0x1]  }
0x3: {  	s3 =	simm.s32 $0x0;
	s4 =	srdreg.scid;
	s0 =	stileid.u32  }
0x4: {  	s13 =	simm.s32 $0x7700;
	s14 =	simm.s32 $0xEE00;
	s15 =	simm.s32 $0x16500  }
0x5: {  	s16 =	simm.s32 $0x1DC00;
	s17 =	simm.s32 $0x1EC00;
	s18 =	simm.s32 $0x1FB00  }
0x6: {  	s19 =	simm.s32 $0x0;
	[smem:$0x7FF] =	sst s3;
	s8 =	sand.u32 $0x1, s4  }
0x7: {  	s30 =	sshll.u32 s0, $0x1;
	s4 =	sadd.s32 $0x6600, s9;
	s5 =	sadd.s32 $0x7600, s9  }
.Ltmp0:
0x8: {  	s6 =	sadd.s32 $0x8600, s9;
	s10 =	sor.u32 s8, s30;
	(pc) =	sbr.rel .LBB2_1-.Ltmp0, $4  }
0x9: {  	s7 =	sadd.s32 $0x9600, s9;
	s12 =	ssub.s32 $0x2, s8;
	s11 =	smul.u32 $0x1D8, s10  }
0xa: {  	_ =	strace $0x8000004D;
	s8 =	sadd.s32 $0xA600, s9;
	s31 =	sshrl.u32 s12, $0x1  }
0xb: {  	s12 =	ssub.s32 s12, s31;
	s11 =	sadd.s32 s11, s9;
	s9 =	smul.u32 $0x3B0, s10  }
0xc: {  	v0 =	vlaneseq.u32;
	vm0 =	vmxor vm0, vm0;
	v1 =	vimm.f32 $0.0e+00;
	s10 =	sadd.s32 $0xB600, s11;
	s11 =	smax.u32 s12, $0x1;
	s12 =	simm.s32 $0x1  }
.LBB2_19:
0xd: {  	s19 =	sadd.s32 $0x1, s19  }
0xe: {  	p0 =	sne.s32 s19, s11  }
.Ltmp1:
0xf: {  	_ = 	snop;
	(pc) =	sbr.rel @!p0 .LBB2_20-.Ltmp1, $1  }
0x10: {  	_ =	sdelay $0x3  }
.LBB2_1:
0x11: {  	[tilespmem:s3], [sflag:$0x1] =	stream.linear.gather [hbm4b:s4+s3], $0x7680, $0x38;
	[tilespmem:$0x1FF80] =	vst v63  }
0x12: {  	_ =	swait.ge [sflag:s12], $0x7680  }
0x13: {  	[sflag:s12] =	ssyncset.done $0x0  }
0x14: {  	[sflag:s12] =	ssyncadd.s32 $0xFFFF8980  }
0x15: {  	[tilespmem:s13], [sflag:$0x1] =	stream.linear.gather [hbm4b:s5+s3], $0x7680, $0x38;
	[tilespmem:$0x1FF80] =	vst v63  }
0x16: {  	_ =	swait.ge [sflag:s12], $0x7680  }
0x17: {  	[sflag:s12] =	ssyncset.done $0x0  }
0x18: {  	[sflag:s12] =	ssyncadd.s32 $0xFFFF8980  }
0x19: {  	[tilespmem:s14], [sflag:$0x1] =	stream.linear.gather [hbm4b:s6+s3], $0x7680, $0x38;
	[tilespmem:$0x1FF80] =	vst v63  }
0x1a: {  	_ =	swait.ge [sflag:s12], $0x7680  }
0x1b: {  	[sflag:s12] =	ssyncset.done $0x0  }
0x1c: {  	[sflag:s12] =	ssyncadd.s32 $0xFFFF8980  }
0x1d: {  	[tilespmem:s15], [sflag:$0x1] =	stream.linear.gather [hbm4b:s7+s3], $0x7680, $0x38;
	[tilespmem:$0x1FF80] =	vst v63  }
0x1e: {  	_ =	swait.ge [sflag:s12], $0x7680  }
0x1f: {  	[sflag:s12] =	ssyncset.done $0x0  }
0x20: {  	[sflag:s12] =	ssyncadd.s32 $0xFFFF8980  }
0x21: {  	[tilespmem:s16], [sflag:$0x1] =	stream.linear.gather [hbm4b:s8+s3], $0xFB0, $0x38;
	[tilespmem:$0x1FF80] =	vst v63  }
0x22: {  	_ =	swait.ge [sflag:s12], $0xFB0  }
0x23: {  	[sflag:s12] =	ssyncset.done $0x0  }
.Ltmp2:
0x24: {  	[sflag:s12] =	ssyncadd.s32 $0xFFFFF050;
	(pc) =	sbr.rel .LBB2_2-.Ltmp2, $4  }
0x25: {  	[tilespmem:s17], [sflag:$0x1] =	stream.linear.gather [hbm4b:s10+s3], $0xEC0, $0x38;
	[tilespmem:$0x1FF80] =	vst v63  }
0x26: {  	_ =	swait.ge [sflag:s12], $0xEC0  }
0x27: {  	[sflag:s12] =	ssyncset.done $0x0  }
0x28: {  	s20 =	simm.s32 $0x0;
	[sflag:s12] =	ssyncadd.s32 $0xFFFFF140  }
.LBB2_18:
0x29: {  	vm1 =	vle.f32 v2, $1.000000000e+00;
	v2 =	vand.u32 $0xFFFFF, v3  }
0x2a: {  	v3 =	vand.u32 $0xFFFFF, v5;
	s0 =	sadd.s32 s9, s20;
	s20 =	sadd.s32 $0x1, s20;
	v2 =	vnsel vm1, $0xFFFFFFFF, v2;
	vm1 =	vle.f32 v4, $1.000000000e+00  }
0x2b: {  	s0 =	sshll.u32 s0, $0x2;
	p0 =	sne.s32 s20, $0x3B0;
	v3 =	vnsel vm1, $0xFFFFFFFF, v3;
	[tilespmem:$0x1FB00] =	vst v2  }
.Ltmp3:
0x2c: {  	s0 =	sadd.s32 s2, s0;
	[tilespmem:$0x1FB10] =	vst v3;
	(pc) =	sbr.rel @!p0 .LBB2_19-.Ltmp3, $4  }
0x2d: {  	[hbm4b:s0+s3] =	stream.linear.scatter [tilespmem:s18], [sflag:$0x1], $0x20, $0x38;
	[tilespmem:$0x1FF80] =	vst v63  }
0x2e: {  	_ =	swait.ge [sflag:s12], $0x20  }
0x2f: {  	[sflag:s12] =	ssyncset.done $0x0  }
0x30: {  	[sflag:s12] =	ssyncadd.s32 $0xFFFFFFE0  }
.LBB2_2:
0x31: {  	s21 =	sshll.u32 s20, $0x2  }
0x32: {  	s21 =	sand.u32 $0x3FFFFFFC, s21  }
0x33: {  	v4 =	vld [tilespmem:s21+$0x1EC00];
	_ =	sdelay $0x4  }
0x34: {  	v2 =	vtrunc.f32 v4  }
0x35: {  	v2 =	vcvt.f32.s32 v2;
	_ =	sdelay $0x1  }
0x36: {  	vm1 =	vgt.s32 v2, $0x0  }
0x37: {  	v2 =	vnsel vm1, $0x0, v2  }
0x38: {  	v5 =	vmin.u32 v2, $0x9  }
0x39: {  	(v2sf) =	vpush v5, $0x0  }
0x3a: {  	v2 =	vadd.s32 $0xFFFFFFFF, v5;
	(v2sf) =	vpush v5, $0x3  }
0x3b: {  	(v2sf) =	vpush v2, $0x1  }
0x3c: {  	(v2sf) =	vpush v2, $0x2;
	_ =	sdelay $0xa  }
.Ltmp4:
0x3d: {  	_ = 	snop;
	(pc) =	sbr.rel .LBB2_3-.Ltmp4, $4  }
0x3e: {  	s28 =	simm.s32 $0x0;
	s31 =	spop (v2sf)  }
0x3f: {  	s21 =	simm.s32 $0x0;
	s24 =	spop (v2sf);
	s25 =	smul.u32 $0xA, s31  }
0x40: {  	v3 =	vbroadcast v4, $0x2;
	s23 =	smax.u32 s24, $0x1;
	s22 =	spop (v2sf);
	s26 =	smin.u32 s24, $0x8  }
0x41: {  	v2 =	vbroadcast v4, $0x1;
	v4 =	vbroadcast v4, $0x3;
	s23 =	sadd.s32 $0xFFFFFFFF, s23;
	s24 =	spop (v2sf);
	s26 =	sadd.s32 $0x2, s26  }
.LBB2_5:
0x42: {  	s29 =	smov.u32 s21  }
.LBB2_9:
0x43: {  	p1 =	por !p2, !p0;
	s0 =	smov.u32 s29  }
0x44: {  	s0 =	simm.s32 @p1 $0x190  }
0x45: {  	[tilespmem:s0+$0x1FB80] =	vst.msk @p0 vm1, v8  }
0x46: {  	[tilespmem:s0+$0x1FD80] =	vst.msk @p0 vm1, v9  }
0x47: {  	v8 =	vld.idx.msk [tilespmem:v7+s3+$0x0], $0xffff  }
0x48: {  	v9 =	vld.idx.msk [tilespmem:v7+s13+$0x0], $0xffff;
	_ =	sdelay $0x1  }
0x49: {  	v10 =	vld.idx.msk [tilespmem:v7+s14+$0x0], $0xffff;
	_ =	sdelay $0x2  }
0x4a: {  	v8 =	vsub.f32 v8, v2;
	v9 =	vsub.f32 v9, v3;
	_ =	sdelay $0x1  }
0x4b: {  	v10 =	vsub.f32 v10, v4;
	v8 =	vmul.f32 v8, v8;
	v9 =	vmul.f32 v9, v9;
	_ =	sdelay $0x1  }
0x4c: {  	v63 =	vmul.f32 v10, v10;
	v8 =	vadd.f32 v9, v8  }
0x4d: {  	v10 =	vmpcnt.ones.xlane @p0 vm1  }
0x4e: {  	v8 =	vadd.f32 v63, v8  }
0x4f: {  	(v2sf) =	vpush @p0 v10, $0x0  }
0x50: {  	vm1 =	vlt.s32 v7, v6;
	vm2 =	vle.f32 v8, $1.000000000e+00  }
0x51: {  	vm1 =	vmand vm1, vm2  }
0x52: {  	v6 =	vmpcnt.ones.xlane vm1;
	_ =	sdelay $0x1  }
0x53: {  	(v2sf) =	vpush v6, $0x0;
	_ =	sdelay $0x9  }
0x54: {  	s0 =	spop @p0 (v2sf)  }
0x55: {  	v6 =	vld.idx.msk [tilespmem:v7+s15+$0x0], $0xffff;
	s0 =	sadd.s32 @p0 s29, s0  }
0x56: {  	s21 =	smov.u32 @p0 s0  }
0x57: {  	p0 =	slt.s32 s21, $0x190;
	s0 =	smov.u32 s21  }
0x58: {  	s0 =	simm.s32 @!p0 $0x190  }
0x59: {  	[tilespmem:s0+$0x1FB80] =	vst.msk vm1, v8;
	s1 =	spop (v2sf)  }
0x5a: {  	[tilespmem:s0+$0x1FD80] =	vst.msk vm1, v6;
	s21 =	sadd.s32 s21, s1  }
.LBB2_10:
0x5b: {  	s28 =	sadd.s32 $0x1, s28  }
0x5c: {  	p0 =	sne.s32 s28, $0x9  }
.Ltmp5:
0x5d: {  	_ = 	snop;
	(pc) =	sbr.rel @!p0 .LBB2_11-.Ltmp5, $1  }
0x5e: {  	_ =	sdelay $0x3  }
.LBB2_3:
0x5f: {  	s29 =	smul.u32 $0xAB, s28;
	_ =	sdelay $0x1  }
0x60: {  	s29 =	sshrl.u32 s29, $0x9  }
0x61: {  	s29 =	sand.u32 $0x7F, s29  }
0x62: {  	s30 =	smul.u32 $0x3, s29  }
0x63: {  	s31 =	sadd.s32 s29, s22  }
0x64: {  	s1 =	ssub.s32 s28, s30;
	s30 =	sadd.s32 s25, s31  }
0x65: {  	s29 =	sand.u32 $0xFF, s1;
	s30 =	smul.u32 $0xA, s30  }
0x66: {  	s0 =	sadd.s32 s29, s24  }
0x67: {  	s29 =	sadd.s32 s0, s30  }
0x68: {  	s29 =	smul.u32 $0xA, s29;
	_ =	sdelay $0x1  }
0x69: {  	p0 =	sgt.s32 s29, $0x0  }
0x6a: {  	s29 =	simm.s32 @!p0 $0x0  }
0x6b: {  	s29 =	smin.u32 s29, $0xF96  }
0x6c: {  	s30 =	sadd.s32 s29, s23  }
0x6d: {  	s29 =	sadd.s32 s29, s26;
	v6 =	vmov s30  }
0x6e: {  	v7 =	vmov s29;
	_ =	sdelay $0x3  }
0x6f: {  	v6 =	vld.idx.msk [tilespmem:v6+s16+$0x0], $0xffff  }
0x70: {  	v7 =	vld.idx.msk [tilespmem:v7+s16+$0x0], $0xffff;
	_ =	sdelay $0x3  }
0x71: {  	(v2sf) =	vpush v6, $0x0  }
0x72: {  	(v2sf) =	vpush v7, $0x0;
	_ =	sdelay $0xd  }
0x73: {  	s1 =	spop (v2sf)  }
0x74: {  	p0 =	slt.u32 s0, $0xA;
	s0 =	spop (v2sf);
	s29 =	smov.u32 s1  }
0x75: {  	p1 =	slt.u32 s31, $0xA;
	s30 =	smov.u32 s1;
	s29 =	smov.u32 @p0 s0  }
0x76: {  	s30 =	smov.u32 @p1 s29  }
0x77: {  	s29 =	ssub.s32 s30, s1  }
0x78: {  	s0 =	sadd.s32 $0xF, s29  }
0x79: {  	s29 =	sand.u32 $0xF, s0  }
0x7a: {  	p6 =	slt.s32 s0, $0x1;
	p5 =	sne.s32 s29, $0x0;
	s29 =	sshra.s32 s0, $0x1F  }
0x7b: {  	s29 =	sshrl.u32 s29, $0x1C;
	p0 =	por !p6, !p5  }
0x7c: {  	s0 =	sadd.s32 s29, s0;
	p0 =	por !p0, !p0;
	s29 =	simm.s32 $0x1  }
0x7d: {  	s0 =	sshra.s32 s0, $0x4;
	s29 =	simm.s32 @!p0 $0x0  }
0x7e: {  	s31 =	ssub.s32 s0, s29  }
0x7f: {  	p0 =	slt.s32 s31, $0x1  }
.Ltmp6:
0x80: {  	_ = 	snop;
	(pc) =	sbr.rel @p0 .LBB2_10-.Ltmp6, $1  }
0x81: {  	_ =	sdelay $0x3  }
0x82: {  	p1 =	sne.s32 s31, $0x1  }
.Ltmp7:
0x83: {  	_ = 	snop;
	(pc) =	sbr.rel @!p1 .LBB2_5-.Ltmp7, $2  }
0x84: {  	_ =	sdelay $0x2  }
0x85: {  	v6 =	vmov s30;
	v7 =	vadd.s32 s1, v0;
	s31 =	sadd.s32 $0xFFFFFFFF, s31;
	p0 =	por $0x0, $0x0  }
0x86: {  	_ =	sdelay $0x3  }
0x87: {  	v8 =	vld.idx.msk [tilespmem:v7+s3+$0x0], $0xffff  }
0x88: {  	v9 =	vld.idx.msk [tilespmem:v7+s13+$0x0], $0xffff;
	_ =	sdelay $0x1  }
0x89: {  	v10 =	vld.idx.msk [tilespmem:v7+s14+$0x0], $0xffff;
	_ =	sdelay $0x2  }
0x8a: {  	v8 =	vsub.f32 v8, v2;
	v9 =	vsub.f32 v9, v3;
	_ =	sdelay $0x1  }
0x8b: {  	v10 =	vsub.f32 v10, v4;
	v8 =	vmul.f32 v8, v8;
	v9 =	vmul.f32 v9, v9;
	_ =	sdelay $0x1  }
0x8c: {  	p1 =	sne.s32 s31, $0x1;
	v8 =	vadd.f32 v9, v8;
	v9 =	vmul.f32 v10, v10  }
.Ltmp8:
0x8d: {  	_ = 	snop;
	(pc) =	sbr.rel @!p1 .LBB2_7-.Ltmp8, $3  }
0x8e: {  	v8 =	vadd.f32 v9, v8;
	_ =	sdelay $0x1  }
0x8f: {  	s30 =	sadd.s32 $0x10, s1;
	vm1 =	vlt.s32 v7, v6;
	s31 =	sadd.s32 $0xFFFFFFFF, s31;
	v9 =	vld.idx.msk [tilespmem:v7+s15+$0x0], $0xffff;
	vm2 =	vle.f32 v8, $1.000000000e+00  }
0x90: {  	p2 =	slt.s32 s21, $0x190;
	p0 =	por $0x1, $0x1;
	s29 =	smov.u32 s21;
	v7 =	vadd.s32 s30, v0;
	vm1 =	vmand vm1, vm2  }
.LBB2_8:
0x91: {  	s0 =	smov.u32 s29  }
0x92: {  	p1 =	sne.s32 s31, $0x1;
	v10 =	vmpcnt.ones.xlane vm1;
	s0 =	simm.s32 @!p2 $0x190  }
0x93: {  	[tilespmem:s0+$0x1FB80] =	vst.msk vm1, v8  }
0x94: {  	[tilespmem:s0+$0x1FD80] =	vst.msk vm1, v9;
	(v2sf) =	vpush v10, $0x0  }
0x95: {  	v8 =	vld.idx.msk [tilespmem:v7+s3+$0x0], $0xffff  }
0x96: {  	v9 =	vld.idx.msk [tilespmem:v7+s13+$0x0], $0xffff;
	_ =	sdelay $0x1  }
0x97: {  	v10 =	vld.idx.msk [tilespmem:v7+s14+$0x0], $0xffff;
	_ =	sdelay $0x3  }
0x98: {  	v8 =	vsub.f32 v8, v2;
	v9 =	vsub.f32 v9, v3;
	_ =	sdelay $0x1  }
0x99: {  	v8 =	vmul.f32 v8, v8;
	v10 =	vsub.f32 v10, v4;
	v9 =	vmul.f32 v9, v9;
	_ =	sdelay $0x1  }
0x9a: {  	v8 =	vadd.f32 v9, v8;
	v10 =	vmul.f32 v10, v10  }
.Ltmp9:
0x9b: {  	(pc) =	sbr.rel @p1 .LBB2_8-.Ltmp9, $4  }
0x9c: {  	v8 =	vadd.f32 v10, v8;
	v9 =	vld.idx.msk [tilespmem:v7+s15+$0x0], $0xffff  }
0x9d: {  	s30 =	sadd.s32 $0x10, s30;
	s0 =	spop (v2sf)  }
0x9e: {  	vm1 =	vlt.s32 v7, v6;
	v7 =	vadd.s32 s30, v0;
	vm2 =	vle.f32 v8, $1.000000000e+00;
	s29 =	sadd.s32 s29, s0  }
0x9f: {  	s31 =	sadd.s32 $0xFFFFFFFF, s31;
	vm1 =	vmand vm1, vm2;
	p2 =	slt.s32 s29, $0x190  }
.Ltmp10:
0xa0: {  	_ = 	snop;
	(pc) =	sbr.rel .LBB2_9-.Ltmp10, $1  }
0xa1: {  	_ =	sdelay $0x3  }
.LBB2_7:
.Ltmp11:
0xa2: {  	(pc) =	sbr.rel .LBB2_9-.Ltmp11, $2  }
0xa3: {  	_ =	sdelay $0x2  }
0xa4: {  	s29 =	smov.u32 s21  }
.LBB2_11:
0xa5: {  	p0 =	slt.s32 s21, $0x191  }
.Ltmp12:
0xa6: {  	_ = 	snop;
	(pc) =	sbr.rel @!p0 .LBB2_12-.Ltmp12, $1  }
0xa7: {  	_ =	sdelay $0x3  }
0xa8: {  	s22 =	simm.s32 $0x1FB80;
	p0 =	sle.s32 s21, $0x0  }
0xa9: {  	s23 =	simm.s32 $0x1FD80;
	v2 =	vld @!p0 [tilespmem:s22+$0x0]  }
0xaa: {  	v3 =	vld @!p0 [tilespmem:s23+$0x0]  }
0xab: {  	s0 =	simm.s32 $0x0;
	v5 =	vlaneseq.u32 @!p0  }
0xac: {  	v4 =	vmov s21;
	v6 =	vor.u32 @!p0 s0, v5  }
0xad: {  	vm1 =	vlt.s32 @!p0 v6, v4  }
0xae: {  	v2 =	vnsel @!p0 vm1, $0x7F800000, v2  }
0xaf: {  	(xrf1) =	vsort.ascd.msk.f32 @!p0 $0xffff, v2, v3;
	_ =	sdelay $0xb  }
0xb0: {  	v2 =	vmul.u32 @!p0 $0xFFFFFFFF, v5;
	_ =	sdelay $0x1  }
0xb1: {  	v7 =	vadd.s32 @!p0 $0xF, v2;
	v3, v5, _ =	vpop @!p0 (xrf1)  }
0xb2: {  	v6 =	vperm.xlane @!p0 v3, v7  }
0xb3: {  	v2 =	vimm.f32 $+Inf;
	v5 =	vperm.xlane @!p0 v5, v7  }
0xb4: {  	p1 =	por p0, p0;
	v3 =	vimm.s32 $0xFFFFFFFF;
	vm1 =	vle.f32 @!p0 v2, v6  }
0xb5: {  	v6 =	vsel @!p1 vm1, v2, v6;
	v5 =	vsel @!p1 vm1, v3, v5  }
0xb6: {  	s24 =	simm.s32 $0x10;
	(xrf1) =	vsort.ascd.msk.f32 @!p1 $0xffff, v6, v5;
	v6 =	vimm.f32 $+Inf;
	v5 =	vimm.s32 $0xFFFFFFFF  }
.LBB2_16:
0xb7: {  	_ =	sdelay $0x7  }
0xb8: {  	p3 =	por p0, p0  }
0xb9: {  	p0 =	sge.s32 s24, s21;
	s22 =	sadd.s32 $0x10, s22;
	s0 =	smov.u32 s24  }
0xba: {  	s24 =	sadd.s32 $0x10, s24;
	s23 =	sadd.s32 $0x10, s23;
	v8 =	vld @!p0 [tilespmem:s22+$0x0]  }
0xbb: {  	p2 =	seq.s32 s24, $0x1A0;
	v9 =	vld @!p0 [tilespmem:s23+$0x0]  }
0xbc: {  	v10 =	vlaneseq.u32 @!p0  }
0xbd: {  	v11 =	vor.u32 @!p0 s0, v10;
	v12, v13, _ =	vpop @!p3 (xrf1)  }
0xbe: {  	vm1 =	vlt.s32 @!p0 v11, v4;
	v11 =	vperm.xlane @!p1 v12, v7  }
0xbf: {  	v8 =	vnsel @!p0 vm1, $0x7F800000, v8;
	v7 =	vperm.xlane @!p1 v13, v7  }
0xc0: {  	(xrf1) =	vsort.ascd.msk.f32 @!p0 $0xffff, v8, v9;
	vm1 =	vle.f32 @!p1 v2, v11  }
0xc1: {  	v8 =	vsel @!p1 vm1, v3, v7;
	v9 =	vsel @!p1 vm1, v11, v2;
	v7 =	vsel @!p1 vm1, v7, v3  }
0xc2: {  	v11 =	vsel @!p1 vm1, v2, v11;
	(xrf1) =	vsort.ascd.msk.f32 @!p1 $0xffff, v9, v7  }
0xc3: {  	(xrf1) =	vsort.ascd.msk.f32 @!p1 $0xffff, v11, v8;
	_ =	sdelay $0x9  }
0xc4: {  	v7 =	vmul.u32 @!p0 $0xFFFFFFFF, v10  }
0xc5: {  	v8, v9, _ =	vpop @!p0 (xrf1)  }
0xc6: {  	v7 =	vadd.s32 @!p0 $0xF, v7  }
.Ltmp13:
0xc7: {  	v8 =	vperm.xlane @!p0 v8, v7;
	v10, v11, _ =	vpop @!p3 (xrf1);
	(pc) =	sbr.rel @!p2 .LBB2_16-.Ltmp13, $4  }
0xc8: {  	v9 =	vperm.xlane @!p0 v9, v7;
	v6 =	vpsel p1, v6, v10;
	v5 =	vpsel p1, v5, v11;
	v10, v11, _ =	vpop @!p3 (xrf1)  }
0xc9: {  	vm1 =	vle.f32 @!p0 v6, v8;
	v2 =	vpsel p1, v2, v10;
	v3 =	vpsel p1, v3, v11;
	p1 =	por p0, p0  }
0xca: {  	v8 =	vsel @!p1 vm1, v6, v8;
	v9 =	vsel @!p1 vm1, v5, v9  }
0xcb: {  	(xrf1) =	vsort.ascd.msk.f32 @!p1 $0xffff, v8, v9  }
0xcc: {  	_ =	sdelay $0xc  }
0xcd: {  	v4, v8, _ =	vpop @!p0 (xrf1)  }
0xce: {  	v4 =	vperm.xlane @!p1 v4, v7  }
0xcf: {  	v7 =	vperm.xlane @!p1 v8, v7  }
0xd0: {  	vm1 =	vle.f32 @!p1 v2, v4  }
0xd1: {  	v8 =	vsel @!p1 vm1, v4, v2;
	v9 =	vsel @!p1 vm1, v7, v3  }
0xd2: {  	v7 =	vsel @!p1 vm1, v3, v7;
	v4 =	vsel @!p1 vm1, v2, v4;
	(xrf1) =	vsort.ascd.msk.f32 @!p1 $0xffff, v8, v9  }
0xd3: {  	(xrf1) =	vsort.ascd.msk.f32 @!p1 $0xffff, v4, v7;
	_ =	sdelay $0xa  }
.Ltmp14:
0xd4: {  	_ = 	snop;
	(pc) =	sbr.rel .LBB2_18-.Ltmp14, $4  }
0xd5: {  	_ = 	snop  }
0xd6: {  	v4, v7, _ =	vpop @!p0 (xrf1)  }
0xd7: {  	v4 =	vpsel p1, v6, v4;
	v6, v8, _ =	vpop @!p0 (xrf1)  }
0xd8: {  	v5 =	vpsel p1, v5, v7;
	v2 =	vpsel p1, v2, v6;
	v3 =	vpsel p1, v3, v8  }
.LBB2_12:
0xd9: {  	s22 =	simm.s32 $0x0  }
0xda: {  	s24 =	simm.s32 $0x7700;
	v8 =	vld [tilespmem:s22+$0x0]  }
0xdb: {  	v9 =	vld [tilespmem:s24+$0x0]  }
0xdc: {  	s23 =	simm.s32 $0xEE00  }
0xdd: {  	v10 =	vld [tilespmem:s23+$0x0];
	_ =	sdelay $0x2  }
0xde: {  	v8 =	vsub.f32 v8, v2;
	v9 =	vsub.f32 v9, v3  }
0xdf: {  	s21 =	simm.s32 $0x16500  }
0xe0: {  	v11 =	vld [tilespmem:s21+$0x0];
	v10 =	vsub.f32 v10, v4;
	v8 =	vmul.f32 v8, v8;
	v9 =	vmul.f32 v9, v9;
	_ =	sdelay $0x1  }
0xe1: {  	v10 =	vmul.f32 v10, v10;
	v8 =	vadd.f32 v9, v8;
	_ =	sdelay $0x1  }
0xe2: {  	v7 =	vbroadcast v5, $0x0;
	v8 =	vadd.f32 v10, v8  }
0xe3: {  	v9 =	vshra.s32 v11, $0x14  }
0xe4: {  	vm2 =	veq.s32 v9, v7;
	v10 =	vand.u32 $0xFFFF0, v11;
	vm1 =	vle.f32 v8, $1.000000000e+00  }
0xe5: {  	p0 =	por $0x1, $0x1;
	vm3 =	vmmov vm0;
	vm1 =	vmand vm2, vm1;
	vm2 =	vlt.u32 v10, $0x7530  }
0xe6: {  	vm3 =	vmneg @p0 vm3;
	vm1 =	vmand vm2, vm1  }
0xe7: {  	vm1 =	vmand vm3, vm1  }
0xe8: {  	v9 =	vsel vm1, $0x3F800000, v1  }
0xe9: {  	(xrf0) =	vmax.scan.msk.f32 $0xffff, v9;
	_ =	sdelay $0x5  }
0xea: {  	v9, _, _ =	vpop (xrf0)  }
0xeb: {  	(v2sf) =	vpush v9, $0xF;
	_ =	sdelay $0x9  }
0xec: {  	s21 =	simm.s32 $0x7710  }
0xed: {  	s0 =	simm.s32 $0x10;
	v10 =	vld [tilespmem:s21+$0x0]  }
0xee: {  	v9 =	vld [tilespmem:s0+$0x0]  }
0xef: {  	s22 =	simm.s32 $0xEE10  }
0xf0: {  	v12 =	vld [tilespmem:s22+$0x0]  }
0xf1: {  	s31 =	spop (v2sf)  }
0xf2: {  	v10 =	vsub.f32 v10, v3;
	p0 =	sgt.f32 s31, $0.0e+00  }
0xf3: {  	v9 =	vsub.f32 v9, v2  }
0xf4: {  	s23 =	simm.s32 $0x16510;
	v10 =	vmul.f32 v10, v10;
	v8 =	vnsel @p0 vm1, $0x7F800000, v8  }
0xf5: {  	v9 =	vmul.f32 v9, v9;
	(xrf1) =	vsort.ascd.msk.f32 @p0 $0xffff, v8, v11;
	v11 =	vsub.f32 v12, v4;
	v8 =	vld [tilespmem:s23+$0x0];
	_ =	sdelay $0x1  }
0xf6: {  	v9 =	vadd.f32 v10, v9;
	v11 =	vmul.f32 v11, v11;
	_ =	sdelay $0x1  }
0xf7: {  	v9 =	vadd.f32 v11, v9  }
0xf8: {  	v10 =	vshra.s32 v8, $0x14  }
0xf9: {  	v11 =	vand.u32 $0xFFFF0, v8;
	vm1 =	vle.f32 v9, $1.000000000e+00;
	vm2 =	veq.s32 v10, v7  }
0xfa: {  	p1 =	por $0x1, $0x1;
	vm3 =	vmmov vm0;
	vm1 =	vmand vm2, vm1;
	vm2 =	vlt.u32 v11, $0x7530  }
0xfb: {  	vm3 =	vmneg @p1 vm3;
	vm1 =	vmand vm2, vm1  }
0xfc: {  	vm1 =	vmand vm3, vm1  }
0xfd: {  	v10 =	vsel vm1, $0x3F800000, v1  }
0xfe: {  	(xrf0) =	vmax.scan.msk.f32 $0xffff, v10;
	_ =	sdelay $0x1  }
0xff: {  	v11 =	vlaneseq.u32 @p0  }
0x100: {  	v10 =	vmul.u32 @p0 $0xFFFFFFFF, v11;
	_ =	sdelay $0x1  }
0x101: {  	v12 =	vadd.s32 @p0 $0xF, v10;
	v11, v13, _ =	vpop @p0 (xrf1)  }
0x102: {  	v10 =	vperm.xlane @p0 v11, v12;
	v11 =	vperm.xlane @p0 v13, v12;
	v13, _, _ =	vpop (xrf0)  }
0x103: {  	(v2sf) =	vpush v13, $0xF  }
0x104: {  	v6 =	vimm.f32 $+Inf  }
0x105: {  	v5 =	vimm.s32 $0xFFFFFFFF;
	p1 =	por p0, p0;
	vm2 =	vle.f32 @p0 v6, v10  }
0x106: {  	v10 =	vsel @p1 vm2, v6, v10;
	v11 =	vsel @p1 vm2, v5, v11  }
0x107: {  	(xrf1) =	vsort.ascd.msk.f32 @p1 $0xffff, v10, v11;
	_ =	sdelay $0x4  }
0x108: {  	s25 =	simm.s32 $0x20;
	s24 =	simm.s32 $0x20;
	v10 =	vimm.f32 $+Inf;
	v11 =	vimm.s32 $0xFFFFFFFF  }
.LBB2_13:
0x109: {  	p3 =	por p0, p0  }
0x10a: {  	s21 =	sadd.s32 $0x10, s21;
	s0 =	smov.u32 s25;
	v13 =	vld [tilespmem:s24+$0x0]  }
0x10b: {  	s22 =	sadd.s32 $0x10, s22;
	v14 =	vld [tilespmem:s21+$0x0]  }
0x10c: {  	v15 =	vld [tilespmem:s22+$0x0];
	_ =	sdelay $0x1  }
0x10d: {  	s25 =	sadd.s32 $0x10, s25;
	s1 =	spop (v2sf)  }
0x10e: {  	p2 =	sne.s32 s25, $0x7680;
	v13 =	vsub.f32 v13, v2  }
0x10f: {  	v14 =	vsub.f32 v14, v3  }
0x110: {  	s23 =	sadd.s32 $0x10, s23;
	v15 =	vsub.f32 v15, v4;
	v13 =	vmul.f32 v13, v13;
	v16, v17, _ =	vpop @p0 (xrf1);
	p0 =	sgt.f32 s1, $0.0e+00  }
0x111: {  	v18 =	vld [tilespmem:s23+$0x0];
	v14 =	vmul.f32 v14, v14;
	v16 =	vperm.xlane @p1 v16, v12  }
0x112: {  	v12 =	vperm.xlane @p1 v17, v12;
	v15 =	vmul.f32 v15, v15  }
0x113: {  	v9 =	vnsel @p0 vm1, $0x7F800000, v9;
	v13 =	vadd.f32 v14, v13;
	vm1 =	vle.f32 @p1 v6, v16  }
0x114: {  	(xrf1) =	vsort.ascd.msk.f32 @p0 $0xffff, v9, v8;
	v17 =	vsel @p1 vm1, v5, v12  }
0x115: {  	v14 =	vsel @p1 vm1, v16, v6;
	v12 =	vsel @p1 vm1, v12, v5;
	v9 =	vadd.f32 v15, v13  }
0x116: {  	v13 =	vsel @p1 vm1, v6, v16;
	(xrf1) =	vsort.ascd.msk.f32 @p1 $0xffff, v14, v12;
	v12 =	vshra.s32 v18, $0x14;
	v8 =	vmov v18  }
0x117: {  	(xrf1) =	vsort.ascd.msk.f32 @p1 $0xffff, v13, v17;
	v13 =	vand.u32 $0xFFFF0, v8;
	vm1 =	vle.f32 v9, $1.000000000e+00;
	vm2 =	veq.s32 v12, v7  }
0x118: {  	vm1 =	vmand vm2, vm1;
	vm2 =	vlt.u32 v13, $0x7530  }
0x119: {  	p4 =	slt.u32 s0, $0x7600;
	vm1 =	vmand vm2, vm1;
	vm2 =	vmmov vm0  }
0x11a: {  	vm2 =	vmneg @p4 vm2  }
0x11b: {  	vm1 =	vmand vm2, vm1  }
0x11c: {  	v12 =	vsel vm1, $0x3F800000, v1  }
0x11d: {  	(xrf0) =	vmax.scan.msk.f32 $0xffff, v12;
	_ =	sdelay $0x2  }
0x11e: {  	v12 =	vlaneseq.u32 @p0  }
0x11f: {  	v12 =	vmul.u32 @p0 $0xFFFFFFFF, v12  }
0x120: {  	v13, v14, _ =	vpop @p0 (xrf1)  }
0x121: {  	v12 =	vadd.s32 @p0 $0xF, v12;
	v15, _, _ =	vpop (xrf0)  }
0x122: {  	v13 =	vperm.xlane @p0 v13, v12;
	(v2sf) =	vpush v15, $0xF;
	v15, v16, _ =	vpop @p3 (xrf1)  }
0x123: {  	v14 =	vperm.xlane @p0 v14, v12;
	v10 =	vpsel p1, v15, v10;
	v11 =	vpsel p1, v16, v11;
	v15, v16, _ =	vpop @p3 (xrf1)  }
0x124: {  	vm2 =	vle.f32 @p0 v10, v13;
	v6 =	vpsel p1, v15, v6;
	v5 =	vpsel p1, v16, v5;
	p1 =	por p0, p0  }
0x125: {  	v13 =	vsel @p1 vm2, v10, v13;
	v14 =	vsel @p1 vm2, v11, v14  }
0x126: {  	(xrf1) =	vsort.ascd.msk.f32 @p1 $0xffff, v13, v14;
	_ =	sdelay $0x1  }
.Ltmp15:
0x127: {  	(pc) =	sbr.rel @p2 .LBB2_13-.Ltmp15, $2  }
0x128: {  	_ =	sdelay $0x2  }
0x129: {  	s24 =	sadd.s32 $0x10, s24  }
0x12a: {  	_ =	sdelay $0x6  }
0x12b: {  	s0 =	spop (v2sf);
	v2, v3, _ =	vpop @p0 (xrf1)  }
0x12c: {  	p2 =	sgt.f32 s0, $0.0e+00;
	v2 =	vperm.xlane @p1 v2, v12  }
0x12d: {  	v3 =	vperm.xlane @p1 v3, v12  }
0x12e: {  	v4 =	vnsel @p2 vm1, $0x7F800000, v9;
	vm1 =	vle.f32 @p1 v6, v2  }
0x12f: {  	(xrf1) =	vsort.ascd.msk.f32 @p2 $0xffff, v4, v8;
	v4 =	vsel @p1 vm1, v2, v6;
	v7 =	vsel @p1 vm1, v3, v5  }
0x130: {  	(xrf1) =	vsort.ascd.msk.f32 @p1 $0xffff, v4, v7;
	_ =	sdelay $0x9  }
0x131: {  	v4 =	vlaneseq.u32 @p2  }
0x132: {  	v4 =	vmul.u32 @p2 $0xFFFFFFFF, v4;
	_ =	sdelay $0x1  }
0x133: {  	v4 =	vadd.s32 @p2 $0xF, v4;
	v7, v8, _ =	vpop @p2 (xrf1)  }
0x134: {  	v7 =	vperm.xlane @p2 v7, v4;
	v9, v12, _ =	vpop @p0 (xrf1)  }
0x135: {  	v3 =	vsel @p1 vm1, v5, v3;
	v8 =	vperm.xlane @p2 v8, v4;
	v9 =	vpsel p1, v9, v10  }
0x136: {  	p3 =	por p2, p2;
	v2 =	vsel @p1 vm1, v6, v2;
	v10 =	vpsel p1, v12, v11;
	vm1 =	vle.f32 @p2 v9, v7  }
0x137: {  	(xrf1) =	vsort.ascd.msk.f32 @p1 $0xffff, v2, v3;
	v2 =	vsel @p3 vm1, v9, v7;
	v3 =	vsel @p3 vm1, v10, v8  }
0x138: {  	(xrf1) =	vsort.ascd.msk.f32 @p3 $0xffff, v2, v3;
	_ =	sdelay $0xc  }
0x139: {  	v2, v3, _ =	vpop @p0 (xrf1)  }
0x13a: {  	v7, v8, _ =	vpop @p2 (xrf1)  }
0x13b: {  	v7 =	vperm.xlane @p3 v7, v4  }
0x13c: {  	v2 =	vpsel p1, v2, v6;
	v4 =	vperm.xlane @p3 v8, v4  }
0x13d: {  	v3 =	vpsel p1, v3, v5;
	vm1 =	vle.f32 @p3 v2, v7  }
0x13e: {  	v5 =	vsel @p3 vm1, v7, v2;
	v6 =	vsel @p3 vm1, v4, v3  }
0x13f: {  	v4 =	vsel @p3 vm1, v3, v4;
	v7 =	vsel @p3 vm1, v2, v7;
	(xrf1) =	vsort.ascd.msk.f32 @p3 $0xffff, v5, v6  }
0x140: {  	(xrf1) =	vsort.ascd.msk.f32 @p3 $0xffff, v7, v4;
	_ =	sdelay $0xa  }
.Ltmp16:
0x141: {  	_ = 	snop;
	(pc) =	sbr.rel .LBB2_18-.Ltmp16, $4  }
0x142: {  	_ = 	snop  }
0x143: {  	v4, v5, _ =	vpop @p2 (xrf1)  }
0x144: {  	v4 =	vpsel p3, v4, v9;
	v6, v7, _ =	vpop @p2 (xrf1)  }
0x145: {  	v5 =	vpsel p3, v5, v10;
	v2 =	vpsel p3, v6, v2;
	v3 =	vpsel p3, v7, v3  }
.LBB2_20:
0x146: {  	_ =	sfence.sel $0x180000  }
0x147: {  	[bflag:$0x0] =	sbarrier.arrive $0xFFFF  }
0x148: {  	_ =	strace $0x9000004D  }
0x149: {  	s0 =	stileid.u32;
	[bflag:$0x2] =	sbarrier.arrive $0xFFFF  }
0x14a: {  	p0 =	sne.s32 s0, $0x0;
	s0 =	rddreg [dreg:$0x2]  }
0x14b: {  	s0 =	sadd.s32 @!p0 $0x100000, s0  }
0x14c: {  	[sflag:s0] =	ssyncadd.tile.s32 @!p0 $0x1;
	_ =	shalt  }
.Lfunc_end2:
_tile_overlayer_lowered:
.L_overlay_start_2:
0x14d: {  	(tag) =	ssettag $0x2  }
0x14e: {  	s0 =	rddreg [dreg:$0x0];
	s2 =	stileid.u32  }
0x14f: {  	s1 =	rddreg [dreg:$0x1];
	p0 =	sne.s32 s2, $0x0  }
0x150: {  	s3 =	rddreg [dreg:$0x2];
	[bflag:$0x3] =	sbarrier.arrive $0xFFFF;
	s2 =	simm.s32 @!p0 $0x1C01  }
0x151: {  	[timem:s3], [sflag:s2] =	dma.local @!p0 [hbm:s0], s1  }
0x152: {  	s0 =	simm.s32 @!p0 $0x1  }
0x153: {  	_ =	swait.ge @!p0 [sflag:s0], s1  }
0x154: {  	s1 =	ssub.s32 @!p0 $0x0, s1;
	[sflag:s0] =	ssyncset.done @!p0 $0x0  }
0x155: {  	[sflag:s0] =	ssyncadd.s32 @!p0 s1  }
0x156: {  	[bflag:$0x3] =	sbarrier.arrive $0xFFFF  }
0x157: {  	_ =	shalt  }

// kernel: kernel.5.cloned.1.call-start
scs
__scs_entry_jumppad:
0x0: {  	(pc) =	sbr.rel $0x88, $3  }
0x1: {  	(tag) =	ssettag $0x0;
	lr =	simm.s32 $0x1  }
0x2: {  	[smem:$0x3F9F] =	sst lr;
	_ =	strace $0xD0000000  }
0x3: {  	_ = 	snop  }
0x4: {  	_ = 	snop  }
0x5: {  	_ = 	snop  }
0x6: {  	_ = 	snop  }
0x7: {  	_ = 	snop  }
__scs_overlays_trampoline_lowered:
0x8: {  	[smem:$0x3FAE] =	sst s0  }
0x9: {  	[smem:$0x3FAF] =	sst s1  }
0xa: {  	[smem:$0x3FB0] =	sst s2  }
0xb: {  	[smem:$0x3FB1] =	sst s3  }
0xc: {  	[smem:$0x3FB2] =	sst s4  }
0xd: {  	[smem:$0x3FB3] =	sst s5  }
0xe: {  	[smem:$0x3FB4] =	sst s6  }
0xf: {  	[smem:$0x3FB5] =	sst s7  }
0x10: {  	[smem:$0x3FB6] =	sst s8  }
0x11: {  	[smem:$0x3FB7] =	sst s9;
	s0 =	simm.s32 @!p0 $0x0  }
0x12: {  	s1 =	sld [smem:$0x3F9D];
	s0 =	simm.s32 @p0 $0x1  }
0x13: {  	[smem:$0x3FB8] =	sst s0;
	s0 =	simm.s32 @!p1 $0x0  }
0x14: {  	s2 =	sld [smem:$0x3F9C];
	s0 =	simm.s32 @p1 $0x1  }
0x15: {  	[smem:$0x3FB9] =	sst s0;
	s0 =	simm.s32 @!p2 $0x0  }
0x16: {  	s3 =	sld [smem:$0x3FDB];
	s0 =	simm.s32 @p2 $0x1  }
0x17: {  	s4 =	simm.s32 $0x1BF5;
	[smem:$0x3FBB] =	sst s0  }
0x18: {  	s0 =	sld [smem:$0x3F9E];
	_ =	swait.ge [sflag:s4], $0x0  }
0x19: {  	s7 =	sld [smem:$0x3F9F]  }
0x1a: {  	s8 =	sadd.s32 $0xFFFFE003, lr  }
0x1b: {  	s9 =	sadd.s32 $0xFFFFFEF7, lr;
	s5 =	simm.s32 $0xFFFFFFFF;
	p2 =	slt.u32 s8, $0xFFFFF086  }
0x1c: {  	p1 =	slt.u32 s9, $0xF7A;
	s5 =	simm.s32 @!p2 $0x0  }
0x1d: {  	s5 =	simm.s32 @p1 $0x1;
	p0 =	seq.s32 s7, s2  }
0x1e: {  	s7 =	smul.u32 @!p0 $0xF7A, s2;
	p2 =	seq.s32 @!p0 s5, $0x0  }
0x1f: {  	s9 =	smul.u32 $0xF7A, s1;
	s8 =	simm.s32 @!p0 $0x1BF5;
	p2 =	por !p2, p0  }
0x20: {  	[sflag:s8] =	ssyncset.s32 @!p0 $0xFFFFF086;
	s6 =	sadd.s32 @!p0 s3, s7;
	s7 =	simm.s32 @!p0 $0x108  }
0x21: {  	s3 =	sadd.s32 s3, s9;
	s6 =	sadd.s32 @!p0 $0x88, s6;
	s7 =	simm.s32 @p2 $0x1082  }
0x22: {  	[simem:s7], [sflag:s8] =	dma.local @!p0 [hbm:s6], $0xF7A  }
0x23: {  	s9 =	sor.u32 $0xD0000000, s2;
	s6 =	simm.s32 $0x108;
	_ =	swait.ge @!p0 [sflag:s8], $0x0  }
0x24: {  	s3 =	sadd.s32 $0x88, s3;
	s6 =	simm.s32 @!p1 $0x1082;
	[sflag:s4] =	ssyncset.s32 $0xFFFFF086  }
0x25: {  	[simem:s6], [sflag:s4] =	dma.local [hbm:s3], $0xF7A  }
0x26: {  	[smem:$0x3F9F] =	sst s1;
	(tag) =	ssettag s2;
	_ =	strace s9  }
0x27: {  	s1 =	sld [smem:$0x3FAF]  }
0x28: {  	s2 =	sld [smem:$0x3FB0]  }
0x29: {  	s4 =	sld [smem:$0x3FB2]  }
0x2a: {  	p0 =	seq.s32 s5, $0x0;
	s5 =	sld [smem:$0x3FB3]  }
0x2b: {  	s6 =	sld [smem:$0x3FB4]  }
0x2c: {  	s7 =	sld [smem:$0x3FB5]  }
0x2d: {  	s3 =	simm.s32 $0x108;
	s8 =	sld [smem:$0x3FB6]  }
0x2e: {  	s3 =	simm.s32 @!p0 $0x1082;
	s9 =	sld [smem:$0x3FB7]  }
0x2f: {  	lr =	sadd.s32 s0, s3;
	s0 =	sld [smem:$0x3FAE]  }
0x30: {  	s3 =	sld [smem:$0x3FB1]  }
0x31: {  	[smem:$0x3FBA] =	sst s10  }
0x32: {  	s10 =	sld [smem:$0x3FB8];
	_ =	sdelay $0x3  }
0x33: {  	p0 =	seq.s32 s10, $0x1;
	s10 =	sld [smem:$0x3FBA];
	_ =	sdelay $0x3  }
0x34: {  	[smem:$0x3FBA] =	sst s10  }
0x35: {  	s10 =	sld [smem:$0x3FB9];
	_ =	sdelay $0x3  }
0x36: {  	p1 =	seq.s32 s10, $0x1;
	s10 =	sld [smem:$0x3FBA];
	_ =	sdelay $0x3  }
0x37: {  	[smem:$0x3FBA] =	sst s10  }
0x38: {  	s10 =	sld [smem:$0x3FBB]  }
0x39: {  	_ = 	snop;
	(pc) =	sbr.ind lr, $3  }
0x3a: {  	_ = 	snop  }
0x3b: {  	_ = 	snop  }
0x3c: {  	p2 =	seq.s32 s10, $0x1;
	s10 =	sld [smem:$0x3FBA]  }
0x3d: {  	_ =	shalt  }
0x3e: {  	_ =	shalt  }
0x3f: {  	_ =	shalt  }
0x40: {  	_ =	shalt  }
0x41: {  	_ =	shalt  }
0x42: {  	_ =	shalt  }
0x43: {  	_ =	shalt  }
0x44: {  	_ =	shalt  }
0x45: {  	_ =	shalt  }
0x46: {  	_ =	shalt  }
0x47: {  	_ =	shalt  }
0x48: {  	_ =	shalt  }
0x49: {  	_ =	shalt  }
0x4a: {  	_ =	shalt  }
0x4b: {  	_ =	shalt  }
0x4c: {  	_ =	shalt  }
0x4d: {  	_ =	shalt  }
0x4e: {  	_ =	shalt  }
0x4f: {  	_ =	shalt  }
0x50: {  	_ =	shalt  }
0x51: {  	_ =	shalt  }
0x52: {  	_ =	shalt  }
0x53: {  	_ =	shalt  }
0x54: {  	_ =	shalt  }
0x55: {  	_ =	shalt  }
0x56: {  	_ =	shalt  }
0x57: {  	_ =	shalt  }
0x58: {  	_ =	shalt  }
0x59: {  	_ =	shalt  }
0x5a: {  	_ =	shalt  }
0x5b: {  	_ =	shalt  }
0x5c: {  	_ =	shalt  }
0x5d: {  	_ =	shalt  }
0x5e: {  	_ =	shalt  }
0x5f: {  	_ =	shalt  }
0x60: {  	_ =	shalt  }
0x61: {  	_ =	shalt  }
0x62: {  	_ =	shalt  }
0x63: {  	_ =	shalt  }
0x64: {  	_ =	shalt  }
0x65: {  	_ =	shalt  }
0x66: {  	_ =	shalt  }
0x67: {  	_ =	shalt  }
0x68: {  	_ =	shalt  }
0x69: {  	_ =	shalt  }
0x6a: {  	_ =	shalt  }
0x6b: {  	_ =	shalt  }
0x6c: {  	_ =	shalt  }
0x6d: {  	_ =	shalt  }
0x6e: {  	_ =	shalt  }
0x6f: {  	_ =	shalt  }
0x70: {  	_ =	shalt  }
0x71: {  	_ =	shalt  }
0x72: {  	_ =	shalt  }
0x73: {  	_ =	shalt  }
0x74: {  	_ =	shalt  }
0x75: {  	_ =	shalt  }
0x76: {  	_ =	shalt  }
0x77: {  	_ =	shalt  }
0x78: {  	_ =	shalt  }
0x79: {  	_ =	shalt  }
0x7a: {  	_ =	shalt  }
0x7b: {  	_ =	shalt  }
0x7c: {  	_ =	shalt  }
0x7d: {  	_ =	shalt  }
0x7e: {  	_ =	shalt  }
0x7f: {  	_ =	shalt  }
0x80: {  	_ =	shalt  }
0x81: {  	_ =	shalt  }
0x82: {  	_ =	shalt  }
0x83: {  	_ =	shalt  }
0x84: {  	_ =	shalt  }
0x85: {  	_ =	shalt  }
0x86: {  	_ =	shalt  }
0x87: {  	_ =	shalt  }
.Lfunc_end0:
.L_simem_size_0:
called_computation_lowered:
.L_overlay_start_0:
0x88: {  	s2 =	sld [smem:$0x3FD9]  }
0x89: {  	s3 =	sld [smem:$0x3FFE];
	_ =	sdelay $0x1  }
0x8a: {  	s1 =	srdreg.scid  }
0x8b: {  	s0 =	sand.u32 $0x1, s1  }
0x8c: {  	s17 =	sshll.u32 s0, $0xA;
	s2 =	sadd.s32 s3, s2  }
0x8d: {  	s2 =	sadd.s32 s2, s17  }
0x8e: {  	[smem:$0x3FC6] =	sst s2  }
0x8f: {  	_ = 	snop  }
0x90: {  	s2 =	sld [smem:$0x3FD0];
	(tm) =	ssettm $0x1  }
0x91: {  	s18 =	sld [smem:$0x3FFB];
	_ =	sdelay $0x3  }
0x92: {  	_ =	strace s18  }
0x93: {  	s3 =	sld [smem:$0x3FFC];
	_ =	sdelay $0x3  }
0x94: {  	_ =	strace s3  }
0x95: {  	s3 =	sld [smem:$0x3FFD];
	_ =	sdelay $0x3  }
0x96: {  	_ =	strace s3  }
0x97: {  	_ =	strace $0x8FFFFFFF  }
0x98: {  	s19 =	sld [smem:$0x3FDB];
	_ =	sdelay $0x1  }
0x99: {  	s4 =	simm.s32 $_scs_section_size  }
0x9a: {  	s5 =	simm.s32 $_size__tile_overlayer_lowered;
	s6 =	simm.s32 $_tile_overlayer_lowered  }
0x9b: {  	s22 =	simm.s32 $0x1BFF;
	s21 =	sshll.u32 s6, $0x1;
	s3 =	sadd.s32 s4, s19  }
0x9c: {  	s7 =	simm.s32 $0x0;
	s20 =	sshll.u32 s5, $0x1;
	s5 =	sadd.s32 s21, s3  }
0x9d: {  	[timem:s7], [sflag:s22] =	dma.local [hbm:s5], s20  }
0x9e: {  	_ =	swait.ge [sflag:s22], s20  }
0x9f: {  	s4 =	ssub.s32 $0x0, s20;
	[sflag:s22] =	ssyncset.done $0x0  }
0xa0: {  	[sflag:s22] =	ssyncadd.s32 s4;
	_ =	sdelay $0x1  }
0xa1: {  	s23 =	simm.s32 $0x1B8B  }
0xa2: {  	_ =	swait.ge [sflag:s23], $0x1  }
0xa3: {  	[sflag:s23] =	ssyncset.done $0x0  }
0xa4: {  	s25 =	simm.s32 $0x1B8E;
	s24 =	sld [smem:$0x3FFE];
	[sflag:s23] =	ssyncadd.s32 $0xFFFFFFFF  }
0xa5: {  	s26 =	simm.s32 $execute0_lowered;
	[smem:$0x3FD2] =	sst s25  }
0xa6: {  	s5 =	sshll.u32 s26, $0x1;
	_ =	strace $0x80000046;
	[dreg:$0x1] =	wrdreg $0xFFFFFFFF  }
0xa7: {  	s28 =	simm.s32 $_size_execute0_lowered;
	s3 =	sadd.s32 s3, s5;
	[dreg:$0x0] =	wrdreg $0x0  }
0xa8: {  	s5 =	sshll.u32 s28, $0x1;
	[dreg:$0x2] =	wrdreg s3  }
0xa9: {  	[dreg:$0x3] =	wrdreg s5  }
0xaa: {  	[dreg:$0x4] =	wrdreg $0xC0  }
0xab: {  	_ =	task [dreg:s7], $0x5FFFF  }
0xac: {  	[dreg:$0x1] =	wrdreg $0xFFFFFFFF  }
0xad: {  	[dreg:$0x0] =	wrdreg $0x60  }
0xae: {  	[dreg:$0x2] =	wrdreg s24  }
0xaf: {  	[dreg:$0x3] =	wrdreg s2  }
0xb0: {  	[dreg:$0x4] =	wrdreg $0x9  }
0xb1: {  	_ =	task.clear_ibuf [dreg:s7], $0x5FFFF;
	_ =	strace $0x90000046  }
0xb2: {  	s29 =	simm.s32 $0x9;
	_ =	strace $0x80000048  }
0xb3: {  	_ =	swait.ge [sflag:s29], $0x1  }
0xb4: {  	[sflag:s29] =	ssyncadd.s32 $0xFFFFFFFF  }
0xb5: {  	_ =	strace $0x90000048  }
0xb6: {  	_ =	sfence  }
0xb7: {  	s30 =	sld [smem:$0x0];
	_ =	sdelay $0x2  }
0xb8: {  	s31 =	sshll.u32 s1, $0xD;
	s1 =	sshrl.u32 s1, $0x2  }
0xb9: {  	s3 =	sand.u32 $0x4000, s31;
	s1 =	sadd.s32 s1, s30  }
0xba: {  	s0 =	sor.u32 s3, s0;
	s1 =	sshll.u32 s1, $0x11  }
0xbb: {  	s0 =	sor.u32 s1, s0  }
0xbc: {  	s0 =	sadd.s32 $0x8F2B, s0  }
0xbd: {  	[sflag:s0] =	ssyncadd.remote.s32 $0x1  }
0xbe: {  	_ =	sfence.sel $0xFFFF  }
0xbf: {  	[dreg:$0x0] =	wrdreg $0xFFFFFFFF;
	(pc) =	sbr.abs _section_cstart, $3  }
0xc0: {  	[dreg:$0x1] =	wrdreg $0xFFFFFFFF  }
0xc1: {  	_ =	task.clear_ibuf [dreg:s7], $0x2FFFF;
	_ =	strace $0x9FFFFFFF  }
0xc2: {  	(tm) =	ssettm $0x7FFFFFFF  }
0xc3: {  	_ =	shalt  }
tec
execute0_lowered:
.L_overlay_start_1:
0x0: {  	(tag) =	ssettag $0x1  }
0x1: {  	s3 =	rddreg [dreg:$0x0];
	s1 =	srdreg.scid  }
0x2: {  	s0 =	stileid.u32;
	s5 =	rddreg [dreg:$0x1]  }
0x3: {  	s4 =	sand.u32 $0x1, s1;
	s6 =	sshll.u32 s0, $0x1;
	s11 =	smul.u32 $0x760, s0  }
0x4: {  	s2 =	simm.s32 $0x0;
	s6 =	sor.u32 s4, s6;
	s31 =	smul.u32 $0x3B0, s4  }
0x5: {  	s1 =	rddreg [dreg:$0x2];
	s9 =	ssub.s32 $0x2, s4;
	s7 =	smul.u32 $0x1D8, s6  }
0x6: {  	[smem:$0x7FF] =	sst s2;
	s8 =	smul.u32 $0x3B0, s6;
	s10 =	sshrl.u32 s9, $0x1  }
0x7: {  	_ =	strace $0x80000047;
	s6 =	smul.u32 $0x1F6, s6;
	s9 =	ssub.s32 s9, s10  }
0x8: {  	s10 =	simm.s32 $0xF00;
	s7 =	sadd.s32 s7, s3;
	s8 =	sshrl.u32 s8, $0x3  }
0x9: {  	s5 =	sadd.s32 s5, s6;
	s6 =	smax.u32 s9, $0x1;
	s9 =	simm.s32 $0x1F00  }
0xa: {  	v0 =	vimm.s32 $0x0;
	v1 =	vlaneseq.u32;
	vm0 =	vcmask $0x300;
	s8 =	sadd.s32 s8, s3;
	s3 =	sadd.s32 $0x1A00, s7;
	s7 =	sadd.s32 s31, s11  }
0xb: {  	v1 =	vmul.u32 $0x4, v1;
	v2 =	vsel vm0, $0x1, v0;
	s11 =	simm.s32 $0x0;
	s4 =	sadd.s32 $0x5600, s8;
	s8 =	simm.s32 $0x1  }
.LBB2_1:
0xc: {  	[tilespmem:s2], [sflag:$0x1] =	stream.linear.gather [hbm4b:s3+s2], $0xEC0, $0x38;
	[tilespmem:$0x2300] =	vst v63  }
0xd: {  	_ =	swait.ge [sflag:s8], $0xEC0  }
0xe: {  	[sflag:s8] =	ssyncset.done $0x0  }
0xf: {  	s12 =	simm.s32 $0x0;
	[sflag:s8] =	ssyncadd.s32 $0xFFFFF140  }
.LBB2_2:
0x10: {  	p0 =	sne.s32 s12, $0x3E80  }
.Ltmp0:
0x11: {  	_ = 	snop;
	(pc) =	sbr.rel @p0 .LBB2_2-.Ltmp0, $3  }
0x12: {  	_ =	sdelay $0x1  }
0x13: {  	s13 =	sshra.s32 s12, $0x2  }
0x14: {  	s12 =	sadd.s32 $0x40, s12;
	[tilespmem:s13+$0xF00] =	vst v0  }
0x15: {  	s12 =	simm.s32 $0x0  }
0x16: {  	v3 =	vmov s12  }
0x17: {  	v3 =	vshll.u32 v3, $0x2  }
0x18: {  	v3 =	vor.u32 v1, v3  }
0x19: {  	v4 =	vor.u32 $0x1, v3;
	_ =	sdelay $0x2  }
0x1a: {  	v5 =	vor.u32 $0x2, v3;
	_ =	sdelay $0x1  }
0x1b: {  	v4 =	vld.idx.msk [tilespmem:v4+s12+$0x0], $0xffff  }
0x1c: {  	v6 =	vld.idx.msk [tilespmem:v3+s12+$0x0], $0xffff;
	v3 =	vor.u32 $0x3, v3;
	_ =	sdelay $0x1  }
0x1d: {  	v5 =	vld.idx.msk [tilespmem:v5+s12+$0x0], $0xffff;
	_ =	sdelay $0x1  }
0x1e: {  	v4 =	vtrunc.f32 v4  }
0x1f: {  	v3 =	vld.idx.msk [tilespmem:v3+s12+$0x0], $0xffff;
	v6 =	vtrunc.f32 v6;
	v4 =	vcvt.f32.s32 v4  }
0x20: {  	v6 =	vcvt.f32.s32 v6  }
0x21: {  	v5 =	vtrunc.f32 v5;
	vm0 =	vgt.s32 v4, $0x0  }
0x22: {  	s13 =	simm.s32 $0x10;
	v5 =	vcvt.f32.s32 v5;
	v6 =	vmul.u32 $0xA, v6;
	v4 =	vnsel vm0, $0x0, v4  }
0x23: {  	v7 =	vmov s13;
	v4 =	vmin.u32 v4, $0x9  }
0x24: {  	vm12 =	vgt.s32 v5, $0x0;
	v3 =	vtrunc.f32 v3;
	v4 =	vadd.s32 v6, v4  }
0x25: {  	v5 =	vnsel vm12, $0x0, v5;
	v3 =	vcvt.f32.s32 v3;
	v4 =	vmul.u32 $0xA, v4  }
0x26: {  	v5 =	vmin.u32 v5, $0x9;
	v6 =	vshll.u32 v7, $0x2  }
0x27: {  	v6 =	vor.u32 v1, v6;
	vm13 =	vgt.s32 v3, $0x0;
	v4 =	vadd.s32 v5, v4  }
0x28: {  	v3 =	vnsel vm13, $0x0, v3;
	v5 =	vor.u32 $0x1, v6;
	v4 =	vmul.u32 $0xA, v4  }
0x29: {  	s14 =	sadd.s32 $0x0, s7;
	v3 =	vmin.u32 v3, $0x9  }
0x2a: {  	p0 =	slt.u32 s14, $0x7530;
	v3 =	vadd.s32 v3, v4  }
0x2b: {  	s15 =	simm.s32 $0x1F00;
	v4 =	vor.u32 $0x2, v6;
	v3 =	vpsel !p0, $0xFA0, v3  }
0x2c: {  	[tilespmem:s15+$0x0] =	vst v3  }
0x2d: {  	v3 =	vld.idx.msk [tilespmem:v5+s12+$0x0], $0xffff  }
0x2e: {  	v5 =	vld.idx.msk [tilespmem:v6+s12+$0x0], $0xffff;
	v6 =	vor.u32 $0x3, v6;
	_ =	sdelay $0x1  }
0x2f: {  	v4 =	vld.idx.msk [tilespmem:v4+s12+$0x0], $0xffff;
	_ =	sdelay $0x1  }
0x30: {  	v3 =	vtrunc.f32 v3  }
0x31: {  	v6 =	vld.idx.msk [tilespmem:v6+s12+$0x0], $0xffff;
	v5 =	vtrunc.f32 v5;
	v3 =	vcvt.f32.s32 v3  }
0x32: {  	v5 =	vcvt.f32.s32 v5  }
0x33: {  	v4 =	vtrunc.f32 v4;
	vm14 =	vgt.s32 v3, $0x0  }
0x34: {  	s14 =	simm.s32 $0x20;
	v4 =	vcvt.f32.s32 v4;
	v5 =	vmul.u32 $0xA, v5;
	v7 =	vnsel vm14, $0x0, v3  }
0x35: {  	v3 =	vmov s14;
	v7 =	vmin.u32 v7, $0x9  }
0x36: {  	vm15 =	vgt.s32 v4, $0x0;
	v8 =	vtrunc.f32 v6;
	v5 =	vadd.s32 v5, v7  }
0x37: {  	s16 =	simm.s32 $0x30;
	v6 =	vnsel vm15, $0x0, v4;
	v4 =	vcvt.f32.s32 v8;
	v5 =	vmul.u32 $0xA, v5  }
.LBB2_4:
0x38: {  	p0 =	sne.s32 s16, $0x3A0;
	v3 =	vshll.u32 v3, $0x2;
	v6 =	vmin.u32 v6, $0x9  }
0x39: {  	v3 =	vor.u32 v1, v3;
	vm0 =	vgt.s32 v4, $0x0;
	v5 =	vadd.s32 v6, v5  }
0x3a: {  	v6 =	vor.u32 $0x1, v3;
	v4 =	vnsel vm0, $0x0, v4;
	v5 =	vmul.u32 $0xA, v5  }
0x3b: {  	s17 =	sadd.s32 s13, s7;
	s13 =	smov.u32 s14;
	s14 =	smov.u32 s16;
	v4 =	vmin.u32 v4, $0x9  }
0x3c: {  	p1 =	slt.u32 s17, $0x7530;
	v4 =	vadd.s32 v4, v5  }
0x3d: {  	s15 =	sadd.s32 $0x10, s15;
	v5 =	vor.u32 $0x2, v3;
	v4 =	vpsel !p1, $0xFA0, v4  }
0x3e: {  	[tilespmem:s15+$0x0] =	vst v4  }
0x3f: {  	v4 =	vld.idx.msk [tilespmem:v6+s12+$0x0], $0xffff  }
0x40: {  	v6 =	vld.idx.msk [tilespmem:v3+s12+$0x0], $0xffff;
	v3 =	vor.u32 $0x3, v3;
	_ =	sdelay $0x1  }
0x41: {  	v5 =	vld.idx.msk [tilespmem:v5+s12+$0x0], $0xffff;
	_ =	sdelay $0x2  }
0x42: {  	v7 =	vld.idx.msk [tilespmem:v3+s12+$0x0], $0xffff;
	v3 =	vtrunc.f32 v4  }
0x43: {  	v4 =	vtrunc.f32 v6;
	v3 =	vcvt.f32.s32 v3  }
0x44: {  	v4 =	vcvt.f32.s32 v4  }
.Ltmp1:
0x45: {  	v5 =	vtrunc.f32 v5;
	vm0 =	vgt.s32 v3, $0x0;
	(pc) =	sbr.rel @p0 .LBB2_4-.Ltmp1, $4  }
0x46: {  	v5 =	vcvt.f32.s32 v5;
	v4 =	vmul.u32 $0xA, v4;
	v6 =	vnsel vm0, $0x0, v3  }
0x47: {  	v3 =	vmov s16;
	v6 =	vmin.u32 v6, $0x9  }
0x48: {  	vm0 =	vgt.s32 v5, $0x0;
	v7 =	vtrunc.f32 v7;
	v8 =	vadd.s32 v4, v6  }
0x49: {  	s16 =	sadd.s32 $0x10, s16;
	v6 =	vnsel vm0, $0x0, v5;
	v4 =	vcvt.f32.s32 v7;
	v5 =	vmul.u32 $0xA, v8  }
0x4a: {  	v3 =	vshll.u32 v3, $0x2;
	v6 =	vmin.u32 v6, $0x9  }
0x4b: {  	v3 =	vor.u32 v1, v3;
	vm0 =	vgt.s32 v4, $0x0;
	v5 =	vadd.s32 v6, v5  }
0x4c: {  	v61 =	vor.u32 $0x1, v3;
	v4 =	vnsel vm0, $0x0, v4;
	v5 =	vmul.u32 $0xA, v5  }
0x4d: {  	s13 =	sadd.s32 s13, s7;
	v4 =	vmin.u32 v4, $0x9  }
0x4e: {  	p0 =	slt.u32 s13, $0x7530;
	v4 =	vadd.s32 v4, v5  }
0x4f: {  	s29 =	sadd.s32 $0x10, s15;
	v62 =	vor.u32 $0x2, v3;
	v4 =	vpsel !p0, $0xFA0, v4  }
0x50: {  	[tilespmem:s29+$0x0] =	vst v4  }
0x51: {  	v4 =	vld.idx.msk [tilespmem:v61+s12+$0x0], $0xffff  }
0x52: {  	v63 =	vld.idx.msk [tilespmem:v3+s12+$0x0], $0xffff;
	v3 =	vor.u32 $0x3, v3;
	_ =	sdelay $0x1  }
0x53: {  	v5 =	vld.idx.msk [tilespmem:v62+s12+$0x0], $0xffff;
	_ =	sdelay $0x1  }
0x54: {  	v4 =	vtrunc.f32 v4  }
0x55: {  	v3 =	vld.idx.msk [tilespmem:v3+s12+$0x0], $0xffff;
	v6 =	vtrunc.f32 v63;
	v4 =	vcvt.f32.s32 v4  }
0x56: {  	v6 =	vcvt.f32.s32 v6  }
0x57: {  	v5 =	vtrunc.f32 v5;
	vm13 =	vgt.s32 v4, $0x0  }
0x58: {  	v5 =	vcvt.f32.s32 v5;
	v6 =	vmul.u32 $0xA, v6;
	v4 =	vnsel vm13, $0x0, v4  }
0x59: {  	v4 =	vmin.u32 v4, $0x9  }
0x5a: {  	vm14 =	vgt.s32 v5, $0x0;
	v3 =	vtrunc.f32 v3;
	v4 =	vadd.s32 v6, v4  }
0x5b: {  	v5 =	vnsel vm14, $0x0, v5;
	v3 =	vcvt.f32.s32 v3;
	v4 =	vmul.u32 $0xA, v4  }
0x5c: {  	v5 =	vmin.u32 v5, $0x9  }
0x5d: {  	vm15 =	vgt.s32 v3, $0x0;
	v4 =	vadd.s32 v5, v4  }
0x5e: {  	v3 =	vnsel vm15, $0x0, v3;
	v4 =	vmul.u32 $0xA, v4  }
0x5f: {  	s30 =	sadd.s32 s14, s7;
	v3 =	vmin.u32 v3, $0x9  }
0x60: {  	p6 =	slt.u32 s30, $0x7530;
	v3 =	vadd.s32 v3, v4  }
0x61: {  	s31 =	sadd.s32 $0x10, s29;
	v3 =	vpsel !p6, $0xFA0, v3  }
0x62: {  	s13 =	simm.s32 $0x0;
	s12 =	simm.s32 $0x4;
	[tilespmem:s31+$0x0] =	vst v3  }
.LBB2_6:
0x63: {  	p0 =	sne.s32 s12, $0xEBC;
	v3 =	vld [tilespmem:s13+$0x1F00];
	_ =	sdelay $0x4  }
0x64: {  	(v2sf) =	vpush v3, $0x0;
	_ =	sdelay $0xe  }
0x65: {  	s14 =	spop (v2sf)  }
0x66: {  	v3 =	vld [tilespmem:s14+$0xF00];
	_ =	sdelay $0x1  }
.Ltmp2:
0x67: {  	(pc) =	sbr.rel @p0 .LBB2_6-.Ltmp2, $3  }
0x68: {  	_ =	sdelay $0x1  }
0x69: {  	v3 =	vadd.s32 v2, v3  }
0x6a: {  	s13 =	sshra.s32 s12, $0x2;
	s12 =	sadd.s32 $0x4, s12;
	[tilespmem:s14+$0xF00] =	vst v3  }
0x6b: {  	v3 =	vld [tilespmem:s13+$0x1F00];
	_ =	sdelay $0x4  }
0x6c: {  	(v2sf) =	vpush v3, $0x0;
	_ =	sdelay $0xe  }
0x6d: {  	s12 =	spop (v2sf)  }
0x6e: {  	v3 =	vld [tilespmem:s12+$0xF00];
	_ =	sdelay $0x4  }
0x6f: {  	v3 =	vadd.s32 v2, v3  }
0x70: {  	[tilespmem:s12+$0xF00] =	vst v3  }
0x71: {  	[hbm4b:s4+s2] =	stream.linear.scatter [tilespmem:s9], [sflag:$0x1], $0x3B0, $0x38;
	[tilespmem:$0x2300] =	vst v63  }
0x72: {  	s11 =	sadd.s32 $0x1, s11;
	_ =	swait.ge [sflag:s8], $0x3B0  }
0x73: {  	p0 =	sne.s32 s11, s6;
	[sflag:s8] =	ssyncset.done $0x0  }
.Ltmp3:
0x74: {  	[sflag:s8] =	ssyncadd.s32 $0xFFFFFC50;
	(pc) =	sbr.rel @p0 .LBB2_1-.Ltmp3, $4  }
0x75: {  	[hbm4b:s5+s2] =	stream.linear.scatter [tilespmem:s10], [sflag:$0x1], $0xFB0, $0x38;
	[tilespmem:$0x2300] =	vst v63  }
0x76: {  	_ =	swait.ge [sflag:s8], $0xFB0  }
0x77: {  	[sflag:s8] =	ssyncset.done $0x0  }
0x78: {  	[sflag:s8] =	ssyncadd.s32 $0xFFFFF050  }
0x79: {  	_ =	sfence.sel $0x180000  }
0x7a: {  	[bflag:$0x0] =	sbarrier.arrive $0xFFFF  }
0x7b: {  	p0 =	sne.s32 s0, $0x0;
	_ =	strace $0x90000047  }
0x7c: {  	s0 =	sadd.s32 @!p0 $0x100000, s1;
	[bflag:$0x2] =	sbarrier.arrive $0xFFFF  }
0x7d: {  	[sflag:s0] =	ssyncadd.tile.s32 @!p0 $0x1;
	_ =	shalt  }
.Lfunc_end2:
_tile_overlayer_lowered:
.L_overlay_start_2:
0x7e: {  	(tag) =	ssettag $0x2  }
0x7f: {  	s0 =	rddreg [dreg:$0x0];
	s2 =	stileid.u32  }
0x80: {  	s1 =	rddreg [dreg:$0x1];
	p0 =	sne.s32 s2, $0x0  }
0x81: {  	s3 =	rddreg [dreg:$0x2];
	[bflag:$0x3] =	sbarrier.arrive $0xFFFF;
	s2 =	simm.s32 @!p0 $0x1C01  }
0x82: {  	[timem:s3], [sflag:s2] =	dma.local @!p0 [hbm:s0], s1  }
0x83: {  	s0 =	simm.s32 @!p0 $0x1  }
0x84: {  	_ =	swait.ge @!p0 [sflag:s0], s1  }
0x85: {  	s1 =	ssub.s32 @!p0 $0x0, s1;
	[sflag:s0] =	ssyncset.done @!p0 $0x0  }
0x86: {  	[sflag:s0] =	ssyncadd.s32 @!p0 s1  }
0x87: {  	[bflag:$0x3] =	sbarrier.arrive $0xFFFF  }
0x88: {  	_ =	shalt  }

// kernel: kernel.8.cloned.1.call-start
scs
__scs_entry_jumppad:
0x0: {  	(pc) =	sbr.rel $0x88, $3  }
0x1: {  	(tag) =	ssettag $0x0;
	lr =	simm.s32 $0x1  }
0x2: {  	[smem:$0x3F9F] =	sst lr;
	_ =	strace $0xD0000000  }
0x3: {  	_ = 	snop  }
0x4: {  	_ = 	snop  }
0x5: {  	_ = 	snop  }
0x6: {  	_ = 	snop  }
0x7: {  	_ = 	snop  }
__scs_overlays_trampoline_lowered:
0x8: {  	[smem:$0x3FAE] =	sst s0  }
0x9: {  	[smem:$0x3FAF] =	sst s1  }
0xa: {  	[smem:$0x3FB0] =	sst s2  }
0xb: {  	[smem:$0x3FB1] =	sst s3  }
0xc: {  	[smem:$0x3FB2] =	sst s4  }
0xd: {  	[smem:$0x3FB3] =	sst s5  }
0xe: {  	[smem:$0x3FB4] =	sst s6  }
0xf: {  	[smem:$0x3FB5] =	sst s7  }
0x10: {  	[smem:$0x3FB6] =	sst s8  }
0x11: {  	[smem:$0x3FB7] =	sst s9;
	s0 =	simm.s32 @!p0 $0x0  }
0x12: {  	s1 =	sld [smem:$0x3F9D];
	s0 =	simm.s32 @p0 $0x1  }
0x13: {  	[smem:$0x3FB8] =	sst s0;
	s0 =	simm.s32 @!p1 $0x0  }
0x14: {  	s2 =	sld [smem:$0x3F9C];
	s0 =	simm.s32 @p1 $0x1  }
0x15: {  	[smem:$0x3FB9] =	sst s0;
	s0 =	simm.s32 @!p2 $0x0  }
0x16: {  	s3 =	sld [smem:$0x3FDB];
	s0 =	simm.s32 @p2 $0x1  }
0x17: {  	s4 =	simm.s32 $0x1BF5;
	[smem:$0x3FBB] =	sst s0  }
0x18: {  	s0 =	sld [smem:$0x3F9E];
	_ =	swait.ge [sflag:s4], $0x0  }
0x19: {  	s7 =	sld [smem:$0x3F9F]  }
0x1a: {  	s8 =	sadd.s32 $0xFFFFE003, lr  }
0x1b: {  	s9 =	sadd.s32 $0xFFFFFEF7, lr;
	s5 =	simm.s32 $0xFFFFFFFF;
	p2 =	slt.u32 s8, $0xFFFFF086  }
0x1c: {  	p1 =	slt.u32 s9, $0xF7A;
	s5 =	simm.s32 @!p2 $0x0  }
0x1d: {  	s5 =	simm.s32 @p1 $0x1;
	p0 =	seq.s32 s7, s2  }
0x1e: {  	s7 =	smul.u32 @!p0 $0xF7A, s2;
	p2 =	seq.s32 @!p0 s5, $0x0  }
0x1f: {  	s9 =	smul.u32 $0xF7A, s1;
	s8 =	simm.s32 @!p0 $0x1BF5;
	p2 =	por !p2, p0  }
0x20: {  	[sflag:s8] =	ssyncset.s32 @!p0 $0xFFFFF086;
	s6 =	sadd.s32 @!p0 s3, s7;
	s7 =	simm.s32 @!p0 $0x108  }
0x21: {  	s3 =	sadd.s32 s3, s9;
	s6 =	sadd.s32 @!p0 $0x88, s6;
	s7 =	simm.s32 @p2 $0x1082  }
0x22: {  	[simem:s7], [sflag:s8] =	dma.local @!p0 [hbm:s6], $0xF7A  }
0x23: {  	s9 =	sor.u32 $0xD0000000, s2;
	s6 =	simm.s32 $0x108;
	_ =	swait.ge @!p0 [sflag:s8], $0x0  }
0x24: {  	s3 =	sadd.s32 $0x88, s3;
	s6 =	simm.s32 @!p1 $0x1082;
	[sflag:s4] =	ssyncset.s32 $0xFFFFF086  }
0x25: {  	[simem:s6], [sflag:s4] =	dma.local [hbm:s3], $0xF7A  }
0x26: {  	[smem:$0x3F9F] =	sst s1;
	(tag) =	ssettag s2;
	_ =	strace s9  }
0x27: {  	s1 =	sld [smem:$0x3FAF]  }
0x28: {  	s2 =	sld [smem:$0x3FB0]  }
0x29: {  	s4 =	sld [smem:$0x3FB2]  }
0x2a: {  	p0 =	seq.s32 s5, $0x0;
	s5 =	sld [smem:$0x3FB3]  }
0x2b: {  	s6 =	sld [smem:$0x3FB4]  }
0x2c: {  	s7 =	sld [smem:$0x3FB5]  }
0x2d: {  	s3 =	simm.s32 $0x108;
	s8 =	sld [smem:$0x3FB6]  }
0x2e: {  	s3 =	simm.s32 @!p0 $0x1082;
	s9 =	sld [smem:$0x3FB7]  }
0x2f: {  	lr =	sadd.s32 s0, s3;
	s0 =	sld [smem:$0x3FAE]  }
0x30: {  	s3 =	sld [smem:$0x3FB1]  }
0x31: {  	[smem:$0x3FBA] =	sst s10  }
0x32: {  	s10 =	sld [smem:$0x3FB8];
	_ =	sdelay $0x3  }
0x33: {  	p0 =	seq.s32 s10, $0x1;
	s10 =	sld [smem:$0x3FBA];
	_ =	sdelay $0x3  }
0x34: {  	[smem:$0x3FBA] =	sst s10  }
0x35: {  	s10 =	sld [smem:$0x3FB9];
	_ =	sdelay $0x3  }
0x36: {  	p1 =	seq.s32 s10, $0x1;
	s10 =	sld [smem:$0x3FBA];
	_ =	sdelay $0x3  }
0x37: {  	[smem:$0x3FBA] =	sst s10  }
0x38: {  	s10 =	sld [smem:$0x3FBB]  }
0x39: {  	_ = 	snop;
	(pc) =	sbr.ind lr, $3  }
0x3a: {  	_ = 	snop  }
0x3b: {  	_ = 	snop  }
0x3c: {  	p2 =	seq.s32 s10, $0x1;
	s10 =	sld [smem:$0x3FBA]  }
0x3d: {  	_ =	shalt  }
0x3e: {  	_ =	shalt  }
0x3f: {  	_ =	shalt  }
0x40: {  	_ =	shalt  }
0x41: {  	_ =	shalt  }
0x42: {  	_ =	shalt  }
0x43: {  	_ =	shalt  }
0x44: {  	_ =	shalt  }
0x45: {  	_ =	shalt  }
0x46: {  	_ =	shalt  }
0x47: {  	_ =	shalt  }
0x48: {  	_ =	shalt  }
0x49: {  	_ =	shalt  }
0x4a: {  	_ =	shalt  }
0x4b: {  	_ =	shalt  }
0x4c: {  	_ =	shalt  }
0x4d: {  	_ =	shalt  }
0x4e: {  	_ =	shalt  }
0x4f: {  	_ =	shalt  }
0x50: {  	_ =	shalt  }
0x51: {  	_ =	shalt  }
0x52: {  	_ =	shalt  }
0x53: {  	_ =	shalt  }
0x54: {  	_ =	shalt  }
0x55: {  	_ =	shalt  }
0x56: {  	_ =	shalt  }
0x57: {  	_ =	shalt  }
0x58: {  	_ =	shalt  }
0x59: {  	_ =	shalt  }
0x5a: {  	_ =	shalt  }
0x5b: {  	_ =	shalt  }
0x5c: {  	_ =	shalt  }
0x5d: {  	_ =	shalt  }
0x5e: {  	_ =	shalt  }
0x5f: {  	_ =	shalt  }
0x60: {  	_ =	shalt  }
0x61: {  	_ =	shalt  }
0x62: {  	_ =	shalt  }
0x63: {  	_ =	shalt  }
0x64: {  	_ =	shalt  }
0x65: {  	_ =	shalt  }
0x66: {  	_ =	shalt  }
0x67: {  	_ =	shalt  }
0x68: {  	_ =	shalt  }
0x69: {  	_ =	shalt  }
0x6a: {  	_ =	shalt  }
0x6b: {  	_ =	shalt  }
0x6c: {  	_ =	shalt  }
0x6d: {  	_ =	shalt  }
0x6e: {  	_ =	shalt  }
0x6f: {  	_ =	shalt  }
0x70: {  	_ =	shalt  }
0x71: {  	_ =	shalt  }
0x72: {  	_ =	shalt  }
0x73: {  	_ =	shalt  }
0x74: {  	_ =	shalt  }
0x75: {  	_ =	shalt  }
0x76: {  	_ =	shalt  }
0x77: {  	_ =	shalt  }
0x78: {  	_ =	shalt  }
0x79: {  	_ =	shalt  }
0x7a: {  	_ =	shalt  }
0x7b: {  	_ =	shalt  }
0x7c: {  	_ =	shalt  }
0x7d: {  	_ =	shalt  }
0x7e: {  	_ =	shalt  }
0x7f: {  	_ =	shalt  }
0x80: {  	_ =	shalt  }
0x81: {  	_ =	shalt  }
0x82: {  	_ =	shalt  }
0x83: {  	_ =	shalt  }
0x84: {  	_ =	shalt  }
0x85: {  	_ =	shalt  }
0x86: {  	_ =	shalt  }
0x87: {  	_ =	shalt  }
.Lfunc_end0:
.L_simem_size_0:
called_computation.1_lowered:
.L_overlay_start_0:
0x88: {  	s2 =	sld [smem:$0x3FD9]  }
0x89: {  	s3 =	sld [smem:$0x3FFE];
	_ =	sdelay $0x1  }
0x8a: {  	s1 =	srdreg.scid  }
0x8b: {  	s0 =	sand.u32 $0x1, s1  }
0x8c: {  	s17 =	sshll.u32 s0, $0xA;
	s2 =	sadd.s32 s3, s2  }
0x8d: {  	s2 =	sadd.s32 s2, s17  }
0x8e: {  	[smem:$0x3FC6] =	sst s2  }
0x8f: {  	_ = 	snop  }
0x90: {  	s2 =	sld [smem:$0x3FD0];
	(tm) =	ssettm $0x1  }
0x91: {  	s18 =	sld [smem:$0x3FFB];
	_ =	sdelay $0x3  }
0x92: {  	_ =	strace s18  }
0x93: {  	s3 =	sld [smem:$0x3FFC];
	_ =	sdelay $0x3  }
0x94: {  	_ =	strace s3  }
0x95: {  	s3 =	sld [smem:$0x3FFD];
	_ =	sdelay $0x3  }
0x96: {  	_ =	strace s3  }
0x97: {  	_ =	strace $0x8FFFFFFF  }
0x98: {  	s19 =	sld [smem:$0x3FDB];
	_ =	sdelay $0x1  }
0x99: {  	s4 =	simm.s32 $_scs_section_size  }
0x9a: {  	s5 =	simm.s32 $_size__tile_overlayer_lowered;
	s6 =	simm.s32 $_tile_overlayer_lowered  }
0x9b: {  	s22 =	simm.s32 $0x1BFF;
	s21 =	sshll.u32 s6, $0x1;
	s3 =	sadd.s32 s4, s19  }
0x9c: {  	s7 =	simm.s32 $0x0;
	s20 =	sshll.u32 s5, $0x1;
	s5 =	sadd.s32 s21, s3  }
0x9d: {  	[timem:s7], [sflag:s22] =	dma.local [hbm:s5], s20  }
0x9e: {  	_ =	swait.ge [sflag:s22], s20  }
0x9f: {  	s4 =	ssub.s32 $0x0, s20;
	[sflag:s22] =	ssyncset.done $0x0  }
0xa0: {  	[sflag:s22] =	ssyncadd.s32 s4;
	_ =	sdelay $0x1  }
0xa1: {  	s23 =	simm.s32 $0x1B8B  }
0xa2: {  	_ =	swait.ge [sflag:s23], $0x1  }
0xa3: {  	[sflag:s23] =	ssyncset.done $0x0  }
0xa4: {  	s25 =	simm.s32 $0x1B8E;
	s24 =	sld [smem:$0x3FFE];
	[sflag:s23] =	ssyncadd.s32 $0xFFFFFFFF  }
0xa5: {  	s26 =	simm.s32 $execute0_lowered;
	[smem:$0x3FD2] =	sst s25  }
0xa6: {  	s5 =	sshll.u32 s26, $0x1;
	_ =	strace $0x80000049;
	[dreg:$0x1] =	wrdreg $0xFFFFFFFF  }
0xa7: {  	s28 =	simm.s32 $_size_execute0_lowered;
	s3 =	sadd.s32 s3, s5;
	[dreg:$0x0] =	wrdreg $0x0  }
0xa8: {  	s5 =	sshll.u32 s28, $0x1;
	[dreg:$0x2] =	wrdreg s3  }
0xa9: {  	[dreg:$0x3] =	wrdreg s5  }
0xaa: {  	[dreg:$0x4] =	wrdreg $0xC0  }
0xab: {  	_ =	task [dreg:s7], $0x5FFFF  }
0xac: {  	[dreg:$0x1] =	wrdreg $0xFFFFFFFF  }
0xad: {  	[dreg:$0x0] =	wrdreg $0x60  }
0xae: {  	[dreg:$0x2] =	wrdreg s24  }
0xaf: {  	[dreg:$0x3] =	wrdreg s2  }
0xb0: {  	[dreg:$0x4] =	wrdreg $0x9  }
0xb1: {  	_ =	task.clear_ibuf [dreg:s7], $0x5FFFF;
	_ =	strace $0x90000049  }
0xb2: {  	s29 =	simm.s32 $0x9;
	_ =	strace $0x8000004B  }
0xb3: {  	_ =	swait.ge [sflag:s29], $0x1  }
0xb4: {  	[sflag:s29] =	ssyncadd.s32 $0xFFFFFFFF  }
0xb5: {  	_ =	strace $0x9000004B  }
0xb6: {  	_ =	sfence  }
0xb7: {  	s30 =	sld [smem:$0x0];
	_ =	sdelay $0x2  }
0xb8: {  	s31 =	sshll.u32 s1, $0xD;
	s1 =	sshrl.u32 s1, $0x2  }
0xb9: {  	s3 =	sand.u32 $0x4000, s31;
	s1 =	sadd.s32 s1, s30  }
0xba: {  	s0 =	sor.u32 s3, s0;
	s1 =	sshll.u32 s1, $0x11  }
0xbb: {  	s0 =	sor.u32 s1, s0  }
0xbc: {  	s0 =	sadd.s32 $0x8F2B, s0  }
0xbd: {  	[sflag:s0] =	ssyncadd.remote.s32 $0x1  }
0xbe: {  	_ =	sfence.sel $0xFFFF  }
0xbf: {  	[dreg:$0x0] =	wrdreg $0xFFFFFFFF;
	(pc) =	sbr.abs _section_cstart, $3  }
0xc0: {  	[dreg:$0x1] =	wrdreg $0xFFFFFFFF  }
0xc1: {  	_ =	task.clear_ibuf [dreg:s7], $0x2FFFF;
	_ =	strace $0x9FFFFFFF  }
0xc2: {  	(tm) =	ssettm $0x7FFFFFFF  }
0xc3: {  	_ =	shalt  }
tec
execute0_lowered:
.L_overlay_start_1:
0x0: {  	(tag) =	ssettag $0x1  }
0x1: {  	s0 =	srdreg.scid  }
0x2: {  	s2 =	stileid.u32;
	s1 =	rddreg [dreg:$0x0]  }
0x3: {  	s5 =	simm.s32 $0x0;
	s13 =	simm.s32 $0x2;
	s15 =	simm.s32 $0x1300  }
0x4: {  	s16 =	simm.s32 $0x80;
	s17 =	simm.s32 $0x6780;
	s19 =	simm.s32 $0x1  }
0x5: {  	s23 =	simm.s32 $0x6800;
	s29 =	simm.s32 $0x6880;
	s14 =	simm.s32 $0x6900  }
0x6: {  	s24 =	simm.s32 $0x6980;
	s31 =	simm.s32 $0x6A00;
	s21 =	simm.s32 $0x6A80  }
0x7: {  	s30 =	simm.s32 $0x6B00;
	s0 =	sand.u32 $0x1, s0;
	s3 =	sshll.u32 s2, $0x1  }
0x8: {  	s22 =	simm.s32 $0x0;
	s2 =	rddreg [dreg:$0x1];
	s3 =	sor.u32 s0, s3  }
0x9: {  	[smem:$0x7FF] =	sst s5;
	s5 =	sadd.s32 $0x6600, s1;
	s4 =	smul.u32 $0x3B0, s3  }
0xa: {  	s7 =	sadd.s32 $0x8600, s1;
	s0 =	ssub.s32 $0x2, s0;
	s25 =	smul.u32 $0x1D8, s3  }
0xb: {  	s8 =	sadd.s32 $0x9600, s1;
	_ =	strace $0x8000004A;
	s26 =	sshrl.u32 s0, $0x1  }
0xc: {  	p0 =	sne.s32 s3, $0x0;
	s6 =	sshrl.u32 s4, $0x3;
	s10 =	sadd.s32 s25, s1  }
0xd: {  	s11 =	sadd.s32 s6, s1;
	s6 =	sadd.s32 $0x7600, s1;
	s1 =	sadd.s32 $0xA600, s1  }
0xe: {  	v1 =	vimm.s32 $0x0;
	vm0 =	vcmask $0x300;
	v2 =	vlaneseq.u32;
	s0 =	ssub.s32 s0, s26;
	s28 =	sadd.s32 $0x1A00, s10;
	[dreg:$0x3] =	wrdreg s1  }
0xf: {  	v3 =	vsel vm0, $0x1, v1;
	vm0 =	vmmov $0x1;
	s12 =	smax.u32 s0, $0x1;
	v0 =	vmov s4;
	[dreg:$0x4] =	wrdreg s28;
	s11 =	sadd.s32 $0x5600, s11  }
.LBB2_1:
0x10: {  	s0 =	simm.s32 $0x0;
	s1 =	rddreg [dreg:$0x4]  }
0x11: {  	[tilespmem:s0], [sflag:$0x2] =	stream.linear.gather [hbm4b:s1+s0], $0xEC0, $0x38;
	[tilespmem:$0x6B80] =	vst v63  }
0x12: {  	_ =	swait.ge [sflag:s13], $0xEC0  }
0x13: {  	[sflag:s13] =	ssyncset.done $0x0  }
0x14: {  	s28 =	simm.s32 $0xF00;
	[sflag:s13] =	ssyncadd.s32 $0xFFFFF140  }
0x15: {  	[tilespmem:s28], [sflag:$0x2] =	stream.linear.gather [hbm4b:s11+s0], $0x3B0, $0x38;
	[tilespmem:$0x6B80] =	vst v63  }
0x16: {  	_ =	swait.ge [sflag:s13], $0x3B0  }
0x17: {  	[sflag:s13] =	ssyncset.done $0x0  }
0x18: {  	s1 =	simm.s32 $0x0;
	s0 =	simm.s32 $0x40;
	[sflag:s13] =	ssyncadd.s32 $0xFFFFFC50  }
.LBB2_2:
0x19: {  	p1 =	sne.s32 s0, $0x3E80;
	[tilespmem:s1+$0x2300] =	vst v1;
	s4 =	smov.u32 s0;
	s0 =	sadd.s32 $0x40, s0  }
.Ltmp0:
0x1a: {  	[tilespmem:s1+$0x3300] =	vst v1;
	(pc) =	sbr.rel @p1 .LBB2_2-.Ltmp0, $2  }
0x1b: {  	_ =	sdelay $0x2  }
0x1c: {  	s1 =	sshra.s32 s4, $0x2  }
0x1d: {  	[tilespmem:s1+$0x2300] =	vst v1  }
0x1e: {  	s0 =	simm.s32 $0x0;
	[tilespmem:s1+$0x3300] =	vst v1;
	s1 =	simm.s32 $0x0  }
.LBB2_4:
0x1f: {  	s4 =	smul.u32 $0x1F6, s1;
	_ =	sdelay $0x1  }
0x20: {  	s4 =	sadd.s32 s2, s4  }
0x21: {  	[tilespmem:s15], [sflag:$0x2] =	stream.linear.gather [hbm4b:s4+s0], $0xFB0, $0x38;
	[tilespmem:$0x6B80] =	vst v63  }
0x22: {  	_ =	swait.ge [sflag:s13], $0xFB0  }
0x23: {  	[sflag:s13] =	ssyncset.done $0x0  }
0x24: {  	s28 =	simm.s32 $0x0;
	[sflag:s13] =	ssyncadd.s32 $0xFFFFF050  }
0x25: {  	v4 =	vld [tilespmem:s28+$0x3300]  }
0x26: {  	v5 =	vld [tilespmem:s28+$0x1300];
	_ =	sdelay $0x4  }
0x27: {  	p1 =	sge.u32 s1, s3;
	v4 =	vadd.s32 v5, v4  }
0x28: {  	s20 =	simm.s32 @!p1 $0x0;
	[tilespmem:s28+$0x3300] =	vst v4  }
0x29: {  	v4 =	vld @!p1 [tilespmem:s20+$0x2300];
	_ =	sdelay $0x4  }
0x2a: {  	s18 =	simm.s32 $0x40;
	v4 =	vadd.s32 @!p1 v5, v4  }
.LBB2_5:
0x2b: {  	s4 =	sshra.s32 s18, $0x2;
	[tilespmem:s20+$0x2300] =	vst @!p1 v4;
	s20 =	smov.u32 s18  }
0x2c: {  	s18 =	sadd.s32 $0x40, s18;
	v4 =	vld [tilespmem:s4+$0x3300]  }
0x2d: {  	p2 =	sne.s32 s18, $0x3EC0;
	v5 =	vld [tilespmem:s4+$0x1300];
	_ =	sdelay $0x4  }
0x2e: {  	v4 =	vadd.s32 v5, v4  }
0x2f: {  	s20 =	sshra.s32 @!p1 s20, $0x2;
	[tilespmem:s4+$0x3300] =	vst v4  }
0x30: {  	v4 =	vld @!p1 [tilespmem:s20+$0x2300]  }
.Ltmp1:
0x31: {  	(pc) =	sbr.rel @p2 .LBB2_5-.Ltmp1, $2  }
0x32: {  	_ =	sdelay $0x2  }
0x33: {  	v4 =	vadd.s32 @!p1 v5, v4  }
0x34: {  	s1 =	sadd.s32 $0x1, s1  }
0x35: {  	p2 =	sne.s32 s1, $0x20  }
.Ltmp2:
0x36: {  	_ = 	snop;
	(pc) =	sbr.rel @p2 .LBB2_4-.Ltmp2, $2  }
0x37: {  	_ =	sdelay $0x2  }
0x38: {  	[tilespmem:s20+$0x2300] =	vst @!p1 v4  }
0x39: {  	s20 =	simm.s32 $0x0  }
0x3a: {  	v4 =	vld [tilespmem:s20+$0x3300];
	_ =	sdelay $0x1  }
0x3b: {  	s18 =	simm.s32 $0x10  }
0x3c: {  	v6 =	vld [tilespmem:s18+$0x3300];
	_ =	sdelay $0x1  }
0x3d: {  	(xrf0) =	vadd.scan.msk.s32 $0xffff, v4;
	_ =	sdelay $0x2  }
0x3e: {  	(xrf0) =	vadd.scan.msk.s32 $0xffff, v6;
	_ =	sdelay $0x2  }
0x3f: {  	v7, _, _ =	vpop (xrf0)  }
0x40: {  	(v2sf) =	vpush v7, $0xF  }
0x41: {  	s0 =	simm.s32 $0x20  }
0x42: {  	v5 =	vld [tilespmem:s0+$0x3300];
	v9 =	vsub.s32 v7, v4;
	v7, _, _ =	vpop (xrf0)  }
0x43: {  	(v2sf) =	vpush v7, $0xF;
	_ =	sdelay $0x2  }
0x44: {  	v8 =	vld [tilespmem:s20+$0x2300]  }
0x45: {  	(xrf0) =	vadd.scan.msk.s32 $0xffff, v5  }
0x46: {  	s1 =	simm.s32 $0x30  }
0x47: {  	s25 =	simm.s32 $0x0;
	v4 =	vld [tilespmem:s1+$0x3300]  }
0x48: {  	v9 =	vadd.s32 s25, v9  }
0x49: {  	s26 =	simm.s32 $0x100;
	s28 =	simm.s32 $0x140;
	[tilespmem:s20+$0x4300] =	vst v9;
	v8 =	vadd.s32 v8, v9  }
.LBB2_8:
0x4a: {  	p1 =	sne.s32 s28, $0x3E80;
	[tilespmem:s20+$0x2300] =	vst v8;
	s20 =	smov.u32 s18;
	s18 =	smov.u32 s0  }
0x4b: {  	s0 =	smov.u32 s1;
	v8, _, _ =	vpop (xrf0);
	v9 =	vld [tilespmem:s20+$0x2300]  }
.Ltmp3:
0x4c: {  	(xrf0) =	vadd.scan.msk.s32 $0xffff, v4;
	(v2sf) =	vpush v8, $0xF;
	(pc) =	sbr.rel @p1 .LBB2_8-.Ltmp3, $4  }
0x4d: {  	s1 =	sshra.s32 s26, $0x2;
	s26 =	smov.u32 s28;
	s4 =	spop (v2sf)  }
0x4e: {  	v10 =	vsub.s32 v7, v6;
	v6 =	vmovc v5;
	v7 =	vmov v8;
	v5 =	vmov v4;
	s25 =	sadd.s32 s25, s4;
	v4 =	vld [tilespmem:s1+$0x3300]  }
0x4f: {  	v8 =	vadd.s32 s25, v10  }
0x50: {  	s28 =	sadd.s32 $0x40, s28;
	[tilespmem:s20+$0x4300] =	vst v8;
	v8 =	vadd.s32 v9, v8  }
0x51: {  	[tilespmem:s20+$0x2300] =	vst v8  }
0x52: {  	v9 =	vld [tilespmem:s18+$0x2300];
	_ =	sdelay $0x1  }
0x53: {  	s9 =	spop (v2sf);
	v60, _, _ =	vpop (xrf0)  }
0x54: {  	s4 =	sshra.s32 s26, $0x2;
	v6 =	vsub.s32 v7, v6;
	s20 =	sadd.s32 s25, s9;
	(xrf0) =	vadd.scan.msk.s32 $0xffff, v4;
	(v2sf) =	vpush v60, $0xF  }
0x55: {  	v10 =	vld [tilespmem:s4+$0x3300];
	v6 =	vadd.s32 s20, v6  }
0x56: {  	[tilespmem:s18+$0x4300] =	vst v6;
	v6 =	vadd.s32 v9, v6  }
0x57: {  	[tilespmem:s18+$0x2300] =	vst v6  }
0x58: {  	v62 =	vld [tilespmem:s0+$0x2300];
	_ =	sdelay $0x1  }
0x59: {  	v61, _, _ =	vpop (xrf0);
	(xrf0) =	vadd.scan.msk.s32 $0xffff, v10;
	s10 =	spop (v2sf)  }
0x5a: {  	v5 =	vsub.s32 v60, v5;
	(v2sf) =	vpush v61, $0xF;
	s18 =	sadd.s32 s20, s10  }
0x5b: {  	v5 =	vadd.s32 s18, v5  }
0x5c: {  	[tilespmem:s0+$0x4300] =	vst v5;
	v5 =	vadd.s32 v62, v5;
	_ =	sdelay $0x2  }
0x5d: {  	[tilespmem:s0+$0x2300] =	vst v5;
	v5, _, _ =	vpop (xrf0)  }
0x5e: {  	v63 =	vld [tilespmem:s1+$0x2300];
	(v2sf) =	vpush v5, $0xF;
	_ =	sdelay $0x1  }
0x5f: {  	s20 =	spop (v2sf)  }
0x60: {  	v4 =	vsub.s32 v61, v4;
	s0 =	sadd.s32 s18, s20  }
0x61: {  	v4 =	vadd.s32 s0, v4  }
0x62: {  	[tilespmem:s1+$0x4300] =	vst v4;
	v4 =	vadd.s32 v63, v4  }
0x63: {  	[tilespmem:s1+$0x2300] =	vst v4  }
0x64: {  	v4 =	vld [tilespmem:s4+$0x2300];
	_ =	sdelay $0x1  }
0x65: {  	s25 =	spop (v2sf)  }
0x66: {  	v5 =	vsub.s32 v5, v10;
	s0 =	sadd.s32 s0, s25  }
0x67: {  	v5 =	vadd.s32 s0, v5  }
0x68: {  	[tilespmem:s4+$0x4300] =	vst v5;
	v4 =	vadd.s32 v4, v5  }
0x69: {  	s1 =	simm.s32 @!p0 $0x4300;
	s0 =	simm.s32 @!p0 $0x0;
	[tilespmem:s4+$0x2300] =	vst v4;
	s4 =	rddreg [dreg:$0x3]  }
0x6a: {  	[hbm4b:s4+s0] =	stream.linear.scatter @!p0 [tilespmem:s1], [sflag:$0x2], $0xFB0, $0x38;
	[tilespmem:$0x6B80] =	vst v63  }
0x6b: {  	s28 =	simm.s32 $0x0;
	s0 =	simm.s32 @!p0 $0x2;
	s26 =	spop (v2sf)  }
0x6c: {  	v4 =	vor.u32 s28, v2;
	_ =	swait.ge @!p0 [sflag:s0], $0xFB0  }
0x6d: {  	v4 =	vand.u32 $0x7F, v4;
	[sflag:s0] =	ssyncset.done @!p0 $0x0  }
0x6e: {  	v4 =	vor.u32 $0x7600, v4;
	[sflag:s0] =	ssyncadd.s32 @!p0 $0xFFFFF050;
	s0 =	simm.s32 $0x6300  }
0x6f: {  	s1 =	simm.s32 $0x10;
	[tilespmem:s0+$0x0] =	vst v4  }
.LBB2_10:
0x70: {  	p1 =	sne.s32 s1, $0x3F0  }
.Ltmp4:
0x71: {  	_ = 	snop;
	(pc) =	sbr.rel @p1 .LBB2_10-.Ltmp4, $4  }
0x72: {  	v4 =	vor.u32 s1, v2  }
0x73: {  	v4 =	vand.u32 $0x7F, v4  }
0x74: {  	s0 =	sadd.s32 $0x10, s0;
	v4 =	vor.u32 $0x7600, v4  }
0x75: {  	s1 =	sadd.s32 $0x10, s1;
	[tilespmem:s0+$0x0] =	vst v4  }
0x76: {  	s0 =	simm.s32 $0x0  }
0x77: {  	v4 =	vld [tilespmem:s0+$0xF00];
	_ =	sdelay $0x4  }
0x78: {  	(v2sf) =	vpush v4, $0x0;
	_ =	sdelay $0xe  }
0x79: {  	s1 =	spop (v2sf)  }
0x7a: {  	v4 =	vld [tilespmem:s1+$0x2300];
	_ =	sdelay $0x4  }
0x7b: {  	v5 =	vadd.s32 v3, v4  }
0x7c: {  	s18 =	simm.s32 $0x1;
	[tilespmem:s1+$0x2300] =	vst v5  }
0x7d: {  	v6 =	vld [tilespmem:s18+$0xF00]  }
0x7e: {  	v5 =	vld [tilespmem:s0+$0x6300];
	_ =	sdelay $0x3  }
0x7f: {  	s1 =	simm.s32 $0x8;
	(v2sf) =	vpush v6, $0x0  }
.LBB2_12:
0x80: {  	p1 =	sne.s32 s1, $0xEBC;
	v4 =	vsel vm0, v4, v5;
	s4 =	smov.u32 s1;
	s1 =	sadd.s32 $0x4, s1  }
0x81: {  	[tilespmem:s0+$0x6300] =	vst v4;
	s0 =	smov.u32 s18;
	_ =	sdelay $0xc  }
0x82: {  	s20 =	spop (v2sf)  }
0x83: {  	v4 =	vld [tilespmem:s20+$0x2300];
	_ =	sdelay $0x4  }
0x84: {  	v5 =	vadd.s32 v3, v4  }
0x85: {  	s18 =	sshra.s32 s4, $0x2;
	[tilespmem:s20+$0x2300] =	vst v5  }
0x86: {  	v6 =	vld [tilespmem:s18+$0xF00]  }
.Ltmp5:
0x87: {  	v5 =	vld [tilespmem:s0+$0x6300];
	(pc) =	sbr.rel @p1 .LBB2_12-.Ltmp5, $2  }
0x88: {  	_ =	sdelay $0x2  }
0x89: {  	(v2sf) =	vpush v6, $0x0  }
0x8a: {  	_ =	sdelay $0xc  }
0x8b: {  	v4 =	vsel vm0, v4, v5  }
0x8c: {  	[tilespmem:s0+$0x6300] =	vst v4;
	s10 =	spop (v2sf)  }
0x8d: {  	v4 =	vld [tilespmem:s10+$0x2300];
	_ =	sdelay $0x4  }
0x8e: {  	v5 =	vadd.s32 v3, v4  }
0x8f: {  	s26 =	simm.s32 $0x0;
	[tilespmem:s10+$0x2300] =	vst v5  }
0x90: {  	v6 =	vor.u32 s26, v2;
	v5 =	vld [tilespmem:s18+$0x6300]  }
0x91: {  	v7 =	vshll.u32 v6, $0x2  }
0x92: {  	v8 =	vor.u32 $0x1, v7;
	_ =	sdelay $0x2  }
0x93: {  	v4 =	vsel vm0, v4, v5  }
0x94: {  	[tilespmem:s18+$0x6300] =	vst v4  }
0x95: {  	v4 =	vld.idx.msk [tilespmem:v8+s26+$0x0], $0xffff  }
0x96: {  	v5 =	vor.u32 $0x2, v7;
	_ =	sdelay $0x2  }
0x97: {  	s28 =	simm.s32 $0x5300  }
0x98: {  	v8 =	vld.idx.msk [tilespmem:v7+s26+$0x0], $0xffff;
	[tilespmem:s28+$0x0] =	vst v4  }
0x99: {  	v4 =	vld.idx.msk [tilespmem:v5+s26+$0x0], $0xffff  }
0x9a: {  	v5 =	vor.u32 $0x3, v7;
	_ =	sdelay $0x2  }
0x9b: {  	s1 =	simm.s32 $0x5700  }
0x9c: {  	[tilespmem:s1+$0x0] =	vst v4;
	v4 =	vtrunc.f32 v8  }
0x9d: {  	s25 =	simm.s32 $0x10;
	v7 =	vld.idx.msk [tilespmem:v5+s26+$0x0], $0xffff;
	v5 =	vcvt.f32.s32 v4  }
0x9e: {  	v4 =	vor.u32 s25, v2  }
0x9f: {  	v8 =	vshll.u32 v5, $0x14;
	v5 =	vshll.u32 v4, $0x2  }
0xa0: {  	v9 =	vadd.s32 v0, v6;
	v6 =	vor.u32 $0x1, v5  }
0xa1: {  	s20 =	simm.s32 $0x5F00;
	s18 =	simm.s32 $0x5B00  }
0xa2: {  	s4 =	simm.s32 $0x20;
	s0 =	simm.s32 $0x5F10;
	[tilespmem:s18+$0x0] =	vst v7;
	v7 =	vor.u32 v9, v8;
	s18 =	simm.s32 $0x5B10  }
.LBB2_14:
0xa3: {  	s28 =	sadd.s32 $0x10, s28;
	s1 =	sadd.s32 $0x10, s1  }
0xa4: {  	[tilespmem:s20+$0x0] =	vst v7;
	s9 =	smov.u32 s4;
	s10 =	sadd.s32 $0x10, s4;
	s20 =	smov.u32 s0  }
0xa5: {  	p1 =	sne.s32 s4, $0x3A0;
	v6 =	vld.idx.msk [tilespmem:v6+s26+$0x0], $0xffff;
	_ =	sdelay $0x1  }
0xa6: {  	v7 =	vor.u32 $0x2, v5;
	_ =	sdelay $0x2  }
0xa7: {  	v8 =	vld.idx.msk [tilespmem:v5+s26+$0x0], $0xffff  }
0xa8: {  	[tilespmem:s28+$0x0] =	vst v6  }
0xa9: {  	v6 =	vld.idx.msk [tilespmem:v7+s26+$0x0], $0xffff;
	_ =	sdelay $0x1  }
0xaa: {  	v5 =	vor.u32 $0x3, v5;
	_ =	sdelay $0x1  }
0xab: {  	v7 =	vtrunc.f32 v8  }
0xac: {  	v7 =	vcvt.f32.s32 v7  }
0xad: {  	[tilespmem:s1+$0x0] =	vst v6  }
0xae: {  	v7 =	vshll.u32 v7, $0x14;
	v8 =	vld.idx.msk [tilespmem:v5+s26+$0x0], $0xffff  }
0xaf: {  	v9 =	vor.u32 s9, v2  }
.Ltmp6:
0xb0: {  	v5 =	vshll.u32 v9, $0x2;
	(pc) =	sbr.rel @p1 .LBB2_14-.Ltmp6, $3  }
0xb1: {  	v6 =	vor.u32 $0x1, v5;
	_ =	sdelay $0x1  }
0xb2: {  	v10 =	vadd.s32 v0, v4;
	v4 =	vmov v9  }
0xb3: {  	s0 =	sadd.s32 $0x10, s0;
	s4 =	smov.u32 s10;
	v7 =	vor.u32 v10, v7;
	[tilespmem:s18+$0x0] =	vst v8;
	s18 =	sadd.s32 $0x10, s18  }
0xb4: {  	_ =	sdelay $0x2  }
0xb5: {  	[tilespmem:s20+$0x0] =	vst v7  }
0xb6: {  	v6 =	vld.idx.msk [tilespmem:v6+s26+$0x0], $0xffff  }
0xb7: {  	v7 =	vor.u32 $0x2, v5;
	_ =	sdelay $0x2  }
0xb8: {  	s4 =	sadd.s32 $0x10, s28  }
0xb9: {  	v8 =	vld.idx.msk [tilespmem:v5+s26+$0x0], $0xffff;
	[tilespmem:s4+$0x0] =	vst v6  }
0xba: {  	v6 =	vld.idx.msk [tilespmem:v7+s26+$0x0], $0xffff  }
0xbb: {  	v5 =	vor.u32 $0x3, v5;
	_ =	sdelay $0x2  }
0xbc: {  	s1 =	sadd.s32 $0x10, s1  }
0xbd: {  	[tilespmem:s1+$0x0] =	vst v6  }
0xbe: {  	v5 =	vld.idx.msk [tilespmem:v5+s26+$0x0], $0xffff  }
0xbf: {  	v6 =	vtrunc.f32 v8  }
0xc0: {  	v6 =	vcvt.f32.s32 v6;
	_ =	sdelay $0x1  }
0xc1: {  	v4 =	vadd.s32 v0, v4;
	s20 =	simm.s32 $0x0;
	v6 =	vshll.u32 v6, $0x14  }
0xc2: {  	s28 =	sand.u32 $0x70, s26;
	s1 =	sand.u32 $0x380, s20;
	v4 =	vor.u32 v4, v6;
	[tilespmem:s18+$0x0] =	vst v5  }
0xc3: {  	[tilespmem:s0+$0x0] =	vst v4;
	s0 =	sor.u32 s28, s1  }
0xc4: {  	v4 =	vld [tilespmem:s0+$0x6300];
	_ =	sdelay $0x1  }
0xc5: {  	s1 =	simm.s32 $0x40  }
.LBB2_16:
0xc6: {  	s4 =	sshrl.u32 s1, $0x2;
	p1 =	sne.s32 s1, $0xFC0;
	s1 =	sadd.s32 $0x40, s1  }
.Ltmp7:
0xc7: {  	s9 =	sand.u32 $0x70, s25;
	s4 =	sand.u32 $0x380, s4;
	(pc) =	sbr.rel @p1 .LBB2_16-.Ltmp7, $3  }
0xc8: {  	[tilespmem:s0+$0x6780] =	vst v4;
	s0 =	sor.u32 s9, s4  }
0xc9: {  	v4 =	vld [tilespmem:s0+$0x6300];
	_ =	sdelay $0x1  }
0xca: {  	s25 =	sadd.s32 $0x10, s25  }
0xcb: {  	_ =	sdelay $0x1  }
0xcc: {  	s18 =	simm.s32 $0x5300;
	[tilespmem:s0+$0x6780] =	vst v4  }
0xcd: {  	[hbm4b:s5+s16] =	stream.indirect.scatter [tilespmem:s18], [sflag:$0x1], $0x1, s17, s16, $0xb8;
	[tilespmem:$0x6B80] =	vst v63  }
0xce: {  	_ =	swait.ge [sflag:s19], $0x80  }
0xcf: {  	[sflag:s19] =	ssyncset.done $0x0  }
0xd0: {  	s20 =	simm.s32 $0x5700;
	[sflag:s19] =	ssyncadd.s32 $0xFFFFFF80  }
0xd1: {  	[hbm4b:s6+s16] =	stream.indirect.scatter [tilespmem:s20], [sflag:$0x1], $0x1, s17, s16, $0xb8;
	[tilespmem:$0x6B80] =	vst v63  }
0xd2: {  	_ =	swait.ge [sflag:s19], $0x80  }
0xd3: {  	[sflag:s19] =	ssyncset.done $0x0  }
0xd4: {  	s25 =	simm.s32 $0x5B00;
	[sflag:s19] =	ssyncadd.s32 $0xFFFFFF80  }
0xd5: {  	[hbm4b:s7+s16] =	stream.indirect.scatter [tilespmem:s25], [sflag:$0x1], $0x1, s17, s16, $0xb8;
	[tilespmem:$0x6B80] =	vst v63  }
0xd6: {  	_ =	swait.ge [sflag:s19], $0x80  }
0xd7: {  	[sflag:s19] =	ssyncset.done $0x0  }
0xd8: {  	s26 =	simm.s32 $0x5F00;
	[sflag:s19] =	ssyncadd.s32 $0xFFFFFF80  }
0xd9: {  	[hbm4b:s8+s16] =	stream.indirect.scatter [tilespmem:s26], [sflag:$0x1], $0x1, s17, s16, $0xb8;
	[tilespmem:$0x6B80] =	vst v63  }
0xda: {  	_ =	swait.ge [sflag:s19], $0x80  }
0xdb: {  	[sflag:s19] =	ssyncset.done $0x0  }
0xdc: {  	s28 =	simm.s32 $0x5380;
	[sflag:s19] =	ssyncadd.s32 $0xFFFFFF80  }
0xdd: {  	[hbm4b:s5+s16] =	stream.indirect.scatter [tilespmem:s28], [sflag:$0x1], $0x1, s23, s16, $0xb8;
	[tilespmem:$0x6B80] =	vst v63  }
0xde: {  	_ =	swait.ge [sflag:s19], $0x80  }
0xdf: {  	[sflag:s19] =	ssyncset.done $0x0  }
0xe0: {  	s1 =	simm.s32 $0x5780;
	[sflag:s19] =	ssyncadd.s32 $0xFFFFFF80  }
0xe1: {  	[hbm4b:s6+s16] =	stream.indirect.scatter [tilespmem:s1], [sflag:$0x1], $0x1, s23, s16, $0xb8;
	[tilespmem:$0x6B80] =	vst v63  }
0xe2: {  	_ =	swait.ge [sflag:s19], $0x80  }
0xe3: {  	[sflag:s19] =	ssyncset.done $0x0  }
0xe4: {  	s4 =	simm.s32 $0x5B80;
	[sflag:s19] =	ssyncadd.s32 $0xFFFFFF80  }
0xe5: {  	[hbm4b:s7+s16] =	stream.indirect.scatter [tilespmem:s4], [sflag:$0x1], $0x1, s23, s16, $0xb8;
	[tilespmem:$0x6B80] =	vst v63  }
0xe6: {  	_ =	swait.ge [sflag:s19], $0x80  }
0xe7: {  	[sflag:s19] =	ssyncset.done $0x0  }
0xe8: {  	s9 =	simm.s32 $0x5F80;
	[sflag:s19] =	ssyncadd.s32 $0xFFFFFF80  }
0xe9: {  	[hbm4b:s8+s16] =	stream.indirect.scatter [tilespmem:s9], [sflag:$0x1], $0x1, s23, s16, $0xb8;
	[tilespmem:$0x6B80] =	vst v63  }
0xea: {  	_ =	swait.ge [sflag:s19], $0x80  }
0xeb: {  	[sflag:s19] =	ssyncset.done $0x0  }
0xec: {  	s10 =	simm.s32 $0x5400;
	[sflag:s19] =	ssyncadd.s32 $0xFFFFFF80  }
0xed: {  	[hbm4b:s5+s16] =	stream.indirect.scatter [tilespmem:s10], [sflag:$0x1], $0x1, s29, s16, $0xb8;
	[tilespmem:$0x6B80] =	vst v63  }
0xee: {  	_ =	swait.ge [sflag:s19], $0x80  }
0xef: {  	[sflag:s19] =	ssyncset.done $0x0  }
0xf0: {  	s18 =	simm.s32 $0x5800;
	[sflag:s19] =	ssyncadd.s32 $0xFFFFFF80  }
0xf1: {  	[hbm4b:s6+s16] =	stream.indirect.scatter [tilespmem:s18], [sflag:$0x1], $0x1, s29, s16, $0xb8;
	[tilespmem:$0x6B80] =	vst v63  }
0xf2: {  	_ =	swait.ge [sflag:s19], $0x80  }
0xf3: {  	[sflag:s19] =	ssyncset.done $0x0  }
0xf4: {  	s20 =	simm.s32 $0x5C00;
	[sflag:s19] =	ssyncadd.s32 $0xFFFFFF80  }
0xf5: {  	[hbm4b:s7+s16] =	stream.indirect.scatter [tilespmem:s20], [sflag:$0x1], $0x1, s29, s16, $0xb8;
	[tilespmem:$0x6B80] =	vst v63  }
0xf6: {  	_ =	swait.ge [sflag:s19], $0x80  }
0xf7: {  	[sflag:s19] =	ssyncset.done $0x0  }
0xf8: {  	s25 =	simm.s32 $0x6000;
	[sflag:s19] =	ssyncadd.s32 $0xFFFFFF80  }
0xf9: {  	[hbm4b:s8+s16] =	stream.indirect.scatter [tilespmem:s25], [sflag:$0x1], $0x1, s29, s16, $0xb8;
	[tilespmem:$0x6B80] =	vst v63  }
0xfa: {  	_ =	swait.ge [sflag:s19], $0x80  }
0xfb: {  	[sflag:s19] =	ssyncset.done $0x0  }
0xfc: {  	s26 =	simm.s32 $0x5480;
	[sflag:s19] =	ssyncadd.s32 $0xFFFFFF80  }
0xfd: {  	[hbm4b:s5+s16] =	stream.indirect.scatter [tilespmem:s26], [sflag:$0x1], $0x1, s14, s16, $0xb8;
	[tilespmem:$0x6B80] =	vst v63  }
0xfe: {  	_ =	swait.ge [sflag:s19], $0x80  }
0xff: {  	[sflag:s19] =	ssyncset.done $0x0  }
0x100: {  	s28 =	simm.s32 $0x5880;
	[sflag:s19] =	ssyncadd.s32 $0xFFFFFF80  }
0x101: {  	[hbm4b:s6+s16] =	stream.indirect.scatter [tilespmem:s28], [sflag:$0x1], $0x1, s14, s16, $0xb8;
	[tilespmem:$0x6B80] =	vst v63  }
0x102: {  	_ =	swait.ge [sflag:s19], $0x80  }
0x103: {  	[sflag:s19] =	ssyncset.done $0x0  }
0x104: {  	s1 =	simm.s32 $0x5C80;
	[sflag:s19] =	ssyncadd.s32 $0xFFFFFF80  }
0x105: {  	[hbm4b:s7+s16] =	stream.indirect.scatter [tilespmem:s1], [sflag:$0x1], $0x1, s14, s16, $0xb8;
	[tilespmem:$0x6B80] =	vst v63  }
0x106: {  	_ =	swait.ge [sflag:s19], $0x80  }
0x107: {  	[sflag:s19] =	ssyncset.done $0x0  }
0x108: {  	s4 =	simm.s32 $0x6080;
	[sflag:s19] =	ssyncadd.s32 $0xFFFFFF80  }
0x109: {  	[hbm4b:s8+s16] =	stream.indirect.scatter [tilespmem:s4], [sflag:$0x1], $0x1, s14, s16, $0xb8;
	[tilespmem:$0x6B80] =	vst v63  }
0x10a: {  	_ =	swait.ge [sflag:s19], $0x80  }
0x10b: {  	[sflag:s19] =	ssyncset.done $0x0  }
0x10c: {  	s9 =	simm.s32 $0x5500;
	[sflag:s19] =	ssyncadd.s32 $0xFFFFFF80  }
0x10d: {  	[hbm4b:s5+s16] =	stream.indirect.scatter [tilespmem:s9], [sflag:$0x1], $0x1, s24, s16, $0xb8;
	[tilespmem:$0x6B80] =	vst v63  }
0x10e: {  	_ =	swait.ge [sflag:s19], $0x80  }
0x10f: {  	[sflag:s19] =	ssyncset.done $0x0  }
0x110: {  	s10 =	simm.s32 $0x5900;
	[sflag:s19] =	ssyncadd.s32 $0xFFFFFF80  }
0x111: {  	[hbm4b:s6+s16] =	stream.indirect.scatter [tilespmem:s10], [sflag:$0x1], $0x1, s24, s16, $0xb8;
	[tilespmem:$0x6B80] =	vst v63  }
0x112: {  	_ =	swait.ge [sflag:s19], $0x80  }
0x113: {  	[sflag:s19] =	ssyncset.done $0x0  }
0x114: {  	s18 =	simm.s32 $0x5D00;
	[sflag:s19] =	ssyncadd.s32 $0xFFFFFF80  }
0x115: {  	[hbm4b:s7+s16] =	stream.indirect.scatter [tilespmem:s18], [sflag:$0x1], $0x1, s24, s16, $0xb8;
	[tilespmem:$0x6B80] =	vst v63  }
0x116: {  	_ =	swait.ge [sflag:s19], $0x80  }
0x117: {  	[sflag:s19] =	ssyncset.done $0x0  }
0x118: {  	s20 =	simm.s32 $0x6100;
	[sflag:s19] =	ssyncadd.s32 $0xFFFFFF80  }
0x119: {  	[hbm4b:s8+s16] =	stream.indirect.scatter [tilespmem:s20], [sflag:$0x1], $0x1, s24, s16, $0xb8;
	[tilespmem:$0x6B80] =	vst v63  }
0x11a: {  	_ =	swait.ge [sflag:s19], $0x80  }
0x11b: {  	[sflag:s19] =	ssyncset.done $0x0  }
0x11c: {  	s25 =	simm.s32 $0x5580;
	[sflag:s19] =	ssyncadd.s32 $0xFFFFFF80  }
0x11d: {  	[hbm4b:s5+s16] =	stream.indirect.scatter [tilespmem:s25], [sflag:$0x1], $0x1, s31, s16, $0xb8;
	[tilespmem:$0x6B80] =	vst v63  }
0x11e: {  	_ =	swait.ge [sflag:s19], $0x80  }
0x11f: {  	[sflag:s19] =	ssyncset.done $0x0  }
0x120: {  	s26 =	simm.s32 $0x5980;
	[sflag:s19] =	ssyncadd.s32 $0xFFFFFF80  }
0x121: {  	[hbm4b:s6+s16] =	stream.indirect.scatter [tilespmem:s26], [sflag:$0x1], $0x1, s31, s16, $0xb8;
	[tilespmem:$0x6B80] =	vst v63  }
0x122: {  	_ =	swait.ge [sflag:s19], $0x80  }
0x123: {  	[sflag:s19] =	ssyncset.done $0x0  }
0x124: {  	s28 =	simm.s32 $0x5D80;
	[sflag:s19] =	ssyncadd.s32 $0xFFFFFF80  }
0x125: {  	[hbm4b:s7+s16] =	stream.indirect.scatter [tilespmem:s28], [sflag:$0x1], $0x1, s31, s16, $0xb8;
	[tilespmem:$0x6B80] =	vst v63  }
0x126: {  	_ =	swait.ge [sflag:s19], $0x80  }
0x127: {  	[sflag:s19] =	ssyncset.done $0x0  }
0x128: {  	s1 =	simm.s32 $0x6180;
	[sflag:s19] =	ssyncadd.s32 $0xFFFFFF80  }
0x129: {  	[hbm4b:s8+s16] =	stream.indirect.scatter [tilespmem:s1], [sflag:$0x1], $0x1, s31, s16, $0xb8;
	[tilespmem:$0x6B80] =	vst v63  }
0x12a: {  	_ =	swait.ge [sflag:s19], $0x80  }
0x12b: {  	[sflag:s19] =	ssyncset.done $0x0  }
0x12c: {  	s4 =	simm.s32 $0x5600;
	[sflag:s19] =	ssyncadd.s32 $0xFFFFFF80  }
0x12d: {  	[hbm4b:s5+s16] =	stream.indirect.scatter [tilespmem:s4], [sflag:$0x1], $0x1, s21, s16, $0xb8;
	[tilespmem:$0x6B80] =	vst v63  }
0x12e: {  	_ =	swait.ge [sflag:s19], $0x80  }
0x12f: {  	[sflag:s19] =	ssyncset.done $0x0  }
0x130: {  	s9 =	simm.s32 $0x5A00;
	[sflag:s19] =	ssyncadd.s32 $0xFFFFFF80  }
0x131: {  	[hbm4b:s6+s16] =	stream.indirect.scatter [tilespmem:s9], [sflag:$0x1], $0x1, s21, s16, $0xb8;
	[tilespmem:$0x6B80] =	vst v63  }
0x132: {  	_ =	swait.ge [sflag:s19], $0x80  }
0x133: {  	[sflag:s19] =	ssyncset.done $0x0  }
0x134: {  	s10 =	simm.s32 $0x5E00;
	[sflag:s19] =	ssyncadd.s32 $0xFFFFFF80  }
0x135: {  	[hbm4b:s7+s16] =	stream.indirect.scatter [tilespmem:s10], [sflag:$0x1], $0x1, s21, s16, $0xb8;
	[tilespmem:$0x6B80] =	vst v63  }
0x136: {  	_ =	swait.ge [sflag:s19], $0x80  }
0x137: {  	[sflag:s19] =	ssyncset.done $0x0  }
0x138: {  	s18 =	simm.s32 $0x6200;
	[sflag:s19] =	ssyncadd.s32 $0xFFFFFF80  }
0x139: {  	[hbm4b:s8+s16] =	stream.indirect.scatter [tilespmem:s18], [sflag:$0x1], $0x1, s21, s16, $0xb8;
	[tilespmem:$0x6B80] =	vst v63  }
0x13a: {  	_ =	swait.ge [sflag:s19], $0x80  }
0x13b: {  	[sflag:s19] =	ssyncset.done $0x0  }
0x13c: {  	s20 =	simm.s32 $0x5680;
	[sflag:s19] =	ssyncadd.s32 $0xFFFFFF80  }
0x13d: {  	[hbm4b:s5+s16] =	stream.indirect.scatter [tilespmem:s20], [sflag:$0x1], $0x1, s30, s16, $0xb8;
	[tilespmem:$0x6B80] =	vst v63  }
0x13e: {  	_ =	swait.ge [sflag:s19], $0x80  }
0x13f: {  	[sflag:s19] =	ssyncset.done $0x0  }
0x140: {  	s25 =	simm.s32 $0x5A80;
	[sflag:s19] =	ssyncadd.s32 $0xFFFFFF80  }
0x141: {  	[hbm4b:s6+s16] =	stream.indirect.scatter [tilespmem:s25], [sflag:$0x1], $0x1, s30, s16, $0xb8;
	[tilespmem:$0x6B80] =	vst v63  }
0x142: {  	_ =	swait.ge [sflag:s19], $0x80  }
0x143: {  	[sflag:s19] =	ssyncset.done $0x0  }
0x144: {  	s26 =	simm.s32 $0x5E80;
	[sflag:s19] =	ssyncadd.s32 $0xFFFFFF80  }
0x145: {  	[hbm4b:s7+s16] =	stream.indirect.scatter [tilespmem:s26], [sflag:$0x1], $0x1, s30, s16, $0xb8;
	[tilespmem:$0x6B80] =	vst v63  }
0x146: {  	s22 =	sadd.s32 $0x1, s22;
	_ =	swait.ge [sflag:s19], $0x80  }
0x147: {  	p1 =	sne.s32 s22, s12;
	[sflag:s19] =	ssyncset.done $0x0  }
.Ltmp8:
0x148: {  	s28 =	simm.s32 $0x6280;
	[sflag:s19] =	ssyncadd.s32 $0xFFFFFF80;
	(pc) =	sbr.rel @p1 .LBB2_1-.Ltmp8, $4  }
0x149: {  	[hbm4b:s8+s16] =	stream.indirect.scatter [tilespmem:s28], [sflag:$0x1], $0x1, s30, s16, $0xb8;
	[tilespmem:$0x6B80] =	vst v63  }
0x14a: {  	_ =	swait.ge [sflag:s19], $0x80  }
0x14b: {  	[sflag:s19] =	ssyncset.done $0x0  }
0x14c: {  	[sflag:s19] =	ssyncadd.s32 $0xFFFFFF80  }
0x14d: {  	_ =	sfence.sel $0x180000  }
0x14e: {  	[bflag:$0x0] =	sbarrier.arrive $0xFFFF  }
0x14f: {  	_ =	strace $0x9000004A  }
0x150: {  	s0 =	stileid.u32;
	[bflag:$0x2] =	sbarrier.arrive $0xFFFF  }
0x151: {  	p0 =	sne.s32 s0, $0x0;
	s0 =	rddreg [dreg:$0x2]  }
0x152: {  	s0 =	sadd.s32 @!p0 $0x100000, s0  }
0x153: {  	[sflag:s0] =	ssyncadd.tile.s32 @!p0 $0x1;
	_ =	shalt  }
.Lfunc_end2:
_tile_overlayer_lowered:
.L_overlay_start_2:
0x154: {  	(tag) =	ssettag $0x2  }
0x155: {  	s0 =	rddreg [dreg:$0x0];
	s2 =	stileid.u32  }
0x156: {  	s1 =	rddreg [dreg:$0x1];
	p0 =	sne.s32 s2, $0x0  }
0x157: {  	s3 =	rddreg [dreg:$0x2];
	[bflag:$0x3] =	sbarrier.arrive $0xFFFF;
	s2 =	simm.s32 @!p0 $0x1C02  }
0x158: {  	[timem:s3], [sflag:s2] =	dma.local @!p0 [hbm:s0], s1  }
0x159: {  	s0 =	simm.s32 @!p0 $0x2  }
0x15a: {  	_ =	swait.ge @!p0 [sflag:s0], s1  }
0x15b: {  	s1 =	ssub.s32 @!p0 $0x0, s1;
	[sflag:s0] =	ssyncset.done @!p0 $0x0  }
0x15c: {  	[sflag:s0] =	ssyncadd.s32 @!p0 s1  }
0x15d: {  	[bflag:$0x3] =	sbarrier.arrive $0xFFFF  }
0x15e: {  	_ =	shalt  }

</sc_bundles>
